<compile_context>
chip_gen: v7x
topology: tpu7x:2x2x1
jax: 0.10.2.dev20260603
libtpu: 0.0.44.dev20260713+nightly
codegen_flags: <defaults>
</compile_context>

<pallas_src>
import functools

import jax
import jax.numpy as jnp
from jax import lax
from jax.experimental import pallas as pl
from jax.experimental.pallas import tpu as pltpu
from jax.experimental.pallas import tpu_sc as plsc

N = 10000
E = 320000
D = 128

NC = 2
NS = 16
NW = NC * NS
EPT = E // NW
CH = 80
NCHUNK = EPT // CH
RA = 624
TAIL = N - NS * RA
ZSRC = 80

_MESH = plsc.VectorSubcoreMesh(core_axis_name="c", subcore_axis_name="s")


def _zero_acc(sid, zero_v, acc_sh):
    base = pl.multiple_of(sid * RA, 8)
    off = 0
    while off < RA:
        step = min(ZSRC, RA - off)
        pltpu.sync_copy(zero_v.at[pl.ds(0, step)], acc_sh.at[pl.ds(base + off, step)])
        off += step

    @pl.when(sid == NS - 1)
    def _():
        pltpu.sync_copy(zero_v.at[pl.ds(0, TAIL)], acc_sh.at[pl.ds(NS * RA, TAIL)])


def _write_out(sid, cid, acc_sh, out_hbm):
    base = pl.multiple_of(sid * RA, 8)
    pltpu.sync_copy(acc_sh.at[pl.ds(base, RA)], out_hbm.at[cid, pl.ds(base, RA)])

    @pl.when(sid == NS - 1)
    def _():
        pltpu.sync_copy(acc_sh.at[pl.ds(NS * RA, TAIL)],
                        out_hbm.at[cid, pl.ds(NS * RA, TAIL)])


@functools.partial(
    pl.kernel,
    out_type=jax.ShapeDtypeStruct((NC, N, D), jnp.float32),
    mesh=_MESH,
    scratch_types=[
        pltpu.VMEM((EPT,), jnp.int32),
        pltpu.VMEM((NCHUNK, CH), jnp.int32),
        pltpu.VMEM((2, CH, D), jnp.float32),
        pltpu.VMEM_SHARED((N, D), jnp.float32),
        pltpu.SemaphoreType.DMA,
        pltpu.SemaphoreType.DMA,
        pltpu.SemaphoreType.DMA,
    ],
)
def _agg_kernel(e2, e3d, xs_hbm, out_hbm, idxs_v, idxd_v, rows_v, acc_sh,
                sem0, sem1, semi):
    cid = lax.axis_index("c")
    sid = lax.axis_index("s")
    wid = sid * NC + cid

    pltpu.sync_copy(e2.at[0, wid], idxs_v)
    pltpu.async_copy(e3d.at[wid], idxd_v, semi)

    def gidx(j):
        return idxs_v.at[pl.ds(pl.multiple_of(j * CH, 8), CH)]

    sems = (sem0, sem1)
    pltpu.async_copy(xs_hbm.at[gidx(1)], rows_v.at[1], sem1)

    def zfill(i, carry):
        rows_v[0, i // 8, pl.ds((i % 8) * 16, 16)] = jnp.zeros((16,), jnp.float32)
        return carry

    lax.fori_loop(0, CH * (D // 16), zfill, 0)

    _zero_acc(sid, rows_v.at[0], acc_sh)
    pltpu.async_copy(xs_hbm.at[gidx(0)], rows_v.at[0], sem0)
    pltpu.make_async_copy(e3d.at[wid], idxd_v, semi).wait()
    plsc.subcore_barrier()

    main_iters = (NCHUNK - 3) // 2

    def chunk(k, carry):
        for b in range(2):
            j = 2 * k + b
            pltpu.make_async_copy(xs_hbm.at[gidx(j)], rows_v.at[b], sems[b]).wait()
            pltpu.sync_copy(rows_v.at[b], acc_sh.at[idxd_v.at[j]], add=True)
            pltpu.async_copy(xs_hbm.at[gidx(j + 2)], rows_v.at[b], sems[b])
        return carry

    lax.fori_loop(0, main_iters, chunk, 0)

    for j in range(2 * main_iters, NCHUNK):
        b = j % 2
        pltpu.make_async_copy(xs_hbm.at[gidx(j)], rows_v.at[b], sems[b]).wait()
        pltpu.sync_copy(rows_v.at[b], acc_sh.at[idxd_v.at[j]], add=True)
        if j + 2 < NCHUNK:
            pltpu.async_copy(xs_hbm.at[gidx(j + 2)], rows_v.at[b], sems[b])
    plsc.subcore_barrier()

    _write_out(sid, cid, acc_sh, out_hbm)


HR = 80
HC = 128
HN = HR * HC

@functools.partial(
    pl.kernel,
    out_type=(
        jax.ShapeDtypeStruct((NW, HN), jnp.float32),
        jax.ShapeDtypeStruct((NW, HN), jnp.float32),
    ),
    mesh=_MESH,
    scratch_types=[
        pltpu.VMEM((2, EPT), jnp.int32),
        pltpu.VMEM((HN,), jnp.float32),
        pltpu.VMEM((HN,), jnp.float32),
    ],
    compiler_params=pltpu.CompilerParams(needs_layout_passes=False),
)
def _hist_kernel(e2, dego_hbm, degi_hbm, idx_v, h0, h1):
    cid = lax.axis_index("c")
    sid = lax.axis_index("s")
    wid = sid * NC + cid

    pltpu.sync_copy(e2.at[0, wid], idx_v.at[0])
    pltpu.sync_copy(e2.at[1, wid], idx_v.at[1])

    zero16 = jnp.zeros((16,), jnp.float32)

    def zfill(i, carry):
        off = pl.multiple_of(i * 16, 16)
        h0[pl.ds(off, 16)] = zero16
        h1[pl.ds(off, 16)] = zero16
        return carry

    lax.fori_loop(0, HN // 16, zfill, 0)

    ones16 = jnp.ones((16,), jnp.float32)

    def acc(i, carry):
        off = pl.multiple_of(i * 16, 16)
        plsc.addupdate_scatter(h0, [idx_v[0, pl.ds(off, 16)]], ones16)
        plsc.addupdate_scatter(h1, [idx_v[1, pl.ds(off, 16)]], ones16)
        return carry

    lax.fori_loop(0, EPT // 16, acc, 0)

    pltpu.sync_copy(h0, dego_hbm.at[wid])
    pltpu.sync_copy(h1, degi_hbm.at[wid])


def _norm_body(d0_ref, d1_ref, no_ref, ni_ref):
    dgo = jnp.sum(d0_ref[...], axis=0, keepdims=True)
    no_ref[...] = lax.rsqrt(jnp.maximum(dgo, 1.0))
    dgi = jnp.sum(d1_ref[...], axis=0, keepdims=True)
    ni_ref[...] = lax.rsqrt(jnp.maximum(dgi, 1.0))


_HB = 1024


def _norm_call(degp_o, degp_i):
    return pl.pallas_call(
        _norm_body,
        grid=(HN // _HB,),
        in_specs=[
            pl.BlockSpec((NW, _HB), lambda i: (0, i)),
            pl.BlockSpec((NW, _HB), lambda i: (0, i)),
        ],
        out_specs=[
            pl.BlockSpec((1, _HB), lambda i: (0, i)),
            pl.BlockSpec((1, _HB), lambda i: (0, i)),
        ],
        out_shape=[
            jax.ShapeDtypeStruct((1, HN), jnp.float32),
            jax.ShapeDtypeStruct((1, HN), jnp.float32),
        ],
    )(degp_o, degp_i)


_R = 1000


def _prep_body(x_ref, nout_ref, xs_ref):
    xs_ref[...] = x_ref[...] * nout_ref[...]


def _prep_call(x, nout_c):
    return pl.pallas_call(
        _prep_body,
        grid=(N // _R,),
        in_specs=[
            pl.BlockSpec((_R, D), lambda i: (i, 0)),
            pl.BlockSpec((_R, 1), lambda i: (i, 0)),
        ],
        out_specs=pl.BlockSpec((_R, D), lambda i: (i, 0)),
        out_shape=jax.ShapeDtypeStruct((N, D), jnp.float32),
    )(x, nout_c)


def _mm_body(aggp_ref, nin_ref, nout_ref, w_ref, b_ref, out_ref, *, act):
    agg = aggp_ref[0] + aggp_ref[1]
    h = jnp.dot(agg, w_ref[...], preferred_element_type=jnp.float32)
    h = h * nin_ref[...] + b_ref[...]
    if act:
        h = jnp.maximum(h, 0.0) * nout_ref[...]
    out_ref[...] = h


def _mm_call(aggp, nin_c, nout_c, w, b, act):
    return pl.pallas_call(
        functools.partial(_mm_body, act=act),
        grid=(N // _R,),
        in_specs=[
            pl.BlockSpec((NC, _R, D), lambda i: (0, i, 0)),
            pl.BlockSpec((_R, 1), lambda i: (i, 0)),
            pl.BlockSpec((_R, 1), lambda i: (i, 0)),
            pl.BlockSpec((D, D), lambda i: (0, 0)),
            pl.BlockSpec((1, D), lambda i: (0, 0)),
        ],
        out_specs=pl.BlockSpec((_R, D), lambda i: (i, 0)),
        out_shape=jax.ShapeDtypeStruct((N, D), jnp.float32),
    )(aggp, nin_c, nout_c, w, b)


@jax.jit
def kernel(x, edge_index, W1, b1, W2, b2):
    e2 = edge_index.reshape(2, NW, EPT)
    e3d = edge_index[1].reshape(NW, NCHUNK, CH)
    degp_o, degp_i = _hist_kernel(e2)
    no_mat, ni_mat = _norm_call(degp_o, degp_i)
    nout_c = no_mat.reshape(HN)[:N].reshape(N, 1)
    nin_c = ni_mat.reshape(HN)[:N].reshape(N, 1)
    xs = _prep_call(x, nout_c)
    aggp1 = _agg_kernel(e2, e3d, xs)
    hs = _mm_call(aggp1, nin_c, nout_c, W1, b1.reshape(1, D), act=True)
    aggp2 = _agg_kernel(e2, e3d, hs)
    return _mm_call(aggp2, nin_c, nout_c, W2, b2.reshape(1, D), act=False)

# --- scband reference (transcript-rebuilt; emitter-appended) ---
"""Pipeline reference for scband-dglgcn-21002390077613 (READ-ONLY COPY).

The authoritative reference and input builder live on the scoring server;
editing this copy changes nothing except your own understanding.
"""

import jax, jax.numpy as jnp
import numpy as np

N = 10000
E = 320000
D_IN = 128
D_HID = 128
D_OUT = 128


def setup_inputs(seed: int = 0) -> dict:
    key = jax.random.key(seed)
    k1, k2, k3, k4, k5, k6 = jax.random.split(key, 6)
    x = jax.random.normal(k1, (N, D_IN), dtype=jnp.float32)
    edge_index = jax.random.randint(k2, (2, E), 0, N, dtype=jnp.int32)
    W1 = jax.random.normal(k3, (D_IN, D_HID), dtype=jnp.float32) * 0.05
    b1 = jnp.zeros((D_HID,), dtype=jnp.float32)
    W2 = jax.random.normal(k4, (D_HID, D_OUT), dtype=jnp.float32) * 0.05
    b2 = jnp.zeros((D_OUT,), dtype=jnp.float32)
    return {"x": x, "edge_index": edge_index, "W1": W1, "b1": b1, "W2": W2, "b2": b2}


def _graph_conv(h, src, dst, W, b, n_nodes):
    # DGL GraphConv with norm='both': out = D_dst^{-1/2} A D_src^{-1/2} h W + b
    ones = jnp.ones((src.shape[0],), dtype=h.dtype)
    deg_out = jax.ops.segment_sum(ones, src, num_segments=n_nodes)
    deg_in = jax.ops.segment_sum(ones, dst, num_segments=n_nodes)
    norm_out = jnp.maximum(deg_out, 1.0) ** -0.5
    norm_in = jnp.maximum(deg_in, 1.0) ** -0.5
    h = h * norm_out[:, None]
    msgs = jnp.take(h, src, axis=0)
    agg = jax.ops.segment_sum(msgs, dst, num_segments=n_nodes)
    h = agg * norm_in[:, None]
    return h @ W + b


def reference(x, edge_index, W1, b1, W2, b2):
    src = edge_index[0]
    dst = edge_index[1]
    h = jax.nn.relu(_graph_conv(x, src, dst, W1, b1, N))
    out = _graph_conv(h, src, dst, W2, b2, N)
    return out

if __name__ == "__main__":
    import jax
    _d = setup_inputs()
    print(jax.jit(kernel)(*tuple(_d.values())))

</pallas_src>

<mosaic_0001>
#map = affine_map<(d0, d1) -> (0, 0, 0)>
#map1 = affine_map<(d0, d1) -> (0, 0)>
module attributes {stable_mosaic.version = 14 : i64} {
  func.func @_agg_kernel(%arg0: i32, %arg1: i32, %arg2: memref<2x32x10000xi32, #tpu.memory_space<hbm>>, %arg3: memref<32x125x80xi32, #tpu.memory_space<hbm>>, %arg4: memref<10000x128xf32, #tpu.memory_space<hbm>>, %arg5: memref<2x10000x128xf32, #tpu.memory_space<hbm>>, %arg6: memref<10000xi32, #tpu.memory_space<vmem>>, %arg7: memref<125x80xi32, #tpu.memory_space<vmem>>, %arg8: memref<2x80x128xf32, #tpu.memory_space<vmem>>, %arg9: memref<10000x128xf32, #tpu.memory_space<vmem_shared>>, %arg10: memref<!tpu.dma_semaphore, #tpu.memory_space<semaphore_mem>>, %arg11: memref<!tpu.dma_semaphore, #tpu.memory_space<semaphore_mem>>, %arg12: memref<!tpu.dma_semaphore, #tpu.memory_space<semaphore_mem>>) attributes {dimension_semantics = [#tpu.dimension_semantics<core_parallel>, #tpu.dimension_semantics<subcore_parallel>], iteration_bounds = array<i64: 2, 16>, scalar_prefetch = 0 : i64, scratch_operands = 7 : i64, tpu.core_type = #tpu.core_type<sc_vector_subcore>, window_params = [{transform_indices = #map}, {transform_indices = #map}, {transform_indices = #map1}, {transform_indices = #map}]} {
    %mul3A = arith.constant 2 : i32
    %mul3A_0 = arith.muli %arg1, %mul3A : i32
    %add3A = arith.addi %mul3A_0, %arg0 : i32
    %run_scoped3A = arith.constant 0 : i32
    "tpu.region"() ({
      %run_scoped3A_136 = tpu.sem_alloc : memref<!tpu.dma_semaphore, #tpu.memory_space<semaphore_mem>>
      %dma_start3A_137 = arith.constant 0 : i32
      %dma_start3A_138 = tpu.memref_slice %arg2[%run_scoped3A, %add3A, %dma_start3A_137] : memref<2x32x10000xi32, #tpu.memory_space<hbm>> -> memref<1x1x10000xi32, #tpu.memory_space<hbm>>
      %dma_start3A_139 = tpu.memref_squeeze %dma_start3A_138 : memref<1x1x10000xi32, #tpu.memory_space<hbm>> -> memref<10000xi32, #tpu.memory_space<hbm>>
      %dma_start3A_140 = arith.constant 0 : i32
      %dma_start3A_141 = tpu.memref_slice %arg2[%run_scoped3A, %add3A, %dma_start3A_140] : memref<2x32x10000xi32, #tpu.memory_space<hbm>> -> memref<1x1x10000xi32, #tpu.memory_space<hbm>>
      %dma_start3A_142 = tpu.memref_squeeze %dma_start3A_141 : memref<1x1x10000xi32, #tpu.memory_space<hbm>> -> memref<10000xi32, #tpu.memory_space<hbm>>
      tpu.enqueue_dma source(%dma_start3A_142 : memref<10000xi32, #tpu.memory_space<hbm>>) target(%arg6 : memref<10000xi32, #tpu.memory_space<vmem>>) target_semaphore(%run_scoped3A_136 : memref<!tpu.dma_semaphore, #tpu.memory_space<semaphore_mem>>)
      %dma_wait3A_143 = arith.constant 0 : i32
      %dma_wait3A_144 = tpu.memref_slice %arg2[%run_scoped3A, %add3A, %dma_wait3A_143] : memref<2x32x10000xi32, #tpu.memory_space<hbm>> -> memref<1x1x10000xi32, #tpu.memory_space<hbm>>
      %dma_wait3A_145 = tpu.memref_squeeze %dma_wait3A_144 : memref<1x1x10000xi32, #tpu.memory_space<hbm>> -> memref<10000xi32, #tpu.memory_space<hbm>>
      %dma_wait3A_146 = arith.constant 0 : i32
      %dma_wait3A_147 = tpu.memref_slice %arg2[%run_scoped3A, %add3A, %dma_wait3A_146] : memref<2x32x10000xi32, #tpu.memory_space<hbm>> -> memref<1x1x10000xi32, #tpu.memory_space<hbm>>
      %dma_wait3A_148 = tpu.memref_squeeze %dma_wait3A_147 : memref<1x1x10000xi32, #tpu.memory_space<hbm>> -> memref<10000xi32, #tpu.memory_space<hbm>>
      tpu.wait_dma2 semaphore(%run_scoped3A_136 : memref<!tpu.dma_semaphore, #tpu.memory_space<semaphore_mem>>) src(%dma_wait3A_148 : memref<10000xi32, #tpu.memory_space<hbm>>) dst(%arg6 : memref<10000xi32, #tpu.memory_space<vmem>>)
      tpu.yield
    }) : () -> ()
    %dma_start3A = arith.constant 0 : i32
    %dma_start3A_1 = arith.constant 0 : i32
    %dma_start3A_2 = tpu.memref_slice %arg3[%add3A, %dma_start3A, %dma_start3A_1] : memref<32x125x80xi32, #tpu.memory_space<hbm>> -> memref<1x125x80xi32, #tpu.memory_space<hbm>>
    %dma_start3A_3 = tpu.memref_squeeze %dma_start3A_2 : memref<1x125x80xi32, #tpu.memory_space<hbm>> -> memref<125x80xi32, #tpu.memory_space<hbm>>
    %dma_start3A_4 = arith.constant 0 : i32
    %dma_start3A_5 = arith.constant 0 : i32
    %dma_start3A_6 = tpu.memref_slice %arg3[%add3A, %dma_start3A_4, %dma_start3A_5] : memref<32x125x80xi32, #tpu.memory_space<hbm>> -> memref<1x125x80xi32, #tpu.memory_space<hbm>>
    %dma_start3A_7 = tpu.memref_squeeze %dma_start3A_6 : memref<1x125x80xi32, #tpu.memory_space<hbm>> -> memref<125x80xi32, #tpu.memory_space<hbm>>
    tpu.enqueue_dma source(%dma_start3A_7 : memref<125x80xi32, #tpu.memory_space<hbm>>) target(%arg7 : memref<125x80xi32, #tpu.memory_space<vmem>>) target_semaphore(%arg12 : memref<!tpu.dma_semaphore, #tpu.memory_space<semaphore_mem>>)
    %multiple_of3A = arith.constant 80 : i32
    %multiple_of3A_8 = tpu.assume_multiple %multiple_of3A, 8 : i32
    %dma_start3A_9 = arith.constant 1 : i32
    %dma_start3A_10 = arith.constant 0 : i32
    %dma_start3A_11 = arith.constant 0 : i32
    %dma_start3A_12 = tpu.memref_slice %arg8[%dma_start3A_9, %dma_start3A_10, %dma_start3A_11] : memref<2x80x128xf32, #tpu.memory_space<vmem>> -> memref<1x80x128xf32, #tpu.memory_space<vmem>>
    %dma_start3A_13 = tpu.memref_squeeze %dma_start3A_12 : memref<1x80x128xf32, #tpu.memory_space<vmem>> -> memref<80x128xf32, #tpu.memory_space<vmem>>
    %dma_start3A_14 = tpu.memref_slice %arg6[%multiple_of3A_8] : memref<10000xi32, #tpu.memory_space<vmem>> -> memref<80xi32, #tpu.memory_space<vmem>>
    %dma_start3A_15 = arith.constant 0 : i32
    %dma_start3A_16 = arith.constant 0 : i32
    %dma_start3A_17 = tpu.memref_slice %arg4[%dma_start3A_15, %dma_start3A_16] : memref<10000x128xf32, #tpu.memory_space<hbm>> -> memref<10000x128xf32, #tpu.memory_space<hbm>>
    tpu.enqueue_indirect_dma source(%dma_start3A_17 : memref<10000x128xf32, #tpu.memory_space<hbm>>) target(%dma_start3A_13 : memref<80x128xf32, #tpu.memory_space<vmem>>) offsets(%dma_start3A_14 : memref<80xi32, #tpu.memory_space<vmem>>) semaphore(%arg11 : memref<!tpu.dma_semaphore, #tpu.memory_space<semaphore_mem>>)
    %scan3A = arith.constant 0 : i32
    %scan3A_18 = arith.constant 0 : i32
    %scan3A_19 = arith.constant 640 : i32
    %scan3A_20 = arith.addi %scan3A_18, %scan3A_19 : i32
    %scan3A_21 = arith.constant 1 : i32
    scf.for %scan3A_136 = %scan3A_18 to %scan3A_20 step %scan3A_21  : i32 {
      %broadcast_in_dim3A = arith.constant 0.000000e+00 : f32
      %broadcast_in_dim3A_137 = vector.broadcast %broadcast_in_dim3A : f32 to vector<16xf32>
      %jit3A = arith.constant 8 : i32
      %div3A = arith.divsi %scan3A_136, %jit3A : i32
      %sign3A = arith.constant 0 : i32
      %sign3A_138 = arith.cmpi sgt, %scan3A_136, %sign3A : i32
      %sign3A_139 = arith.extui %sign3A_138 : i1 to i32
      %sign3A_140 = arith.constant 0 : i32
      %sign3A_141 = arith.cmpi slt, %scan3A_136, %sign3A_140 : i32
      %sign3A_142 = arith.extui %sign3A_141 : i1 to i32
      %sign3A_143 = arith.subi %sign3A_139, %sign3A_142 : i32
      %sign3A_144 = arith.constant 0 : i32
      %sign3A_145 = arith.cmpi sgt, %jit3A, %sign3A_144 : i32
      %sign3A_146 = arith.extui %sign3A_145 : i1 to i32
      %sign3A_147 = arith.constant 0 : i32
      %sign3A_148 = arith.cmpi slt, %jit3A, %sign3A_147 : i32
      %sign3A_149 = arith.extui %sign3A_148 : i1 to i32
      %sign3A_150 = arith.subi %sign3A_146, %sign3A_149 : i32
      %ne3A = arith.cmpi ne, %sign3A_143, %sign3A_150 : i32
      %rem3A = arith.remsi %scan3A_136, %jit3A : i32
      %ne3A_151 = arith.constant 0 : i32
      %ne3A_152 = arith.cmpi ne, %rem3A, %ne3A_151 : i32
      %and3A = arith.andi %ne3A, %ne3A_152 : i1
      %sub3A = arith.constant 1 : i32
      %sub3A_153 = arith.subi %div3A, %sub3A : i32
      %select_n3A = arith.select %and3A, %sub3A_153, %div3A : i32
      %jit3A_154 = arith.constant 8 : i32
      %eq3A_155 = arith.constant 0 : i32
      %eq3A_156 = arith.cmpi eq, %jit3A_154, %eq3A_155 : i32
      %jit3A_157 = arith.constant 1 : i32
      %select_n3A_158 = arith.select %eq3A_156, %jit3A_157, %jit3A_154 : i32
      %rem3A_159 = arith.remsi %scan3A_136, %select_n3A_158 : i32
      %ne3A_160 = arith.constant 0 : i32
      %ne3A_161 = arith.cmpi ne, %rem3A_159, %ne3A_160 : i32
      %lt3A = arith.constant 0 : i32
      %lt3A_162 = arith.cmpi slt, %rem3A_159, %lt3A : i32
      %lt3A_163 = arith.constant 0 : i32
      %lt3A_164 = arith.cmpi slt, %select_n3A_158, %lt3A_163 : i32
      %ne3A_165 = arith.xori %lt3A_162, %lt3A_164 : i1
      %and3A_166 = arith.andi %ne3A_165, %ne3A_161 : i1
      %add3A_167 = arith.addi %rem3A_159, %select_n3A_158 : i32
      %select_n3A_168 = arith.select %and3A_166, %add3A_167, %rem3A_159 : i32
      %mul3A_169 = arith.constant 16 : i32
      %mul3A_170 = arith.muli %select_n3A_168, %mul3A_169 : i32
      %swap3A = arith.constant 0 : i32
      %swap3A_171 = arith.index_cast %swap3A : i32 to index
      %swap3A_172 = arith.index_cast %select_n3A : i32 to index
      %swap3A_173 = arith.index_cast %mul3A_170 : i32 to index
      %swap3A_174 = tpu.vector_load %arg8[%swap3A_171, %swap3A_172, %swap3A_173] {strides = array<i32>} : memref<2x80x128xf32, #tpu.memory_space<vmem>>, vector<1x1x16xf32>,
      %swap3A_175 = vector.shape_cast %swap3A_174 : vector<1x1x16xf32> to vector<16xf32>
      %swap3A_176 = vector.shape_cast %broadcast_in_dim3A_137 : vector<16xf32> to vector<1x1x16xf32>
      tpu.vector_store %arg8[%swap3A_171, %swap3A_172, %swap3A_173], %swap3A_176 {strides = array<i32>} : memref<2x80x128xf32, #tpu.memory_space<vmem>>, vector<1x1x16xf32>,
    }
    %scan3A_22 = arith.constant 640 : i32
    %mul3A_23 = arith.constant 624 : i32
    %mul3A_24 = arith.muli %arg1, %mul3A_23 : i32
    %multiple_of3A_25 = tpu.assume_multiple %mul3A_24, 8 : i32
    %add3A_26 = arith.constant 0 : i32
    %add3A_27 = arith.addi %multiple_of3A_25, %add3A_26 : i32
    %run_scoped3A_28 = arith.constant 0 : i32
    "tpu.region"() ({
      %run_scoped3A_136 = tpu.sem_alloc : memref<!tpu.dma_semaphore, #tpu.memory_space<semaphore_mem>>
      %dma_start3A_137 = arith.constant 0 : i32
      %dma_start3A_138 = arith.constant 0 : i32
      %dma_start3A_139 = tpu.memref_slice %arg8[%run_scoped3A_28, %dma_start3A_137, %dma_start3A_138] : memref<2x80x128xf32, #tpu.memory_space<vmem>> -> memref<1x80x128xf32, #tpu.memory_space<vmem>>
      %dma_start3A_140 = tpu.memref_squeeze %dma_start3A_139 : memref<1x80x128xf32, #tpu.memory_space<vmem>> -> memref<80x128xf32, #tpu.memory_space<vmem>>
      %dma_start3A_141 = arith.constant 0 : i32
      %dma_start3A_142 = arith.constant 0 : i32
      %dma_start3A_143 = tpu.memref_slice %dma_start3A_140[%dma_start3A_141, %dma_start3A_142] : memref<80x128xf32, #tpu.memory_space<vmem>> -> memref<80x128xf32, #tpu.memory_space<vmem>>
      %dma_start3A_144 = arith.constant 0 : i32
      %dma_start3A_145 = tpu.memref_slice %arg9[%add3A_27, %dma_start3A_144] : memref<10000x128xf32, #tpu.memory_space<vmem_shared>> -> memref<80x128xf32, #tpu.memory_space<vmem_shared>>
      %dma_start3A_146 = arith.constant 0 : i32
      %dma_start3A_147 = tpu.memref_slice %arg9[%add3A_27, %dma_start3A_146] : memref<10000x128xf32, #tpu.memory_space<vmem_shared>> -> memref<80x128xf32, #tpu.memory_space<vmem_shared>>
      %dma_start3A_148 = arith.constant 0 : i32
      %dma_start3A_149 = arith.constant 0 : i32
      %dma_start3A_150 = tpu.memref_slice %arg8[%run_scoped3A_28, %dma_start3A_148, %dma_start3A_149] : memref<2x80x128xf32, #tpu.memory_space<vmem>> -> memref<1x80x128xf32, #tpu.memory_space<vmem>>
      %dma_start3A_151 = tpu.memref_squeeze %dma_start3A_150 : memref<1x80x128xf32, #tpu.memory_space<vmem>> -> memref<80x128xf32, #tpu.memory_space<vmem>>
      %dma_start3A_152 = arith.constant 0 : i32
      %dma_start3A_153 = arith.constant 0 : i32
      %dma_start3A_154 = tpu.memref_slice %dma_start3A_151[%dma_start3A_152, %dma_start3A_153] : memref<80x128xf32, #tpu.memory_space<vmem>> -> memref<80x128xf32, #tpu.memory_space<vmem>>
      tpu.enqueue_dma source(%dma_start3A_154 : memref<80x128xf32, #tpu.memory_space<vmem>>) target(%dma_start3A_147 : memref<80x128xf32, #tpu.memory_space<vmem_shared>>) target_semaphore(%run_scoped3A_136 : memref<!tpu.dma_semaphore, #tpu.memory_space<semaphore_mem>>)
      %dma_wait3A_155 = arith.constant 0 : i32
      %dma_wait3A_156 = arith.constant 0 : i32
      %dma_wait3A_157 = tpu.memref_slice %arg8[%run_scoped3A_28, %dma_wait3A_155, %dma_wait3A_156] : memref<2x80x128xf32, #tpu.memory_space<vmem>> -> memref<1x80x128xf32, #tpu.memory_space<vmem>>
      %dma_wait3A_158 = tpu.memref_squeeze %dma_wait3A_157 : memref<1x80x128xf32, #tpu.memory_space<vmem>> -> memref<80x128xf32, #tpu.memory_space<vmem>>
      %dma_wait3A_159 = arith.constant 0 : i32
      %dma_wait3A_160 = arith.constant 0 : i32
      %dma_wait3A_161 = tpu.memref_slice %dma_wait3A_158[%dma_wait3A_159, %dma_wait3A_160] : memref<80x128xf32, #tpu.memory_space<vmem>> -> memref<80x128xf32, #tpu.memory_space<vmem>>
      %dma_wait3A_162 = arith.constant 0 : i32
      %dma_wait3A_163 = tpu.memref_slice %arg9[%add3A_27, %dma_wait3A_162] : memref<10000x128xf32, #tpu.memory_space<vmem_shared>> -> memref<80x128xf32, #tpu.memory_space<vmem_shared>>
      %dma_wait3A_164 = arith.constant 0 : i32
      %dma_wait3A_165 = tpu.memref_slice %arg9[%add3A_27, %dma_wait3A_164] : memref<10000x128xf32, #tpu.memory_space<vmem_shared>> -> memref<80x128xf32, #tpu.memory_space<vmem_shared>>
      %dma_wait3A_166 = arith.constant 0 : i32
      %dma_wait3A_167 = arith.constant 0 : i32
      %dma_wait3A_168 = tpu.memref_slice %arg8[%run_scoped3A_28, %dma_wait3A_166, %dma_wait3A_167] : memref<2x80x128xf32, #tpu.memory_space<vmem>> -> memref<1x80x128xf32, #tpu.memory_space<vmem>>
      %dma_wait3A_169 = tpu.memref_squeeze %dma_wait3A_168 : memref<1x80x128xf32, #tpu.memory_space<vmem>> -> memref<80x128xf32, #tpu.memory_space<vmem>>
      %dma_wait3A_170 = arith.constant 0 : i32
      %dma_wait3A_171 = arith.constant 0 : i32
      %dma_wait3A_172 = tpu.memref_slice %dma_wait3A_169[%dma_wait3A_170, %dma_wait3A_171] : memref<80x128xf32, #tpu.memory_space<vmem>> -> memref<80x128xf32, #tpu.memory_space<vmem>>
      tpu.wait_dma2 semaphore(%run_scoped3A_136 : memref<!tpu.dma_semaphore, #tpu.memory_space<semaphore_mem>>) src(%dma_wait3A_172 : memref<80x128xf32, #tpu.memory_space<vmem>>) dst(%dma_wait3A_165 : memref<80x128xf32, #tpu.memory_space<vmem_shared>>)
      tpu.yield
    }) : () -> ()
    %add3A_29 = arith.constant 80 : i32
    %add3A_30 = arith.addi %multiple_of3A_25, %add3A_29 : i32
    %run_scoped3A_31 = arith.constant 0 : i32
    "tpu.region"() ({
      %run_scoped3A_136 = tpu.sem_alloc : memref<!tpu.dma_semaphore, #tpu.memory_space<semaphore_mem>>
      %dma_start3A_137 = arith.constant 0 : i32
      %dma_start3A_138 = arith.constant 0 : i32
      %dma_start3A_139 = tpu.memref_slice %arg8[%run_scoped3A_31, %dma_start3A_137, %dma_start3A_138] : memref<2x80x128xf32, #tpu.memory_space<vmem>> -> memref<1x80x128xf32, #tpu.memory_space<vmem>>
      %dma_start3A_140 = tpu.memref_squeeze %dma_start3A_139 : memref<1x80x128xf32, #tpu.memory_space<vmem>> -> memref<80x128xf32, #tpu.memory_space<vmem>>
      %dma_start3A_141 = arith.constant 0 : i32
      %dma_start3A_142 = arith.constant 0 : i32
      %dma_start3A_143 = tpu.memref_slice %dma_start3A_140[%dma_start3A_141, %dma_start3A_142] : memref<80x128xf32, #tpu.memory_space<vmem>> -> memref<80x128xf32, #tpu.memory_space<vmem>>
      %dma_start3A_144 = arith.constant 0 : i32
      %dma_start3A_145 = tpu.memref_slice %arg9[%add3A_30, %dma_start3A_144] : memref<10000x128xf32, #tpu.memory_space<vmem_shared>> -> memref<80x128xf32, #tpu.memory_space<vmem_shared>>
      %dma_start3A_146 = arith.constant 0 : i32
      %dma_start3A_147 = tpu.memref_slice %arg9[%add3A_30, %dma_start3A_146] : memref<10000x128xf32, #tpu.memory_space<vmem_shared>> -> memref<80x128xf32, #tpu.memory_space<vmem_shared>>
      %dma_start3A_148 = arith.constant 0 : i32
      %dma_start3A_149 = arith.constant 0 : i32
      %dma_start3A_150 = tpu.memref_slice %arg8[%run_scoped3A_31, %dma_start3A_148, %dma_start3A_149] : memref<2x80x128xf32, #tpu.memory_space<vmem>> -> memref<1x80x128xf32, #tpu.memory_space<vmem>>
      %dma_start3A_151 = tpu.memref_squeeze %dma_start3A_150 : memref<1x80x128xf32, #tpu.memory_space<vmem>> -> memref<80x128xf32, #tpu.memory_space<vmem>>
      %dma_start3A_152 = arith.constant 0 : i32
      %dma_start3A_153 = arith.constant 0 : i32
      %dma_start3A_154 = tpu.memref_slice %dma_start3A_151[%dma_start3A_152, %dma_start3A_153] : memref<80x128xf32, #tpu.memory_space<vmem>> -> memref<80x128xf32, #tpu.memory_space<vmem>>
      tpu.enqueue_dma source(%dma_start3A_154 : memref<80x128xf32, #tpu.memory_space<vmem>>) target(%dma_start3A_147 : memref<80x128xf32, #tpu.memory_space<vmem_shared>>) target_semaphore(%run_scoped3A_136 : memref<!tpu.dma_semaphore, #tpu.memory_space<semaphore_mem>>)
      %dma_wait3A_155 = arith.constant 0 : i32
      %dma_wait3A_156 = arith.constant 0 : i32
      %dma_wait3A_157 = tpu.memref_slice %arg8[%run_scoped3A_31, %dma_wait3A_155, %dma_wait3A_156] : memref<2x80x128xf32, #tpu.memory_space<vmem>> -> memref<1x80x128xf32, #tpu.memory_space<vmem>>
      %dma_wait3A_158 = tpu.memref_squeeze %dma_wait3A_157 : memref<1x80x128xf32, #tpu.memory_space<vmem>> -> memref<80x128xf32, #tpu.memory_space<vmem>>
      %dma_wait3A_159 = arith.constant 0 : i32
      %dma_wait3A_160 = arith.constant 0 : i32
      %dma_wait3A_161 = tpu.memref_slice %dma_wait3A_158[%dma_wait3A_159, %dma_wait3A_160] : memref<80x128xf32, #tpu.memory_space<vmem>> -> memref<80x128xf32, #tpu.memory_space<vmem>>
      %dma_wait3A_162 = arith.constant 0 : i32
      %dma_wait3A_163 = tpu.memref_slice %arg9[%add3A_30, %dma_wait3A_162] : memref<10000x128xf32, #tpu.memory_space<vmem_shared>> -> memref<80x128xf32, #tpu.memory_space<vmem_shared>>
      %dma_wait3A_164 = arith.constant 0 : i32
      %dma_wait3A_165 = tpu.memref_slice %arg9[%add3A_30, %dma_wait3A_164] : memref<10000x128xf32, #tpu.memory_space<vmem_shared>> -> memref<80x128xf32, #tpu.memory_space<vmem_shared>>
      %dma_wait3A_166 = arith.constant 0 : i32
      %dma_wait3A_167 = arith.constant 0 : i32
      %dma_wait3A_168 = tpu.memref_slice %arg8[%run_scoped3A_31, %dma_wait3A_166, %dma_wait3A_167] : memref<2x80x128xf32, #tpu.memory_space<vmem>> -> memref<1x80x128xf32, #tpu.memory_space<vmem>>
      %dma_wait3A_169 = tpu.memref_squeeze %dma_wait3A_168 : memref<1x80x128xf32, #tpu.memory_space<vmem>> -> memref<80x128xf32, #tpu.memory_space<vmem>>
      %dma_wait3A_170 = arith.constant 0 : i32
      %dma_wait3A_171 = arith.constant 0 : i32
      %dma_wait3A_172 = tpu.memref_slice %dma_wait3A_169[%dma_wait3A_170, %dma_wait3A_171] : memref<80x128xf32, #tpu.memory_space<vmem>> -> memref<80x128xf32, #tpu.memory_space<vmem>>
      tpu.wait_dma2 semaphore(%run_scoped3A_136 : memref<!tpu.dma_semaphore, #tpu.memory_space<semaphore_mem>>) src(%dma_wait3A_172 : memref<80x128xf32, #tpu.memory_space<vmem>>) dst(%dma_wait3A_165 : memref<80x128xf32, #tpu.memory_space<vmem_shared>>)
      tpu.yield
    }) : () -> ()
    %add3A_32 = arith.constant 160 : i32
    %add3A_33 = arith.addi %multiple_of3A_25, %add3A_32 : i32
    %run_scoped3A_34 = arith.constant 0 : i32
    "tpu.region"() ({
      %run_scoped3A_136 = tpu.sem_alloc : memref<!tpu.dma_semaphore, #tpu.memory_space<semaphore_mem>>
      %dma_start3A_137 = arith.constant 0 : i32
      %dma_start3A_138 = arith.constant 0 : i32
      %dma_start3A_139 = tpu.memref_slice %arg8[%run_scoped3A_34, %dma_start3A_137, %dma_start3A_138] : memref<2x80x128xf32, #tpu.memory_space<vmem>> -> memref<1x80x128xf32, #tpu.memory_space<vmem>>
      %dma_start3A_140 = tpu.memref_squeeze %dma_start3A_139 : memref<1x80x128xf32, #tpu.memory_space<vmem>> -> memref<80x128xf32, #tpu.memory_space<vmem>>
      %dma_start3A_141 = arith.constant 0 : i32
      %dma_start3A_142 = arith.constant 0 : i32
      %dma_start3A_143 = tpu.memref_slice %dma_start3A_140[%dma_start3A_141, %dma_start3A_142] : memref<80x128xf32, #tpu.memory_space<vmem>> -> memref<80x128xf32, #tpu.memory_space<vmem>>
      %dma_start3A_144 = arith.constant 0 : i32
      %dma_start3A_145 = tpu.memref_slice %arg9[%add3A_33, %dma_start3A_144] : memref<10000x128xf32, #tpu.memory_space<vmem_shared>> -> memref<80x128xf32, #tpu.memory_space<vmem_shared>>
      %dma_start3A_146 = arith.constant 0 : i32
      %dma_start3A_147 = tpu.memref_slice %arg9[%add3A_33, %dma_start3A_146] : memref<10000x128xf32, #tpu.memory_space<vmem_shared>> -> memref<80x128xf32, #tpu.memory_space<vmem_shared>>
      %dma_start3A_148 = arith.constant 0 : i32
      %dma_start3A_149 = arith.constant 0 : i32
      %dma_start3A_150 = tpu.memref_slice %arg8[%run_scoped3A_34, %dma_start3A_148, %dma_start3A_149] : memref<2x80x128xf32, #tpu.memory_space<vmem>> -> memref<1x80x128xf32, #tpu.memory_space<vmem>>
      %dma_start3A_151 = tpu.memref_squeeze %dma_start3A_150 : memref<1x80x128xf32, #tpu.memory_space<vmem>> -> memref<80x128xf32, #tpu.memory_space<vmem>>
      %dma_start3A_152 = arith.constant 0 : i32
      %dma_start3A_153 = arith.constant 0 : i32
      %dma_start3A_154 = tpu.memref_slice %dma_start3A_151[%dma_start3A_152, %dma_start3A_153] : memref<80x128xf32, #tpu.memory_space<vmem>> -> memref<80x128xf32, #tpu.memory_space<vmem>>
      tpu.enqueue_dma source(%dma_start3A_154 : memref<80x128xf32, #tpu.memory_space<vmem>>) target(%dma_start3A_147 : memref<80x128xf32, #tpu.memory_space<vmem_shared>>) target_semaphore(%run_scoped3A_136 : memref<!tpu.dma_semaphore, #tpu.memory_space<semaphore_mem>>)
      %dma_wait3A_155 = arith.constant 0 : i32
      %dma_wait3A_156 = arith.constant 0 : i32
      %dma_wait3A_157 = tpu.memref_slice %arg8[%run_scoped3A_34, %dma_wait3A_155, %dma_wait3A_156] : memref<2x80x128xf32, #tpu.memory_space<vmem>> -> memref<1x80x128xf32, #tpu.memory_space<vmem>>
      %dma_wait3A_158 = tpu.memref_squeeze %dma_wait3A_157 : memref<1x80x128xf32, #tpu.memory_space<vmem>> -> memref<80x128xf32, #tpu.memory_space<vmem>>
      %dma_wait3A_159 = arith.constant 0 : i32
      %dma_wait3A_160 = arith.constant 0 : i32
      %dma_wait3A_161 = tpu.memref_slice %dma_wait3A_158[%dma_wait3A_159, %dma_wait3A_160] : memref<80x128xf32, #tpu.memory_space<vmem>> -> memref<80x128xf32, #tpu.memory_space<vmem>>
      %dma_wait3A_162 = arith.constant 0 : i32
      %dma_wait3A_163 = tpu.memref_slice %arg9[%add3A_33, %dma_wait3A_162] : memref<10000x128xf32, #tpu.memory_space<vmem_shared>> -> memref<80x128xf32, #tpu.memory_space<vmem_shared>>
      %dma_wait3A_164 = arith.constant 0 : i32
      %dma_wait3A_165 = tpu.memref_slice %arg9[%add3A_33, %dma_wait3A_164] : memref<10000x128xf32, #tpu.memory_space<vmem_shared>> -> memref<80x128xf32, #tpu.memory_space<vmem_shared>>
      %dma_wait3A_166 = arith.constant 0 : i32
      %dma_wait3A_167 = arith.constant 0 : i32
      %dma_wait3A_168 = tpu.memref_slice %arg8[%run_scoped3A_34, %dma_wait3A_166, %dma_wait3A_167] : memref<2x80x128xf32, #tpu.memory_space<vmem>> -> memref<1x80x128xf32, #tpu.memory_space<vmem>>
      %dma_wait3A_169 = tpu.memref_squeeze %dma_wait3A_168 : memref<1x80x128xf32, #tpu.memory_space<vmem>> -> memref<80x128xf32, #tpu.memory_space<vmem>>
      %dma_wait3A_170 = arith.constant 0 : i32
      %dma_wait3A_171 = arith.constant 0 : i32
      %dma_wait3A_172 = tpu.memref_slice %dma_wait3A_169[%dma_wait3A_170, %dma_wait3A_171] : memref<80x128xf32, #tpu.memory_space<vmem>> -> memref<80x128xf32, #tpu.memory_space<vmem>>
      tpu.wait_dma2 semaphore(%run_scoped3A_136 : memref<!tpu.dma_semaphore, #tpu.memory_space<semaphore_mem>>) src(%dma_wait3A_172 : memref<80x128xf32, #tpu.memory_space<vmem>>) dst(%dma_wait3A_165 : memref<80x128xf32, #tpu.memory_space<vmem_shared>>)
      tpu.yield
    }) : () -> ()
    %add3A_35 = arith.constant 240 : i32
    %add3A_36 = arith.addi %multiple_of3A_25, %add3A_35 : i32
    %run_scoped3A_37 = arith.constant 0 : i32
    "tpu.region"() ({
      %run_scoped3A_136 = tpu.sem_alloc : memref<!tpu.dma_semaphore, #tpu.memory_space<semaphore_mem>>
      %dma_start3A_137 = arith.constant 0 : i32
      %dma_start3A_138 = arith.constant 0 : i32
      %dma_start3A_139 = tpu.memref_slice %arg8[%run_scoped3A_37, %dma_start3A_137, %dma_start3A_138] : memref<2x80x128xf32, #tpu.memory_space<vmem>> -> memref<1x80x128xf32, #tpu.memory_space<vmem>>
      %dma_start3A_140 = tpu.memref_squeeze %dma_start3A_139 : memref<1x80x128xf32, #tpu.memory_space<vmem>> -> memref<80x128xf32, #tpu.memory_space<vmem>>
      %dma_start3A_141 = arith.constant 0 : i32
      %dma_start3A_142 = arith.constant 0 : i32
      %dma_start3A_143 = tpu.memref_slice %dma_start3A_140[%dma_start3A_141, %dma_start3A_142] : memref<80x128xf32, #tpu.memory_space<vmem>> -> memref<80x128xf32, #tpu.memory_space<vmem>>
      %dma_start3A_144 = arith.constant 0 : i32
      %dma_start3A_145 = tpu.memref_slice %arg9[%add3A_36, %dma_start3A_144] : memref<10000x128xf32, #tpu.memory_space<vmem_shared>> -> memref<80x128xf32, #tpu.memory_space<vmem_shared>>
      %dma_start3A_146 = arith.constant 0 : i32
      %dma_start3A_147 = tpu.memref_slice %arg9[%add3A_36, %dma_start3A_146] : memref<10000x128xf32, #tpu.memory_space<vmem_shared>> -> memref<80x128xf32, #tpu.memory_space<vmem_shared>>
      %dma_start3A_148 = arith.constant 0 : i32
      %dma_start3A_149 = arith.constant 0 : i32
      %dma_start3A_150 = tpu.memref_slice %arg8[%run_scoped3A_37, %dma_start3A_148, %dma_start3A_149] : memref<2x80x128xf32, #tpu.memory_space<vmem>> -> memref<1x80x128xf32, #tpu.memory_space<vmem>>
      %dma_start3A_151 = tpu.memref_squeeze %dma_start3A_150 : memref<1x80x128xf32, #tpu.memory_space<vmem>> -> memref<80x128xf32, #tpu.memory_space<vmem>>
      %dma_start3A_152 = arith.constant 0 : i32
      %dma_start3A_153 = arith.constant 0 : i32
      %dma_start3A_154 = tpu.memref_slice %dma_start3A_151[%dma_start3A_152, %dma_start3A_153] : memref<80x128xf32, #tpu.memory_space<vmem>> -> memref<80x128xf32, #tpu.memory_space<vmem>>
      tpu.enqueue_dma source(%dma_start3A_154 : memref<80x128xf32, #tpu.memory_space<vmem>>) target(%dma_start3A_147 : memref<80x128xf32, #tpu.memory_space<vmem_shared>>) target_semaphore(%run_scoped3A_136 : memref<!tpu.dma_semaphore, #tpu.memory_space<semaphore_mem>>)
      %dma_wait3A_155 = arith.constant 0 : i32
      %dma_wait3A_156 = arith.constant 0 : i32
      %dma_wait3A_157 = tpu.memref_slice %arg8[%run_scoped3A_37, %dma_wait3A_155, %dma_wait3A_156] : memref<2x80x128xf32, #tpu.memory_space<vmem>> -> memref<1x80x128xf32, #tpu.memory_space<vmem>>
      %dma_wait3A_158 = tpu.memref_squeeze %dma_wait3A_157 : memref<1x80x128xf32, #tpu.memory_space<vmem>> -> memref<80x128xf32, #tpu.memory_space<vmem>>
      %dma_wait3A_159 = arith.constant 0 : i32
      %dma_wait3A_160 = arith.constant 0 : i32
      %dma_wait3A_161 = tpu.memref_slice %dma_wait3A_158[%dma_wait3A_159, %dma_wait3A_160] : memref<80x128xf32, #tpu.memory_space<vmem>> -> memref<80x128xf32, #tpu.memory_space<vmem>>
      %dma_wait3A_162 = arith.constant 0 : i32
      %dma_wait3A_163 = tpu.memref_slice %arg9[%add3A_36, %dma_wait3A_162] : memref<10000x128xf32, #tpu.memory_space<vmem_shared>> -> memref<80x128xf32, #tpu.memory_space<vmem_shared>>
      %dma_wait3A_164 = arith.constant 0 : i32
      %dma_wait3A_165 = tpu.memref_slice %arg9[%add3A_36, %dma_wait3A_164] : memref<10000x128xf32, #tpu.memory_space<vmem_shared>> -> memref<80x128xf32, #tpu.memory_space<vmem_shared>>
      %dma_wait3A_166 = arith.constant 0 : i32
      %dma_wait3A_167 = arith.constant 0 : i32
      %dma_wait3A_168 = tpu.memref_slice %arg8[%run_scoped3A_37, %dma_wait3A_166, %dma_wait3A_167] : memref<2x80x128xf32, #tpu.memory_space<vmem>> -> memref<1x80x128xf32, #tpu.memory_space<vmem>>
      %dma_wait3A_169 = tpu.memref_squeeze %dma_wait3A_168 : memref<1x80x128xf32, #tpu.memory_space<vmem>> -> memref<80x128xf32, #tpu.memory_space<vmem>>
      %dma_wait3A_170 = arith.constant 0 : i32
      %dma_wait3A_171 = arith.constant 0 : i32
      %dma_wait3A_172 = tpu.memref_slice %dma_wait3A_169[%dma_wait3A_170, %dma_wait3A_171] : memref<80x128xf32, #tpu.memory_space<vmem>> -> memref<80x128xf32, #tpu.memory_space<vmem>>
      tpu.wait_dma2 semaphore(%run_scoped3A_136 : memref<!tpu.dma_semaphore, #tpu.memory_space<semaphore_mem>>) src(%dma_wait3A_172 : memref<80x128xf32, #tpu.memory_space<vmem>>) dst(%dma_wait3A_165 : memref<80x128xf32, #tpu.memory_space<vmem_shared>>)
      tpu.yield
    }) : () -> ()
    %add3A_38 = arith.constant 320 : i32
    %add3A_39 = arith.addi %multiple_of3A_25, %add3A_38 : i32
    %run_scoped3A_40 = arith.constant 0 : i32
    "tpu.region"() ({
      %run_scoped3A_136 = tpu.sem_alloc : memref<!tpu.dma_semaphore, #tpu.memory_space<semaphore_mem>>
      %dma_start3A_137 = arith.constant 0 : i32
      %dma_start3A_138 = arith.constant 0 : i32
      %dma_start3A_139 = tpu.memref_slice %arg8[%run_scoped3A_40, %dma_start3A_137, %dma_start3A_138] : memref<2x80x128xf32, #tpu.memory_space<vmem>> -> memref<1x80x128xf32, #tpu.memory_space<vmem>>
      %dma_start3A_140 = tpu.memref_squeeze %dma_start3A_139 : memref<1x80x128xf32, #tpu.memory_space<vmem>> -> memref<80x128xf32, #tpu.memory_space<vmem>>
      %dma_start3A_141 = arith.constant 0 : i32
      %dma_start3A_142 = arith.constant 0 : i32
      %dma_start3A_143 = tpu.memref_slice %dma_start3A_140[%dma_start3A_141, %dma_start3A_142] : memref<80x128xf32, #tpu.memory_space<vmem>> -> memref<80x128xf32, #tpu.memory_space<vmem>>
      %dma_start3A_144 = arith.constant 0 : i32
      %dma_start3A_145 = tpu.memref_slice %arg9[%add3A_39, %dma_start3A_144] : memref<10000x128xf32, #tpu.memory_space<vmem_shared>> -> memref<80x128xf32, #tpu.memory_space<vmem_shared>>
      %dma_start3A_146 = arith.constant 0 : i32
      %dma_start3A_147 = tpu.memref_slice %arg9[%add3A_39, %dma_start3A_146] : memref<10000x128xf32, #tpu.memory_space<vmem_shared>> -> memref<80x128xf32, #tpu.memory_space<vmem_shared>>
      %dma_start3A_148 = arith.constant 0 : i32
      %dma_start3A_149 = arith.constant 0 : i32
      %dma_start3A_150 = tpu.memref_slice %arg8[%run_scoped3A_40, %dma_start3A_148, %dma_start3A_149] : memref<2x80x128xf32, #tpu.memory_space<vmem>> -> memref<1x80x128xf32, #tpu.memory_space<vmem>>
      %dma_start3A_151 = tpu.memref_squeeze %dma_start3A_150 : memref<1x80x128xf32, #tpu.memory_space<vmem>> -> memref<80x128xf32, #tpu.memory_space<vmem>>
      %dma_start3A_152 = arith.constant 0 : i32
      %dma_start3A_153 = arith.constant 0 : i32
      %dma_start3A_154 = tpu.memref_slice %dma_start3A_151[%dma_start3A_152, %dma_start3A_153] : memref<80x128xf32, #tpu.memory_space<vmem>> -> memref<80x128xf32, #tpu.memory_space<vmem>>
      tpu.enqueue_dma source(%dma_start3A_154 : memref<80x128xf32, #tpu.memory_space<vmem>>) target(%dma_start3A_147 : memref<80x128xf32, #tpu.memory_space<vmem_shared>>) target_semaphore(%run_scoped3A_136 : memref<!tpu.dma_semaphore, #tpu.memory_space<semaphore_mem>>)
      %dma_wait3A_155 = arith.constant 0 : i32
      %dma_wait3A_156 = arith.constant 0 : i32
      %dma_wait3A_157 = tpu.memref_slice %arg8[%run_scoped3A_40, %dma_wait3A_155, %dma_wait3A_156] : memref<2x80x128xf32, #tpu.memory_space<vmem>> -> memref<1x80x128xf32, #tpu.memory_space<vmem>>
      %dma_wait3A_158 = tpu.memref_squeeze %dma_wait3A_157 : memref<1x80x128xf32, #tpu.memory_space<vmem>> -> memref<80x128xf32, #tpu.memory_space<vmem>>
      %dma_wait3A_159 = arith.constant 0 : i32
      %dma_wait3A_160 = arith.constant 0 : i32
      %dma_wait3A_161 = tpu.memref_slice %dma_wait3A_158[%dma_wait3A_159, %dma_wait3A_160] : memref<80x128xf32, #tpu.memory_space<vmem>> -> memref<80x128xf32, #tpu.memory_space<vmem>>
      %dma_wait3A_162 = arith.constant 0 : i32
      %dma_wait3A_163 = tpu.memref_slice %arg9[%add3A_39, %dma_wait3A_162] : memref<10000x128xf32, #tpu.memory_space<vmem_shared>> -> memref<80x128xf32, #tpu.memory_space<vmem_shared>>
      %dma_wait3A_164 = arith.constant 0 : i32
      %dma_wait3A_165 = tpu.memref_slice %arg9[%add3A_39, %dma_wait3A_164] : memref<10000x128xf32, #tpu.memory_space<vmem_shared>> -> memref<80x128xf32, #tpu.memory_space<vmem_shared>>
      %dma_wait3A_166 = arith.constant 0 : i32
      %dma_wait3A_167 = arith.constant 0 : i32
      %dma_wait3A_168 = tpu.memref_slice %arg8[%run_scoped3A_40, %dma_wait3A_166, %dma_wait3A_167] : memref<2x80x128xf32, #tpu.memory_space<vmem>> -> memref<1x80x128xf32, #tpu.memory_space<vmem>>
      %dma_wait3A_169 = tpu.memref_squeeze %dma_wait3A_168 : memref<1x80x128xf32, #tpu.memory_space<vmem>> -> memref<80x128xf32, #tpu.memory_space<vmem>>
      %dma_wait3A_170 = arith.constant 0 : i32
      %dma_wait3A_171 = arith.constant 0 : i32
      %dma_wait3A_172 = tpu.memref_slice %dma_wait3A_169[%dma_wait3A_170, %dma_wait3A_171] : memref<80x128xf32, #tpu.memory_space<vmem>> -> memref<80x128xf32, #tpu.memory_space<vmem>>
      tpu.wait_dma2 semaphore(%run_scoped3A_136 : memref<!tpu.dma_semaphore, #tpu.memory_space<semaphore_mem>>) src(%dma_wait3A_172 : memref<80x128xf32, #tpu.memory_space<vmem>>) dst(%dma_wait3A_165 : memref<80x128xf32, #tpu.memory_space<vmem_shared>>)
      tpu.yield
    }) : () -> ()
    %add3A_41 = arith.constant 400 : i32
    %add3A_42 = arith.addi %multiple_of3A_25, %add3A_41 : i32
    %run_scoped3A_43 = arith.constant 0 : i32
    "tpu.region"() ({
      %run_scoped3A_136 = tpu.sem_alloc : memref<!tpu.dma_semaphore, #tpu.memory_space<semaphore_mem>>
      %dma_start3A_137 = arith.constant 0 : i32
      %dma_start3A_138 = arith.constant 0 : i32
      %dma_start3A_139 = tpu.memref_slice %arg8[%run_scoped3A_43, %dma_start3A_137, %dma_start3A_138] : memref<2x80x128xf32, #tpu.memory_space<vmem>> -> memref<1x80x128xf32, #tpu.memory_space<vmem>>
      %dma_start3A_140 = tpu.memref_squeeze %dma_start3A_139 : memref<1x80x128xf32, #tpu.memory_space<vmem>> -> memref<80x128xf32, #tpu.memory_space<vmem>>
      %dma_start3A_141 = arith.constant 0 : i32
      %dma_start3A_142 = arith.constant 0 : i32
      %dma_start3A_143 = tpu.memref_slice %dma_start3A_140[%dma_start3A_141, %dma_start3A_142] : memref<80x128xf32, #tpu.memory_space<vmem>> -> memref<80x128xf32, #tpu.memory_space<vmem>>
      %dma_start3A_144 = arith.constant 0 : i32
      %dma_start3A_145 = tpu.memref_slice %arg9[%add3A_42, %dma_start3A_144] : memref<10000x128xf32, #tpu.memory_space<vmem_shared>> -> memref<80x128xf32, #tpu.memory_space<vmem_shared>>
      %dma_start3A_146 = arith.constant 0 : i32
      %dma_start3A_147 = tpu.memref_slice %arg9[%add3A_42, %dma_start3A_146] : memref<10000x128xf32, #tpu.memory_space<vmem_shared>> -> memref<80x128xf32, #tpu.memory_space<vmem_shared>>
      %dma_start3A_148 = arith.constant 0 : i32
      %dma_start3A_149 = arith.constant 0 : i32
      %dma_start3A_150 = tpu.memref_slice %arg8[%run_scoped3A_43, %dma_start3A_148, %dma_start3A_149] : memref<2x80x128xf32, #tpu.memory_space<vmem>> -> memref<1x80x128xf32, #tpu.memory_space<vmem>>
      %dma_start3A_151 = tpu.memref_squeeze %dma_start3A_150 : memref<1x80x128xf32, #tpu.memory_space<vmem>> -> memref<80x128xf32, #tpu.memory_space<vmem>>
      %dma_start3A_152 = arith.constant 0 : i32
      %dma_start3A_153 = arith.constant 0 : i32
      %dma_start3A_154 = tpu.memref_slice %dma_start3A_151[%dma_start3A_152, %dma_start3A_153] : memref<80x128xf32, #tpu.memory_space<vmem>> -> memref<80x128xf32, #tpu.memory_space<vmem>>
      tpu.enqueue_dma source(%dma_start3A_154 : memref<80x128xf32, #tpu.memory_space<vmem>>) target(%dma_start3A_147 : memref<80x128xf32, #tpu.memory_space<vmem_shared>>) target_semaphore(%run_scoped3A_136 : memref<!tpu.dma_semaphore, #tpu.memory_space<semaphore_mem>>)
      %dma_wait3A_155 = arith.constant 0 : i32
      %dma_wait3A_156 = arith.constant 0 : i32
      %dma_wait3A_157 = tpu.memref_slice %arg8[%run_scoped3A_43, %dma_wait3A_155, %dma_wait3A_156] : memref<2x80x128xf32, #tpu.memory_space<vmem>> -> memref<1x80x128xf32, #tpu.memory_space<vmem>>
      %dma_wait3A_158 = tpu.memref_squeeze %dma_wait3A_157 : memref<1x80x128xf32, #tpu.memory_space<vmem>> -> memref<80x128xf32, #tpu.memory_space<vmem>>
      %dma_wait3A_159 = arith.constant 0 : i32
      %dma_wait3A_160 = arith.constant 0 : i32
      %dma_wait3A_161 = tpu.memref_slice %dma_wait3A_158[%dma_wait3A_159, %dma_wait3A_160] : memref<80x128xf32, #tpu.memory_space<vmem>> -> memref<80x128xf32, #tpu.memory_space<vmem>>
      %dma_wait3A_162 = arith.constant 0 : i32
      %dma_wait3A_163 = tpu.memref_slice %arg9[%add3A_42, %dma_wait3A_162] : memref<10000x128xf32, #tpu.memory_space<vmem_shared>> -> memref<80x128xf32, #tpu.memory_space<vmem_shared>>
      %dma_wait3A_164 = arith.constant 0 : i32
      %dma_wait3A_165 = tpu.memref_slice %arg9[%add3A_42, %dma_wait3A_164] : memref<10000x128xf32, #tpu.memory_space<vmem_shared>> -> memref<80x128xf32, #tpu.memory_space<vmem_shared>>
      %dma_wait3A_166 = arith.constant 0 : i32
      %dma_wait3A_167 = arith.constant 0 : i32
      %dma_wait3A_168 = tpu.memref_slice %arg8[%run_scoped3A_43, %dma_wait3A_166, %dma_wait3A_167] : memref<2x80x128xf32, #tpu.memory_space<vmem>> -> memref<1x80x128xf32, #tpu.memory_space<vmem>>
      %dma_wait3A_169 = tpu.memref_squeeze %dma_wait3A_168 : memref<1x80x128xf32, #tpu.memory_space<vmem>> -> memref<80x128xf32, #tpu.memory_space<vmem>>
      %dma_wait3A_170 = arith.constant 0 : i32
      %dma_wait3A_171 = arith.constant 0 : i32
      %dma_wait3A_172 = tpu.memref_slice %dma_wait3A_169[%dma_wait3A_170, %dma_wait3A_171] : memref<80x128xf32, #tpu.memory_space<vmem>> -> memref<80x128xf32, #tpu.memory_space<vmem>>
      tpu.wait_dma2 semaphore(%run_scoped3A_136 : memref<!tpu.dma_semaphore, #tpu.memory_space<semaphore_mem>>) src(%dma_wait3A_172 : memref<80x128xf32, #tpu.memory_space<vmem>>) dst(%dma_wait3A_165 : memref<80x128xf32, #tpu.memory_space<vmem_shared>>)
      tpu.yield
    }) : () -> ()
    %add3A_44 = arith.constant 480 : i32
    %add3A_45 = arith.addi %multiple_of3A_25, %add3A_44 : i32
    %run_scoped3A_46 = arith.constant 0 : i32
    "tpu.region"() ({
      %run_scoped3A_136 = tpu.sem_alloc : memref<!tpu.dma_semaphore, #tpu.memory_space<semaphore_mem>>
      %dma_start3A_137 = arith.constant 0 : i32
      %dma_start3A_138 = arith.constant 0 : i32
      %dma_start3A_139 = tpu.memref_slice %arg8[%run_scoped3A_46, %dma_start3A_137, %dma_start3A_138] : memref<2x80x128xf32, #tpu.memory_space<vmem>> -> memref<1x80x128xf32, #tpu.memory_space<vmem>>
      %dma_start3A_140 = tpu.memref_squeeze %dma_start3A_139 : memref<1x80x128xf32, #tpu.memory_space<vmem>> -> memref<80x128xf32, #tpu.memory_space<vmem>>
      %dma_start3A_141 = arith.constant 0 : i32
      %dma_start3A_142 = arith.constant 0 : i32
      %dma_start3A_143 = tpu.memref_slice %dma_start3A_140[%dma_start3A_141, %dma_start3A_142] : memref<80x128xf32, #tpu.memory_space<vmem>> -> memref<80x128xf32, #tpu.memory_space<vmem>>
      %dma_start3A_144 = arith.constant 0 : i32
      %dma_start3A_145 = tpu.memref_slice %arg9[%add3A_45, %dma_start3A_144] : memref<10000x128xf32, #tpu.memory_space<vmem_shared>> -> memref<80x128xf32, #tpu.memory_space<vmem_shared>>
      %dma_start3A_146 = arith.constant 0 : i32
      %dma_start3A_147 = tpu.memref_slice %arg9[%add3A_45, %dma_start3A_146] : memref<10000x128xf32, #tpu.memory_space<vmem_shared>> -> memref<80x128xf32, #tpu.memory_space<vmem_shared>>
      %dma_start3A_148 = arith.constant 0 : i32
      %dma_start3A_149 = arith.constant 0 : i32
      %dma_start3A_150 = tpu.memref_slice %arg8[%run_scoped3A_46, %dma_start3A_148, %dma_start3A_149] : memref<2x80x128xf32, #tpu.memory_space<vmem>> -> memref<1x80x128xf32, #tpu.memory_space<vmem>>
      %dma_start3A_151 = tpu.memref_squeeze %dma_start3A_150 : memref<1x80x128xf32, #tpu.memory_space<vmem>> -> memref<80x128xf32, #tpu.memory_space<vmem>>
      %dma_start3A_152 = arith.constant 0 : i32
      %dma_start3A_153 = arith.constant 0 : i32
      %dma_start3A_154 = tpu.memref_slice %dma_start3A_151[%dma_start3A_152, %dma_start3A_153] : memref<80x128xf32, #tpu.memory_space<vmem>> -> memref<80x128xf32, #tpu.memory_space<vmem>>
      tpu.enqueue_dma source(%dma_start3A_154 : memref<80x128xf32, #tpu.memory_space<vmem>>) target(%dma_start3A_147 : memref<80x128xf32, #tpu.memory_space<vmem_shared>>) target_semaphore(%run_scoped3A_136 : memref<!tpu.dma_semaphore, #tpu.memory_space<semaphore_mem>>)
      %dma_wait3A_155 = arith.constant 0 : i32
      %dma_wait3A_156 = arith.constant 0 : i32
      %dma_wait3A_157 = tpu.memref_slice %arg8[%run_scoped3A_46, %dma_wait3A_155, %dma_wait3A_156] : memref<2x80x128xf32, #tpu.memory_space<vmem>> -> memref<1x80x128xf32, #tpu.memory_space<vmem>>
      %dma_wait3A_158 = tpu.memref_squeeze %dma_wait3A_157 : memref<1x80x128xf32, #tpu.memory_space<vmem>> -> memref<80x128xf32, #tpu.memory_space<vmem>>
      %dma_wait3A_159 = arith.constant 0 : i32
      %dma_wait3A_160 = arith.constant 0 : i32
      %dma_wait3A_161 = tpu.memref_slice %dma_wait3A_158[%dma_wait3A_159, %dma_wait3A_160] : memref<80x128xf32, #tpu.memory_space<vmem>> -> memref<80x128xf32, #tpu.memory_space<vmem>>
      %dma_wait3A_162 = arith.constant 0 : i32
      %dma_wait3A_163 = tpu.memref_slice %arg9[%add3A_45, %dma_wait3A_162] : memref<10000x128xf32, #tpu.memory_space<vmem_shared>> -> memref<80x128xf32, #tpu.memory_space<vmem_shared>>
      %dma_wait3A_164 = arith.constant 0 : i32
      %dma_wait3A_165 = tpu.memref_slice %arg9[%add3A_45, %dma_wait3A_164] : memref<10000x128xf32, #tpu.memory_space<vmem_shared>> -> memref<80x128xf32, #tpu.memory_space<vmem_shared>>
      %dma_wait3A_166 = arith.constant 0 : i32
      %dma_wait3A_167 = arith.constant 0 : i32
      %dma_wait3A_168 = tpu.memref_slice %arg8[%run_scoped3A_46, %dma_wait3A_166, %dma_wait3A_167] : memref<2x80x128xf32, #tpu.memory_space<vmem>> -> memref<1x80x128xf32, #tpu.memory_space<vmem>>
      %dma_wait3A_169 = tpu.memref_squeeze %dma_wait3A_168 : memref<1x80x128xf32, #tpu.memory_space<vmem>> -> memref<80x128xf32, #tpu.memory_space<vmem>>
      %dma_wait3A_170 = arith.constant 0 : i32
      %dma_wait3A_171 = arith.constant 0 : i32
      %dma_wait3A_172 = tpu.memref_slice %dma_wait3A_169[%dma_wait3A_170, %dma_wait3A_171] : memref<80x128xf32, #tpu.memory_space<vmem>> -> memref<80x128xf32, #tpu.memory_space<vmem>>
      tpu.wait_dma2 semaphore(%run_scoped3A_136 : memref<!tpu.dma_semaphore, #tpu.memory_space<semaphore_mem>>) src(%dma_wait3A_172 : memref<80x128xf32, #tpu.memory_space<vmem>>) dst(%dma_wait3A_165 : memref<80x128xf32, #tpu.memory_space<vmem_shared>>)
      tpu.yield
    }) : () -> ()
    %add3A_47 = arith.constant 560 : i32
    %add3A_48 = arith.addi %multiple_of3A_25, %add3A_47 : i32
    %run_scoped3A_49 = arith.constant 0 : i32
    "tpu.region"() ({
      %run_scoped3A_136 = tpu.sem_alloc : memref<!tpu.dma_semaphore, #tpu.memory_space<semaphore_mem>>
      %dma_start3A_137 = arith.constant 0 : i32
      %dma_start3A_138 = arith.constant 0 : i32
      %dma_start3A_139 = tpu.memref_slice %arg8[%run_scoped3A_49, %dma_start3A_137, %dma_start3A_138] : memref<2x80x128xf32, #tpu.memory_space<vmem>> -> memref<1x80x128xf32, #tpu.memory_space<vmem>>
      %dma_start3A_140 = tpu.memref_squeeze %dma_start3A_139 : memref<1x80x128xf32, #tpu.memory_space<vmem>> -> memref<80x128xf32, #tpu.memory_space<vmem>>
      %dma_start3A_141 = arith.constant 0 : i32
      %dma_start3A_142 = arith.constant 0 : i32
      %dma_start3A_143 = tpu.memref_slice %dma_start3A_140[%dma_start3A_141, %dma_start3A_142] : memref<80x128xf32, #tpu.memory_space<vmem>> -> memref<64x128xf32, #tpu.memory_space<vmem>>
      %dma_start3A_144 = arith.constant 0 : i32
      %dma_start3A_145 = tpu.memref_slice %arg9[%add3A_48, %dma_start3A_144] : memref<10000x128xf32, #tpu.memory_space<vmem_shared>> -> memref<64x128xf32, #tpu.memory_space<vmem_shared>>
      %dma_start3A_146 = arith.constant 0 : i32
      %dma_start3A_147 = tpu.memref_slice %arg9[%add3A_48, %dma_start3A_146] : memref<10000x128xf32, #tpu.memory_space<vmem_shared>> -> memref<64x128xf32, #tpu.memory_space<vmem_shared>>
      %dma_start3A_148 = arith.constant 0 : i32
      %dma_start3A_149 = arith.constant 0 : i32
      %dma_start3A_150 = tpu.memref_slice %arg8[%run_scoped3A_49, %dma_start3A_148, %dma_start3A_149] : memref<2x80x128xf32, #tpu.memory_space<vmem>> -> memref<1x80x128xf32, #tpu.memory_space<vmem>>
      %dma_start3A_151 = tpu.memref_squeeze %dma_start3A_150 : memref<1x80x128xf32, #tpu.memory_space<vmem>> -> memref<80x128xf32, #tpu.memory_space<vmem>>
      %dma_start3A_152 = arith.constant 0 : i32
      %dma_start3A_153 = arith.constant 0 : i32
      %dma_start3A_154 = tpu.memref_slice %dma_start3A_151[%dma_start3A_152, %dma_start3A_153] : memref<80x128xf32, #tpu.memory_space<vmem>> -> memref<64x128xf32, #tpu.memory_space<vmem>>
      tpu.enqueue_dma source(%dma_start3A_154 : memref<64x128xf32, #tpu.memory_space<vmem>>) target(%dma_start3A_147 : memref<64x128xf32, #tpu.memory_space<vmem_shared>>) target_semaphore(%run_scoped3A_136 : memref<!tpu.dma_semaphore, #tpu.memory_space<semaphore_mem>>)
      %dma_wait3A_155 = arith.constant 0 : i32
      %dma_wait3A_156 = arith.constant 0 : i32
      %dma_wait3A_157 = tpu.memref_slice %arg8[%run_scoped3A_49, %dma_wait3A_155, %dma_wait3A_156] : memref<2x80x128xf32, #tpu.memory_space<vmem>> -> memref<1x80x128xf32, #tpu.memory_space<vmem>>
      %dma_wait3A_158 = tpu.memref_squeeze %dma_wait3A_157 : memref<1x80x128xf32, #tpu.memory_space<vmem>> -> memref<80x128xf32, #tpu.memory_space<vmem>>
      %dma_wait3A_159 = arith.constant 0 : i32
      %dma_wait3A_160 = arith.constant 0 : i32
      %dma_wait3A_161 = tpu.memref_slice %dma_wait3A_158[%dma_wait3A_159, %dma_wait3A_160] : memref<80x128xf32, #tpu.memory_space<vmem>> -> memref<64x128xf32, #tpu.memory_space<vmem>>
      %dma_wait3A_162 = arith.constant 0 : i32
      %dma_wait3A_163 = tpu.memref_slice %arg9[%add3A_48, %dma_wait3A_162] : memref<10000x128xf32, #tpu.memory_space<vmem_shared>> -> memref<64x128xf32, #tpu.memory_space<vmem_shared>>
      %dma_wait3A_164 = arith.constant 0 : i32
      %dma_wait3A_165 = tpu.memref_slice %arg9[%add3A_48, %dma_wait3A_164] : memref<10000x128xf32, #tpu.memory_space<vmem_shared>> -> memref<64x128xf32, #tpu.memory_space<vmem_shared>>
      %dma_wait3A_166 = arith.constant 0 : i32
      %dma_wait3A_167 = arith.constant 0 : i32
      %dma_wait3A_168 = tpu.memref_slice %arg8[%run_scoped3A_49, %dma_wait3A_166, %dma_wait3A_167] : memref<2x80x128xf32, #tpu.memory_space<vmem>> -> memref<1x80x128xf32, #tpu.memory_space<vmem>>
      %dma_wait3A_169 = tpu.memref_squeeze %dma_wait3A_168 : memref<1x80x128xf32, #tpu.memory_space<vmem>> -> memref<80x128xf32, #tpu.memory_space<vmem>>
      %dma_wait3A_170 = arith.constant 0 : i32
      %dma_wait3A_171 = arith.constant 0 : i32
      %dma_wait3A_172 = tpu.memref_slice %dma_wait3A_169[%dma_wait3A_170, %dma_wait3A_171] : memref<80x128xf32, #tpu.memory_space<vmem>> -> memref<64x128xf32, #tpu.memory_space<vmem>>
      tpu.wait_dma2 semaphore(%run_scoped3A_136 : memref<!tpu.dma_semaphore, #tpu.memory_space<semaphore_mem>>) src(%dma_wait3A_172 : memref<64x128xf32, #tpu.memory_space<vmem>>) dst(%dma_wait3A_165 : memref<64x128xf32, #tpu.memory_space<vmem_shared>>)
      tpu.yield
    }) : () -> ()
    %eq3A = arith.constant 15 : i32
    %eq3A_50 = arith.cmpi eq, %arg1, %eq3A : i32
    %convert_element_type3A = arith.extui %eq3A_50 : i1 to i32
    %cond3A = arith.constant 0 : i32
    %cond3A_51 = arith.constant 0 : i32
    %cond3A_52 = arith.cmpi ne, %convert_element_type3A, %cond3A_51 : i32
    scf.if %cond3A_52 {
      "tpu.region"() ({
        %run_scoped3A_136 = tpu.sem_alloc : memref<!tpu.dma_semaphore, #tpu.memory_space<semaphore_mem>>
        %dma_start3A_137 = arith.constant 0 : i32
        %dma_start3A_138 = arith.constant 0 : i32
        %dma_start3A_139 = tpu.memref_slice %arg8[%cond3A, %dma_start3A_137, %dma_start3A_138] : memref<2x80x128xf32, #tpu.memory_space<vmem>> -> memref<1x80x128xf32, #tpu.memory_space<vmem>>
        %dma_start3A_140 = tpu.memref_squeeze %dma_start3A_139 : memref<1x80x128xf32, #tpu.memory_space<vmem>> -> memref<80x128xf32, #tpu.memory_space<vmem>>
        %dma_start3A_141 = arith.constant 0 : i32
        %dma_start3A_142 = arith.constant 0 : i32
        %dma_start3A_143 = tpu.memref_slice %dma_start3A_140[%dma_start3A_141, %dma_start3A_142] : memref<80x128xf32, #tpu.memory_space<vmem>> -> memref<16x128xf32, #tpu.memory_space<vmem>>
        %dma_start3A_144 = arith.constant 9984 : i32
        %dma_start3A_145 = arith.constant 0 : i32
        %dma_start3A_146 = tpu.memref_slice %arg9[%dma_start3A_144, %dma_start3A_145] : memref<10000x128xf32, #tpu.memory_space<vmem_shared>> -> memref<16x128xf32, #tpu.memory_space<vmem_shared>>
        %dma_start3A_147 = arith.constant 9984 : i32
        %dma_start3A_148 = arith.constant 0 : i32
        %dma_start3A_149 = tpu.memref_slice %arg9[%dma_start3A_147, %dma_start3A_148] : memref<10000x128xf32, #tpu.memory_space<vmem_shared>> -> memref<16x128xf32, #tpu.memory_space<vmem_shared>>
        %dma_start3A_150 = arith.constant 0 : i32
        %dma_start3A_151 = arith.constant 0 : i32
        %dma_start3A_152 = tpu.memref_slice %arg8[%cond3A, %dma_start3A_150, %dma_start3A_151] : memref<2x80x128xf32, #tpu.memory_space<vmem>> -> memref<1x80x128xf32, #tpu.memory_space<vmem>>
        %dma_start3A_153 = tpu.memref_squeeze %dma_start3A_152 : memref<1x80x128xf32, #tpu.memory_space<vmem>> -> memref<80x128xf32, #tpu.memory_space<vmem>>
        %dma_start3A_154 = arith.constant 0 : i32
        %dma_start3A_155 = arith.constant 0 : i32
        %dma_start3A_156 = tpu.memref_slice %dma_start3A_153[%dma_start3A_154, %dma_start3A_155] : memref<80x128xf32, #tpu.memory_space<vmem>> -> memref<16x128xf32, #tpu.memory_space<vmem>>
        tpu.enqueue_dma source(%dma_start3A_156 : memref<16x128xf32, #tpu.memory_space<vmem>>) target(%dma_start3A_149 : memref<16x128xf32, #tpu.memory_space<vmem_shared>>) target_semaphore(%run_scoped3A_136 : memref<!tpu.dma_semaphore, #tpu.memory_space<semaphore_mem>>)
        %dma_wait3A_157 = arith.constant 0 : i32
        %dma_wait3A_158 = arith.constant 0 : i32
        %dma_wait3A_159 = tpu.memref_slice %arg8[%cond3A, %dma_wait3A_157, %dma_wait3A_158] : memref<2x80x128xf32, #tpu.memory_space<vmem>> -> memref<1x80x128xf32, #tpu.memory_space<vmem>>
        %dma_wait3A_160 = tpu.memref_squeeze %dma_wait3A_159 : memref<1x80x128xf32, #tpu.memory_space<vmem>> -> memref<80x128xf32, #tpu.memory_space<vmem>>
        %dma_wait3A_161 = arith.constant 0 : i32
        %dma_wait3A_162 = arith.constant 0 : i32
        %dma_wait3A_163 = tpu.memref_slice %dma_wait3A_160[%dma_wait3A_161, %dma_wait3A_162] : memref<80x128xf32, #tpu.memory_space<vmem>> -> memref<16x128xf32, #tpu.memory_space<vmem>>
        %dma_wait3A_164 = arith.constant 9984 : i32
        %dma_wait3A_165 = arith.constant 0 : i32
        %dma_wait3A_166 = tpu.memref_slice %arg9[%dma_wait3A_164, %dma_wait3A_165] : memref<10000x128xf32, #tpu.memory_space<vmem_shared>> -> memref<16x128xf32, #tpu.memory_space<vmem_shared>>
        %dma_wait3A_167 = arith.constant 9984 : i32
        %dma_wait3A_168 = arith.constant 0 : i32
        %dma_wait3A_169 = tpu.memref_slice %arg9[%dma_wait3A_167, %dma_wait3A_168] : memref<10000x128xf32, #tpu.memory_space<vmem_shared>> -> memref<16x128xf32, #tpu.memory_space<vmem_shared>>
        %dma_wait3A_170 = arith.constant 0 : i32
        %dma_wait3A_171 = arith.constant 0 : i32
        %dma_wait3A_172 = tpu.memref_slice %arg8[%cond3A, %dma_wait3A_170, %dma_wait3A_171] : memref<2x80x128xf32, #tpu.memory_space<vmem>> -> memref<1x80x128xf32, #tpu.memory_space<vmem>>
        %dma_wait3A_173 = tpu.memref_squeeze %dma_wait3A_172 : memref<1x80x128xf32, #tpu.memory_space<vmem>> -> memref<80x128xf32, #tpu.memory_space<vmem>>
        %dma_wait3A_174 = arith.constant 0 : i32
        %dma_wait3A_175 = arith.constant 0 : i32
        %dma_wait3A_176 = tpu.memref_slice %dma_wait3A_173[%dma_wait3A_174, %dma_wait3A_175] : memref<80x128xf32, #tpu.memory_space<vmem>> -> memref<16x128xf32, #tpu.memory_space<vmem>>
        tpu.wait_dma2 semaphore(%run_scoped3A_136 : memref<!tpu.dma_semaphore, #tpu.memory_space<semaphore_mem>>) src(%dma_wait3A_176 : memref<16x128xf32, #tpu.memory_space<vmem>>) dst(%dma_wait3A_169 : memref<16x128xf32, #tpu.memory_space<vmem_shared>>)
        tpu.yield
      }) : () -> ()
    } else {
    }
    %multiple_of3A_53 = arith.constant 0 : i32
    %multiple_of3A_54 = tpu.assume_multiple %multiple_of3A_53, 8 : i32
    %dma_start3A_55 = arith.constant 0 : i32
    %dma_start3A_56 = arith.constant 0 : i32
    %dma_start3A_57 = arith.constant 0 : i32
    %dma_start3A_58 = tpu.memref_slice %arg8[%dma_start3A_55, %dma_start3A_56, %dma_start3A_57] : memref<2x80x128xf32, #tpu.memory_space<vmem>> -> memref<1x80x128xf32, #tpu.memory_space<vmem>>
    %dma_start3A_59 = tpu.memref_squeeze %dma_start3A_58 : memref<1x80x128xf32, #tpu.memory_space<vmem>> -> memref<80x128xf32, #tpu.memory_space<vmem>>
    %dma_start3A_60 = tpu.memref_slice %arg6[%multiple_of3A_54] : memref<10000xi32, #tpu.memory_space<vmem>> -> memref<80xi32, #tpu.memory_space<vmem>>
    %dma_start3A_61 = arith.constant 0 : i32
    %dma_start3A_62 = arith.constant 0 : i32
    %dma_start3A_63 = tpu.memref_slice %arg4[%dma_start3A_61, %dma_start3A_62] : memref<10000x128xf32, #tpu.memory_space<hbm>> -> memref<10000x128xf32, #tpu.memory_space<hbm>>
    tpu.enqueue_indirect_dma source(%dma_start3A_63 : memref<10000x128xf32, #tpu.memory_space<hbm>>) target(%dma_start3A_59 : memref<80x128xf32, #tpu.memory_space<vmem>>) offsets(%dma_start3A_60 : memref<80xi32, #tpu.memory_space<vmem>>) semaphore(%arg10 : memref<!tpu.dma_semaphore, #tpu.memory_space<semaphore_mem>>)
    %dma_wait3A = arith.constant 0 : i32
    %dma_wait3A_64 = arith.constant 0 : i32
    %dma_wait3A_65 = tpu.memref_slice %arg3[%add3A, %dma_wait3A, %dma_wait3A_64] : memref<32x125x80xi32, #tpu.memory_space<hbm>> -> memref<1x125x80xi32, #tpu.memory_space<hbm>>
    %dma_wait3A_66 = tpu.memref_squeeze %dma_wait3A_65 : memref<1x125x80xi32, #tpu.memory_space<hbm>> -> memref<125x80xi32, #tpu.memory_space<hbm>>
    %dma_wait3A_67 = arith.constant 0 : i32
    %dma_wait3A_68 = arith.constant 0 : i32
    %dma_wait3A_69 = tpu.memref_slice %arg3[%add3A, %dma_wait3A_67, %dma_wait3A_68] : memref<32x125x80xi32, #tpu.memory_space<hbm>> -> memref<1x125x80xi32, #tpu.memory_space<hbm>>
    %dma_wait3A_70 = tpu.memref_squeeze %dma_wait3A_69 : memref<1x125x80xi32, #tpu.memory_space<hbm>> -> memref<125x80xi32, #tpu.memory_space<hbm>>
    tpu.wait_dma2 semaphore(%arg12 : memref<!tpu.dma_semaphore, #tpu.memory_space<semaphore_mem>>) src(%dma_wait3A_70 : memref<125x80xi32, #tpu.memory_space<hbm>>) dst(%arg7 : memref<125x80xi32, #tpu.memory_space<vmem>>)
    %barrier3A = arith.constant 0 : index
    tpu.barrier barrier_id(%barrier3A)
    %scan3A_71 = arith.constant 0 : i32
    %scan3A_72 = arith.constant 0 : i32
    %scan3A_73 = arith.constant 61 : i32
    %scan3A_74 = arith.addi %scan3A_72, %scan3A_73 : i32
    %scan3A_75 = arith.constant 1 : i32
    scf.for %scan3A_136 = %scan3A_72 to %scan3A_74 step %scan3A_75  : i32 {
      %mul3A_137 = arith.constant 2 : i32
      %mul3A_138 = arith.muli %mul3A_137, %scan3A_136 : i32
      %add3A_139 = arith.constant 0 : i32
      %add3A_140 = arith.addi %mul3A_138, %add3A_139 : i32
      %mul3A_141 = arith.constant 80 : i32
      %mul3A_142 = arith.muli %add3A_140, %mul3A_141 : i32
      %multiple_of3A_143 = tpu.assume_multiple %mul3A_142, 8 : i32
      %dma_wait3A_144 = arith.constant 0 : i32
      %dma_wait3A_145 = arith.constant 0 : i32
      %dma_wait3A_146 = arith.constant 0 : i32
      %dma_wait3A_147 = tpu.memref_slice %arg8[%dma_wait3A_144, %dma_wait3A_145, %dma_wait3A_146] : memref<2x80x128xf32, #tpu.memory_space<vmem>> -> memref<1x80x128xf32, #tpu.memory_space<vmem>>
      %dma_wait3A_148 = tpu.memref_squeeze %dma_wait3A_147 : memref<1x80x128xf32, #tpu.memory_space<vmem>> -> memref<80x128xf32, #tpu.memory_space<vmem>>
      %dma_wait3A_149 = tpu.memref_slice %arg6[%multiple_of3A_143] : memref<10000xi32, #tpu.memory_space<vmem>> -> memref<80xi32, #tpu.memory_space<vmem>>
      %dma_wait3A_150 = arith.constant 0 : i32
      %dma_wait3A_151 = arith.constant 0 : i32
      %dma_wait3A_152 = tpu.memref_slice %arg4[%dma_wait3A_150, %dma_wait3A_151] : memref<10000x128xf32, #tpu.memory_space<hbm>> -> memref<10000x128xf32, #tpu.memory_space<hbm>>
      tpu.wait_indirect_dma semaphore(%arg10 : memref<!tpu.dma_semaphore, #tpu.memory_space<semaphore_mem>>) src(%dma_wait3A_152 : memref<10000x128xf32, #tpu.memory_space<hbm>>) dst(%dma_wait3A_148 : memref<80x128xf32, #tpu.memory_space<vmem>>)
      %run_scoped3A_153 = arith.constant 0 : i32
      "tpu.region"() ({
        %run_scoped3A_199 = tpu.sem_alloc : memref<!tpu.dma_semaphore, #tpu.memory_space<semaphore_mem>>
        %dma_start3A_200 = arith.constant 0 : i32
        %dma_start3A_201 = arith.constant 0 : i32
        %dma_start3A_202 = tpu.memref_slice %arg8[%run_scoped3A_153, %dma_start3A_200, %dma_start3A_201] : memref<2x80x128xf32, #tpu.memory_space<vmem>> -> memref<1x80x128xf32, #tpu.memory_space<vmem>>
        %dma_start3A_203 = tpu.memref_squeeze %dma_start3A_202 : memref<1x80x128xf32, #tpu.memory_space<vmem>> -> memref<80x128xf32, #tpu.memory_space<vmem>>
        %dma_start3A_204 = arith.constant 0 : i32
        %dma_start3A_205 = tpu.memref_slice %arg7[%add3A_140, %dma_start3A_204] : memref<125x80xi32, #tpu.memory_space<vmem>> -> memref<1x80xi32, #tpu.memory_space<vmem>>
        %dma_start3A_206 = tpu.memref_squeeze %dma_start3A_205 : memref<1x80xi32, #tpu.memory_space<vmem>> -> memref<80xi32, #tpu.memory_space<vmem>>
        %dma_start3A_207 = arith.constant 0 : i32
        %dma_start3A_208 = arith.constant 0 : i32
        %dma_start3A_209 = tpu.memref_slice %arg9[%dma_start3A_207, %dma_start3A_208] : memref<10000x128xf32, #tpu.memory_space<vmem_shared>> -> memref<10000x128xf32, #tpu.memory_space<vmem_shared>>
        tpu.enqueue_indirect_dma source(%dma_start3A_203 : memref<80x128xf32, #tpu.memory_space<vmem>>) target(%dma_start3A_209 : memref<10000x128xf32, #tpu.memory_space<vmem_shared>>) offsets(%dma_start3A_206 : memref<80xi32, #tpu.memory_space<vmem>>) semaphore(%run_scoped3A_199 : memref<!tpu.dma_semaphore, #tpu.memory_space<semaphore_mem>>) {add = true}
        %dma_wait3A_210 = arith.constant 0 : i32
        %dma_wait3A_211 = arith.constant 0 : i32
        %dma_wait3A_212 = tpu.memref_slice %arg8[%run_scoped3A_153, %dma_wait3A_210, %dma_wait3A_211] : memref<2x80x128xf32, #tpu.memory_space<vmem>> -> memref<1x80x128xf32, #tpu.memory_space<vmem>>
        %dma_wait3A_213 = tpu.memref_squeeze %dma_wait3A_212 : memref<1x80x128xf32, #tpu.memory_space<vmem>> -> memref<80x128xf32, #tpu.memory_space<vmem>>
        %dma_wait3A_214 = arith.constant 0 : i32
        %dma_wait3A_215 = tpu.memref_slice %arg7[%add3A_140, %dma_wait3A_214] : memref<125x80xi32, #tpu.memory_space<vmem>> -> memref<1x80xi32, #tpu.memory_space<vmem>>
        %dma_wait3A_216 = tpu.memref_squeeze %dma_wait3A_215 : memref<1x80xi32, #tpu.memory_space<vmem>> -> memref<80xi32, #tpu.memory_space<vmem>>
        %dma_wait3A_217 = arith.constant 0 : i32
        %dma_wait3A_218 = arith.constant 0 : i32
        %dma_wait3A_219 = tpu.memref_slice %arg9[%dma_wait3A_217, %dma_wait3A_218] : memref<10000x128xf32, #tpu.memory_space<vmem_shared>> -> memref<10000x128xf32, #tpu.memory_space<vmem_shared>>
        tpu.wait_indirect_dma semaphore(%run_scoped3A_199 : memref<!tpu.dma_semaphore, #tpu.memory_space<semaphore_mem>>) src(%dma_wait3A_213 : memref<80x128xf32, #tpu.memory_space<vmem>>) dst(%dma_wait3A_219 : memref<10000x128xf32, #tpu.memory_space<vmem_shared>>)
        tpu.yield
      }) : () -> ()
      %add3A_154 = arith.constant 2 : i32
      %add3A_155 = arith.addi %add3A_140, %add3A_154 : i32
      %mul3A_156 = arith.constant 80 : i32
      %mul3A_157 = arith.muli %add3A_155, %mul3A_156 : i32
      %multiple_of3A_158 = tpu.assume_multiple %mul3A_157, 8 : i32
      %dma_start3A_159 = arith.constant 0 : i32
      %dma_start3A_160 = arith.constant 0 : i32
      %dma_start3A_161 = arith.constant 0 : i32
      %dma_start3A_162 = tpu.memref_slice %arg8[%dma_start3A_159, %dma_start3A_160, %dma_start3A_161] : memref<2x80x128xf32, #tpu.memory_space<vmem>> -> memref<1x80x128xf32, #tpu.memory_space<vmem>>
      %dma_start3A_163 = tpu.memref_squeeze %dma_start3A_162 : memref<1x80x128xf32, #tpu.memory_space<vmem>> -> memref<80x128xf32, #tpu.memory_space<vmem>>
      %dma_start3A_164 = tpu.memref_slice %arg6[%multiple_of3A_158] : memref<10000xi32, #tpu.memory_space<vmem>> -> memref<80xi32, #tpu.memory_space<vmem>>
      %dma_start3A_165 = arith.constant 0 : i32
      %dma_start3A_166 = arith.constant 0 : i32
      %dma_start3A_167 = tpu.memref_slice %arg4[%dma_start3A_165, %dma_start3A_166] : memref<10000x128xf32, #tpu.memory_space<hbm>> -> memref<10000x128xf32, #tpu.memory_space<hbm>>
      tpu.enqueue_indirect_dma source(%dma_start3A_167 : memref<10000x128xf32, #tpu.memory_space<hbm>>) target(%dma_start3A_163 : memref<80x128xf32, #tpu.memory_space<vmem>>) offsets(%dma_start3A_164 : memref<80xi32, #tpu.memory_space<vmem>>) semaphore(%arg10 : memref<!tpu.dma_semaphore, #tpu.memory_space<semaphore_mem>>)
      %mul3A_168 = arith.constant 2 : i32
      %mul3A_169 = arith.muli %mul3A_168, %scan3A_136 : i32
      %add3A_170 = arith.constant 1 : i32
      %add3A_171 = arith.addi %mul3A_169, %add3A_170 : i32
      %mul3A_172 = arith.constant 80 : i32
      %mul3A_173 = arith.muli %add3A_171, %mul3A_172 : i32
      %multiple_of3A_174 = tpu.assume_multiple %mul3A_173, 8 : i32
      %dma_wait3A_175 = arith.constant 1 : i32
      %dma_wait3A_176 = arith.constant 0 : i32
      %dma_wait3A_177 = arith.constant 0 : i32
      %dma_wait3A_178 = tpu.memref_slice %arg8[%dma_wait3A_175, %dma_wait3A_176, %dma_wait3A_177] : memref<2x80x128xf32, #tpu.memory_space<vmem>> -> memref<1x80x128xf32, #tpu.memory_space<vmem>>
      %dma_wait3A_179 = tpu.memref_squeeze %dma_wait3A_178 : memref<1x80x128xf32, #tpu.memory_space<vmem>> -> memref<80x128xf32, #tpu.memory_space<vmem>>
      %dma_wait3A_180 = tpu.memref_slice %arg6[%multiple_of3A_174] : memref<10000xi32, #tpu.memory_space<vmem>> -> memref<80xi32, #tpu.memory_space<vmem>>
      %dma_wait3A_181 = arith.constant 0 : i32
      %dma_wait3A_182 = arith.constant 0 : i32
      %dma_wait3A_183 = tpu.memref_slice %arg4[%dma_wait3A_181, %dma_wait3A_182] : memref<10000x128xf32, #tpu.memory_space<hbm>> -> memref<10000x128xf32, #tpu.memory_space<hbm>>
      tpu.wait_indirect_dma semaphore(%arg11 : memref<!tpu.dma_semaphore, #tpu.memory_space<semaphore_mem>>) src(%dma_wait3A_183 : memref<10000x128xf32, #tpu.memory_space<hbm>>) dst(%dma_wait3A_179 : memref<80x128xf32, #tpu.memory_space<vmem>>)
      %run_scoped3A_184 = arith.constant 1 : i32
      "tpu.region"() ({
        %run_scoped3A_199 = tpu.sem_alloc : memref<!tpu.dma_semaphore, #tpu.memory_space<semaphore_mem>>
        %dma_start3A_200 = arith.constant 0 : i32
        %dma_start3A_201 = arith.constant 0 : i32
        %dma_start3A_202 = tpu.memref_slice %arg8[%run_scoped3A_184, %dma_start3A_200, %dma_start3A_201] : memref<2x80x128xf32, #tpu.memory_space<vmem>> -> memref<1x80x128xf32, #tpu.memory_space<vmem>>
        %dma_start3A_203 = tpu.memref_squeeze %dma_start3A_202 : memref<1x80x128xf32, #tpu.memory_space<vmem>> -> memref<80x128xf32, #tpu.memory_space<vmem>>
        %dma_start3A_204 = arith.constant 0 : i32
        %dma_start3A_205 = tpu.memref_slice %arg7[%add3A_171, %dma_start3A_204] : memref<125x80xi32, #tpu.memory_space<vmem>> -> memref<1x80xi32, #tpu.memory_space<vmem>>
        %dma_start3A_206 = tpu.memref_squeeze %dma_start3A_205 : memref<1x80xi32, #tpu.memory_space<vmem>> -> memref<80xi32, #tpu.memory_space<vmem>>
        %dma_start3A_207 = arith.constant 0 : i32
        %dma_start3A_208 = arith.constant 0 : i32
        %dma_start3A_209 = tpu.memref_slice %arg9[%dma_start3A_207, %dma_start3A_208] : memref<10000x128xf32, #tpu.memory_space<vmem_shared>> -> memref<10000x128xf32, #tpu.memory_space<vmem_shared>>
        tpu.enqueue_indirect_dma source(%dma_start3A_203 : memref<80x128xf32, #tpu.memory_space<vmem>>) target(%dma_start3A_209 : memref<10000x128xf32, #tpu.memory_space<vmem_shared>>) offsets(%dma_start3A_206 : memref<80xi32, #tpu.memory_space<vmem>>) semaphore(%run_scoped3A_199 : memref<!tpu.dma_semaphore, #tpu.memory_space<semaphore_mem>>) {add = true}
        %dma_wait3A_210 = arith.constant 0 : i32
        %dma_wait3A_211 = arith.constant 0 : i32
        %dma_wait3A_212 = tpu.memref_slice %arg8[%run_scoped3A_184, %dma_wait3A_210, %dma_wait3A_211] : memref<2x80x128xf32, #tpu.memory_space<vmem>> -> memref<1x80x128xf32, #tpu.memory_space<vmem>>
        %dma_wait3A_213 = tpu.memref_squeeze %dma_wait3A_212 : memref<1x80x128xf32, #tpu.memory_space<vmem>> -> memref<80x128xf32, #tpu.memory_space<vmem>>
        %dma_wait3A_214 = arith.constant 0 : i32
        %dma_wait3A_215 = tpu.memref_slice %arg7[%add3A_171, %dma_wait3A_214] : memref<125x80xi32, #tpu.memory_space<vmem>> -> memref<1x80xi32, #tpu.memory_space<vmem>>
        %dma_wait3A_216 = tpu.memref_squeeze %dma_wait3A_215 : memref<1x80xi32, #tpu.memory_space<vmem>> -> memref<80xi32, #tpu.memory_space<vmem>>
        %dma_wait3A_217 = arith.constant 0 : i32
        %dma_wait3A_218 = arith.constant 0 : i32
        %dma_wait3A_219 = tpu.memref_slice %arg9[%dma_wait3A_217, %dma_wait3A_218] : memref<10000x128xf32, #tpu.memory_space<vmem_shared>> -> memref<10000x128xf32, #tpu.memory_space<vmem_shared>>
        tpu.wait_indirect_dma semaphore(%run_scoped3A_199 : memref<!tpu.dma_semaphore, #tpu.memory_space<semaphore_mem>>) src(%dma_wait3A_213 : memref<80x128xf32, #tpu.memory_space<vmem>>) dst(%dma_wait3A_219 : memref<10000x128xf32, #tpu.memory_space<vmem_shared>>)
        tpu.yield
      }) : () -> ()
      %add3A_185 = arith.constant 2 : i32
      %add3A_186 = arith.addi %add3A_171, %add3A_185 : i32
      %mul3A_187 = arith.constant 80 : i32
      %mul3A_188 = arith.muli %add3A_186, %mul3A_187 : i32
      %multiple_of3A_189 = tpu.assume_multiple %mul3A_188, 8 : i32
      %dma_start3A_190 = arith.constant 1 : i32
      %dma_start3A_191 = arith.constant 0 : i32
      %dma_start3A_192 = arith.constant 0 : i32
      %dma_start3A_193 = tpu.memref_slice %arg8[%dma_start3A_190, %dma_start3A_191, %dma_start3A_192] : memref<2x80x128xf32, #tpu.memory_space<vmem>> -> memref<1x80x128xf32, #tpu.memory_space<vmem>>
      %dma_start3A_194 = tpu.memref_squeeze %dma_start3A_193 : memref<1x80x128xf32, #tpu.memory_space<vmem>> -> memref<80x128xf32, #tpu.memory_space<vmem>>
      %dma_start3A_195 = tpu.memref_slice %arg6[%multiple_of3A_189] : memref<10000xi32, #tpu.memory_space<vmem>> -> memref<80xi32, #tpu.memory_space<vmem>>
      %dma_start3A_196 = arith.constant 0 : i32
      %dma_start3A_197 = arith.constant 0 : i32
      %dma_start3A_198 = tpu.memref_slice %arg4[%dma_start3A_196, %dma_start3A_197] : memref<10000x128xf32, #tpu.memory_space<hbm>> -> memref<10000x128xf32, #tpu.memory_space<hbm>>
      tpu.enqueue_indirect_dma source(%dma_start3A_198 : memref<10000x128xf32, #tpu.memory_space<hbm>>) target(%dma_start3A_194 : memref<80x128xf32, #tpu.memory_space<vmem>>) offsets(%dma_start3A_195 : memref<80xi32, #tpu.memory_space<vmem>>) semaphore(%arg11 : memref<!tpu.dma_semaphore, #tpu.memory_space<semaphore_mem>>)
    }
    %scan3A_76 = arith.constant 61 : i32
    %multiple_of3A_77 = arith.constant 9760 : i32
    %multiple_of3A_78 = tpu.assume_multiple %multiple_of3A_77, 8 : i32
    %dma_wait3A_79 = arith.constant 0 : i32
    %dma_wait3A_80 = arith.constant 0 : i32
    %dma_wait3A_81 = arith.constant 0 : i32
    %dma_wait3A_82 = tpu.memref_slice %arg8[%dma_wait3A_79, %dma_wait3A_80, %dma_wait3A_81] : memref<2x80x128xf32, #tpu.memory_space<vmem>> -> memref<1x80x128xf32, #tpu.memory_space<vmem>>
    %dma_wait3A_83 = tpu.memref_squeeze %dma_wait3A_82 : memref<1x80x128xf32, #tpu.memory_space<vmem>> -> memref<80x128xf32, #tpu.memory_space<vmem>>
    %dma_wait3A_84 = tpu.memref_slice %arg6[%multiple_of3A_78] : memref<10000xi32, #tpu.memory_space<vmem>> -> memref<80xi32, #tpu.memory_space<vmem>>
    %dma_wait3A_85 = arith.constant 0 : i32
    %dma_wait3A_86 = arith.constant 0 : i32
    %dma_wait3A_87 = tpu.memref_slice %arg4[%dma_wait3A_85, %dma_wait3A_86] : memref<10000x128xf32, #tpu.memory_space<hbm>> -> memref<10000x128xf32, #tpu.memory_space<hbm>>
    tpu.wait_indirect_dma semaphore(%arg10 : memref<!tpu.dma_semaphore, #tpu.memory_space<semaphore_mem>>) src(%dma_wait3A_87 : memref<10000x128xf32, #tpu.memory_space<hbm>>) dst(%dma_wait3A_83 : memref<80x128xf32, #tpu.memory_space<vmem>>)
    %run_scoped3A_88 = arith.constant 0 : i32
    %run_scoped3A_89 = arith.constant 122 : i32
    "tpu.region"() ({
      %run_scoped3A_136 = tpu.sem_alloc : memref<!tpu.dma_semaphore, #tpu.memory_space<semaphore_mem>>
      %dma_start3A_137 = arith.constant 0 : i32
      %dma_start3A_138 = arith.constant 0 : i32
      %dma_start3A_139 = tpu.memref_slice %arg8[%run_scoped3A_88, %dma_start3A_137, %dma_start3A_138] : memref<2x80x128xf32, #tpu.memory_space<vmem>> -> memref<1x80x128xf32, #tpu.memory_space<vmem>>
      %dma_start3A_140 = tpu.memref_squeeze %dma_start3A_139 : memref<1x80x128xf32, #tpu.memory_space<vmem>> -> memref<80x128xf32, #tpu.memory_space<vmem>>
      %dma_start3A_141 = arith.constant 0 : i32
      %dma_start3A_142 = tpu.memref_slice %arg7[%run_scoped3A_89, %dma_start3A_141] : memref<125x80xi32, #tpu.memory_space<vmem>> -> memref<1x80xi32, #tpu.memory_space<vmem>>
      %dma_start3A_143 = tpu.memref_squeeze %dma_start3A_142 : memref<1x80xi32, #tpu.memory_space<vmem>> -> memref<80xi32, #tpu.memory_space<vmem>>
      %dma_start3A_144 = arith.constant 0 : i32
      %dma_start3A_145 = arith.constant 0 : i32
      %dma_start3A_146 = tpu.memref_slice %arg9[%dma_start3A_144, %dma_start3A_145] : memref<10000x128xf32, #tpu.memory_space<vmem_shared>> -> memref<10000x128xf32, #tpu.memory_space<vmem_shared>>
      tpu.enqueue_indirect_dma source(%dma_start3A_140 : memref<80x128xf32, #tpu.memory_space<vmem>>) target(%dma_start3A_146 : memref<10000x128xf32, #tpu.memory_space<vmem_shared>>) offsets(%dma_start3A_143 : memref<80xi32, #tpu.memory_space<vmem>>) semaphore(%run_scoped3A_136 : memref<!tpu.dma_semaphore, #tpu.memory_space<semaphore_mem>>) {add = true}
      %dma_wait3A_147 = arith.constant 0 : i32
      %dma_wait3A_148 = arith.constant 0 : i32
      %dma_wait3A_149 = tpu.memref_slice %arg8[%run_scoped3A_88, %dma_wait3A_147, %dma_wait3A_148] : memref<2x80x128xf32, #tpu.memory_space<vmem>> -> memref<1x80x128xf32, #tpu.memory_space<vmem>>
      %dma_wait3A_150 = tpu.memref_squeeze %dma_wait3A_149 : memref<1x80x128xf32, #tpu.memory_space<vmem>> -> memref<80x128xf32, #tpu.memory_space<vmem>>
      %dma_wait3A_151 = arith.constant 0 : i32
      %dma_wait3A_152 = tpu.memref_slice %arg7[%run_scoped3A_89, %dma_wait3A_151] : memref<125x80xi32, #tpu.memory_space<vmem>> -> memref<1x80xi32, #tpu.memory_space<vmem>>
      %dma_wait3A_153 = tpu.memref_squeeze %dma_wait3A_152 : memref<1x80xi32, #tpu.memory_space<vmem>> -> memref<80xi32, #tpu.memory_space<vmem>>
      %dma_wait3A_154 = arith.constant 0 : i32
      %dma_wait3A_155 = arith.constant 0 : i32
      %dma_wait3A_156 = tpu.memref_slice %arg9[%dma_wait3A_154, %dma_wait3A_155] : memref<10000x128xf32, #tpu.memory_space<vmem_shared>> -> memref<10000x128xf32, #tpu.memory_space<vmem_shared>>
      tpu.wait_indirect_dma semaphore(%run_scoped3A_136 : memref<!tpu.dma_semaphore, #tpu.memory_space<semaphore_mem>>) src(%dma_wait3A_150 : memref<80x128xf32, #tpu.memory_space<vmem>>) dst(%dma_wait3A_156 : memref<10000x128xf32, #tpu.memory_space<vmem_shared>>)
      tpu.yield
    }) : () -> ()
    %multiple_of3A_90 = arith.constant 9920 : i32
    %multiple_of3A_91 = tpu.assume_multiple %multiple_of3A_90, 8 : i32
    %dma_start3A_92 = arith.constant 0 : i32
    %dma_start3A_93 = arith.constant 0 : i32
    %dma_start3A_94 = arith.constant 0 : i32
    %dma_start3A_95 = tpu.memref_slice %arg8[%dma_start3A_92, %dma_start3A_93, %dma_start3A_94] : memref<2x80x128xf32, #tpu.memory_space<vmem>> -> memref<1x80x128xf32, #tpu.memory_space<vmem>>
    %dma_start3A_96 = tpu.memref_squeeze %dma_start3A_95 : memref<1x80x128xf32, #tpu.memory_space<vmem>> -> memref<80x128xf32, #tpu.memory_space<vmem>>
    %dma_start3A_97 = tpu.memref_slice %arg6[%multiple_of3A_91] : memref<10000xi32, #tpu.memory_space<vmem>> -> memref<80xi32, #tpu.memory_space<vmem>>
    %dma_start3A_98 = arith.constant 0 : i32
    %dma_start3A_99 = arith.constant 0 : i32
    %dma_start3A_100 = tpu.memref_slice %arg4[%dma_start3A_98, %dma_start3A_99] : memref<10000x128xf32, #tpu.memory_space<hbm>> -> memref<10000x128xf32, #tpu.memory_space<hbm>>
    tpu.enqueue_indirect_dma source(%dma_start3A_100 : memref<10000x128xf32, #tpu.memory_space<hbm>>) target(%dma_start3A_96 : memref<80x128xf32, #tpu.memory_space<vmem>>) offsets(%dma_start3A_97 : memref<80xi32, #tpu.memory_space<vmem>>) semaphore(%arg10 : memref<!tpu.dma_semaphore, #tpu.memory_space<semaphore_mem>>)
    %multiple_of3A_101 = arith.constant 9840 : i32
    %multiple_of3A_102 = tpu.assume_multiple %multiple_of3A_101, 8 : i32
    %dma_wait3A_103 = arith.constant 1 : i32
    %dma_wait3A_104 = arith.constant 0 : i32
    %dma_wait3A_105 = arith.constant 0 : i32
    %dma_wait3A_106 = tpu.memref_slice %arg8[%dma_wait3A_103, %dma_wait3A_104, %dma_wait3A_105] : memref<2x80x128xf32, #tpu.memory_space<vmem>> -> memref<1x80x128xf32, #tpu.memory_space<vmem>>
    %dma_wait3A_107 = tpu.memref_squeeze %dma_wait3A_106 : memref<1x80x128xf32, #tpu.memory_space<vmem>> -> memref<80x128xf32, #tpu.memory_space<vmem>>
    %dma_wait3A_108 = tpu.memref_slice %arg6[%multiple_of3A_102] : memref<10000xi32, #tpu.memory_space<vmem>> -> memref<80xi32, #tpu.memory_space<vmem>>
    %dma_wait3A_109 = arith.constant 0 : i32
    %dma_wait3A_110 = arith.constant 0 : i32
    %dma_wait3A_111 = tpu.memref_slice %arg4[%dma_wait3A_109, %dma_wait3A_110] : memref<10000x128xf32, #tpu.memory_space<hbm>> -> memref<10000x128xf32, #tpu.memory_space<hbm>>
    tpu.wait_indirect_dma semaphore(%arg11 : memref<!tpu.dma_semaphore, #tpu.memory_space<semaphore_mem>>) src(%dma_wait3A_111 : memref<10000x128xf32, #tpu.memory_space<hbm>>) dst(%dma_wait3A_107 : memref<80x128xf32, #tpu.memory_space<vmem>>)
    %run_scoped3A_112 = arith.constant 1 : i32
    %run_scoped3A_113 = arith.constant 123 : i32
    "tpu.region"() ({
      %run_scoped3A_136 = tpu.sem_alloc : memref<!tpu.dma_semaphore, #tpu.memory_space<semaphore_mem>>
      %dma_start3A_137 = arith.constant 0 : i32
      %dma_start3A_138 = arith.constant 0 : i32
      %dma_start3A_139 = tpu.memref_slice %arg8[%run_scoped3A_112, %dma_start3A_137, %dma_start3A_138] : memref<2x80x128xf32, #tpu.memory_space<vmem>> -> memref<1x80x128xf32, #tpu.memory_space<vmem>>
      %dma_start3A_140 = tpu.memref_squeeze %dma_start3A_139 : memref<1x80x128xf32, #tpu.memory_space<vmem>> -> memref<80x128xf32, #tpu.memory_space<vmem>>
      %dma_start3A_141 = arith.constant 0 : i32
      %dma_start3A_142 = tpu.memref_slice %arg7[%run_scoped3A_113, %dma_start3A_141] : memref<125x80xi32, #tpu.memory_space<vmem>> -> memref<1x80xi32, #tpu.memory_space<vmem>>
      %dma_start3A_143 = tpu.memref_squeeze %dma_start3A_142 : memref<1x80xi32, #tpu.memory_space<vmem>> -> memref<80xi32, #tpu.memory_space<vmem>>
      %dma_start3A_144 = arith.constant 0 : i32
      %dma_start3A_145 = arith.constant 0 : i32
      %dma_start3A_146 = tpu.memref_slice %arg9[%dma_start3A_144, %dma_start3A_145] : memref<10000x128xf32, #tpu.memory_space<vmem_shared>> -> memref<10000x128xf32, #tpu.memory_space<vmem_shared>>
      tpu.enqueue_indirect_dma source(%dma_start3A_140 : memref<80x128xf32, #tpu.memory_space<vmem>>) target(%dma_start3A_146 : memref<10000x128xf32, #tpu.memory_space<vmem_shared>>) offsets(%dma_start3A_143 : memref<80xi32, #tpu.memory_space<vmem>>) semaphore(%run_scoped3A_136 : memref<!tpu.dma_semaphore, #tpu.memory_space<semaphore_mem>>) {add = true}
      %dma_wait3A_147 = arith.constant 0 : i32
      %dma_wait3A_148 = arith.constant 0 : i32
      %dma_wait3A_149 = tpu.memref_slice %arg8[%run_scoped3A_112, %dma_wait3A_147, %dma_wait3A_148] : memref<2x80x128xf32, #tpu.memory_space<vmem>> -> memref<1x80x128xf32, #tpu.memory_space<vmem>>
      %dma_wait3A_150 = tpu.memref_squeeze %dma_wait3A_149 : memref<1x80x128xf32, #tpu.memory_space<vmem>> -> memref<80x128xf32, #tpu.memory_space<vmem>>
      %dma_wait3A_151 = arith.constant 0 : i32
      %dma_wait3A_152 = tpu.memref_slice %arg7[%run_scoped3A_113, %dma_wait3A_151] : memref<125x80xi32, #tpu.memory_space<vmem>> -> memref<1x80xi32, #tpu.memory_space<vmem>>
      %dma_wait3A_153 = tpu.memref_squeeze %dma_wait3A_152 : memref<1x80xi32, #tpu.memory_space<vmem>> -> memref<80xi32, #tpu.memory_space<vmem>>
      %dma_wait3A_154 = arith.constant 0 : i32
      %dma_wait3A_155 = arith.constant 0 : i32
      %dma_wait3A_156 = tpu.memref_slice %arg9[%dma_wait3A_154, %dma_wait3A_155] : memref<10000x128xf32, #tpu.memory_space<vmem_shared>> -> memref<10000x128xf32, #tpu.memory_space<vmem_shared>>
      tpu.wait_indirect_dma semaphore(%run_scoped3A_136 : memref<!tpu.dma_semaphore, #tpu.memory_space<semaphore_mem>>) src(%dma_wait3A_150 : memref<80x128xf32, #tpu.memory_space<vmem>>) dst(%dma_wait3A_156 : memref<10000x128xf32, #tpu.memory_space<vmem_shared>>)
      tpu.yield
    }) : () -> ()
    %multiple_of3A_114 = arith.constant 9920 : i32
    %multiple_of3A_115 = tpu.assume_multiple %multiple_of3A_114, 8 : i32
    %dma_wait3A_116 = arith.constant 0 : i32
    %dma_wait3A_117 = arith.constant 0 : i32
    %dma_wait3A_118 = arith.constant 0 : i32
    %dma_wait3A_119 = tpu.memref_slice %arg8[%dma_wait3A_116, %dma_wait3A_117, %dma_wait3A_118] : memref<2x80x128xf32, #tpu.memory_space<vmem>> -> memref<1x80x128xf32, #tpu.memory_space<vmem>>
    %dma_wait3A_120 = tpu.memref_squeeze %dma_wait3A_119 : memref<1x80x128xf32, #tpu.memory_space<vmem>> -> memref<80x128xf32, #tpu.memory_space<vmem>>
    %dma_wait3A_121 = tpu.memref_slice %arg6[%multiple_of3A_115] : memref<10000xi32, #tpu.memory_space<vmem>> -> memref<80xi32, #tpu.memory_space<vmem>>
    %dma_wait3A_122 = arith.constant 0 : i32
    %dma_wait3A_123 = arith.constant 0 : i32
    %dma_wait3A_124 = tpu.memref_slice %arg4[%dma_wait3A_122, %dma_wait3A_123] : memref<10000x128xf32, #tpu.memory_space<hbm>> -> memref<10000x128xf32, #tpu.memory_space<hbm>>
    tpu.wait_indirect_dma semaphore(%arg10 : memref<!tpu.dma_semaphore, #tpu.memory_space<semaphore_mem>>) src(%dma_wait3A_124 : memref<10000x128xf32, #tpu.memory_space<hbm>>) dst(%dma_wait3A_120 : memref<80x128xf32, #tpu.memory_space<vmem>>)
    %run_scoped3A_125 = arith.constant 0 : i32
    %run_scoped3A_126 = arith.constant 124 : i32
    "tpu.region"() ({
      %run_scoped3A_136 = tpu.sem_alloc : memref<!tpu.dma_semaphore, #tpu.memory_space<semaphore_mem>>
      %dma_start3A_137 = arith.constant 0 : i32
      %dma_start3A_138 = arith.constant 0 : i32
      %dma_start3A_139 = tpu.memref_slice %arg8[%run_scoped3A_125, %dma_start3A_137, %dma_start3A_138] : memref<2x80x128xf32, #tpu.memory_space<vmem>> -> memref<1x80x128xf32, #tpu.memory_space<vmem>>
      %dma_start3A_140 = tpu.memref_squeeze %dma_start3A_139 : memref<1x80x128xf32, #tpu.memory_space<vmem>> -> memref<80x128xf32, #tpu.memory_space<vmem>>
      %dma_start3A_141 = arith.constant 0 : i32
      %dma_start3A_142 = tpu.memref_slice %arg7[%run_scoped3A_126, %dma_start3A_141] : memref<125x80xi32, #tpu.memory_space<vmem>> -> memref<1x80xi32, #tpu.memory_space<vmem>>
      %dma_start3A_143 = tpu.memref_squeeze %dma_start3A_142 : memref<1x80xi32, #tpu.memory_space<vmem>> -> memref<80xi32, #tpu.memory_space<vmem>>
      %dma_start3A_144 = arith.constant 0 : i32
      %dma_start3A_145 = arith.constant 0 : i32
      %dma_start3A_146 = tpu.memref_slice %arg9[%dma_start3A_144, %dma_start3A_145] : memref<10000x128xf32, #tpu.memory_space<vmem_shared>> -> memref<10000x128xf32, #tpu.memory_space<vmem_shared>>
      tpu.enqueue_indirect_dma source(%dma_start3A_140 : memref<80x128xf32, #tpu.memory_space<vmem>>) target(%dma_start3A_146 : memref<10000x128xf32, #tpu.memory_space<vmem_shared>>) offsets(%dma_start3A_143 : memref<80xi32, #tpu.memory_space<vmem>>) semaphore(%run_scoped3A_136 : memref<!tpu.dma_semaphore, #tpu.memory_space<semaphore_mem>>) {add = true}
      %dma_wait3A_147 = arith.constant 0 : i32
      %dma_wait3A_148 = arith.constant 0 : i32
      %dma_wait3A_149 = tpu.memref_slice %arg8[%run_scoped3A_125, %dma_wait3A_147, %dma_wait3A_148] : memref<2x80x128xf32, #tpu.memory_space<vmem>> -> memref<1x80x128xf32, #tpu.memory_space<vmem>>
      %dma_wait3A_150 = tpu.memref_squeeze %dma_wait3A_149 : memref<1x80x128xf32, #tpu.memory_space<vmem>> -> memref<80x128xf32, #tpu.memory_space<vmem>>
      %dma_wait3A_151 = arith.constant 0 : i32
      %dma_wait3A_152 = tpu.memref_slice %arg7[%run_scoped3A_126, %dma_wait3A_151] : memref<125x80xi32, #tpu.memory_space<vmem>> -> memref<1x80xi32, #tpu.memory_space<vmem>>
      %dma_wait3A_153 = tpu.memref_squeeze %dma_wait3A_152 : memref<1x80xi32, #tpu.memory_space<vmem>> -> memref<80xi32, #tpu.memory_space<vmem>>
      %dma_wait3A_154 = arith.constant 0 : i32
      %dma_wait3A_155 = arith.constant 0 : i32
      %dma_wait3A_156 = tpu.memref_slice %arg9[%dma_wait3A_154, %dma_wait3A_155] : memref<10000x128xf32, #tpu.memory_space<vmem_shared>> -> memref<10000x128xf32, #tpu.memory_space<vmem_shared>>
      tpu.wait_indirect_dma semaphore(%run_scoped3A_136 : memref<!tpu.dma_semaphore, #tpu.memory_space<semaphore_mem>>) src(%dma_wait3A_150 : memref<80x128xf32, #tpu.memory_space<vmem>>) dst(%dma_wait3A_156 : memref<10000x128xf32, #tpu.memory_space<vmem_shared>>)
      tpu.yield
    }) : () -> ()
    %barrier3A_127 = arith.constant 0 : index
    tpu.barrier barrier_id(%barrier3A_127)
    %mul3A_128 = arith.constant 624 : i32
    %mul3A_129 = arith.muli %arg1, %mul3A_128 : i32
    %multiple_of3A_130 = tpu.assume_multiple %mul3A_129, 8 : i32
    "tpu.region"() ({
      %run_scoped3A_136 = tpu.sem_alloc : memref<!tpu.dma_semaphore, #tpu.memory_space<semaphore_mem>>
      %dma_start3A_137 = arith.constant 0 : i32
      %dma_start3A_138 = tpu.memref_slice %arg5[%arg0, %multiple_of3A_130, %dma_start3A_137] : memref<2x10000x128xf32, #tpu.memory_space<hbm>> -> memref<1x624x128xf32, #tpu.memory_space<hbm>>
      %dma_start3A_139 = tpu.memref_squeeze %dma_start3A_138 : memref<1x624x128xf32, #tpu.memory_space<hbm>> -> memref<624x128xf32, #tpu.memory_space<hbm>>
      %dma_start3A_140 = arith.constant 0 : i32
      %dma_start3A_141 = tpu.memref_slice %arg9[%multiple_of3A_130, %dma_start3A_140] : memref<10000x128xf32, #tpu.memory_space<vmem_shared>> -> memref<624x128xf32, #tpu.memory_space<vmem_shared>>
      tpu.enqueue_dma source(%dma_start3A_141 : memref<624x128xf32, #tpu.memory_space<vmem_shared>>) target(%dma_start3A_139 : memref<624x128xf32, #tpu.memory_space<hbm>>) target_semaphore(%run_scoped3A_136 : memref<!tpu.dma_semaphore, #tpu.memory_space<semaphore_mem>>)
      %dma_wait3A_142 = arith.constant 0 : i32
      %dma_wait3A_143 = tpu.memref_slice %arg5[%arg0, %multiple_of3A_130, %dma_wait3A_142] : memref<2x10000x128xf32, #tpu.memory_space<hbm>> -> memref<1x624x128xf32, #tpu.memory_space<hbm>>
      %dma_wait3A_144 = tpu.memref_squeeze %dma_wait3A_143 : memref<1x624x128xf32, #tpu.memory_space<hbm>> -> memref<624x128xf32, #tpu.memory_space<hbm>>
      %dma_wait3A_145 = arith.constant 0 : i32
      %dma_wait3A_146 = tpu.memref_slice %arg9[%multiple_of3A_130, %dma_wait3A_145] : memref<10000x128xf32, #tpu.memory_space<vmem_shared>> -> memref<624x128xf32, #tpu.memory_space<vmem_shared>>
      tpu.wait_dma2 semaphore(%run_scoped3A_136 : memref<!tpu.dma_semaphore, #tpu.memory_space<semaphore_mem>>) src(%dma_wait3A_146 : memref<624x128xf32, #tpu.memory_space<vmem_shared>>) dst(%dma_wait3A_144 : memref<624x128xf32, #tpu.memory_space<hbm>>)
      tpu.yield
    }) : () -> ()
    %eq3A_131 = arith.constant 15 : i32
    %eq3A_132 = arith.cmpi eq, %arg1, %eq3A_131 : i32
    %convert_element_type3A_133 = arith.extui %eq3A_132 : i1 to i32
    %cond3A_134 = arith.constant 0 : i32
    %cond3A_135 = arith.cmpi ne, %convert_element_type3A_133, %cond3A_134 : i32
    scf.if %cond3A_135 {
      "tpu.region"() ({
        %run_scoped3A_136 = tpu.sem_alloc : memref<!tpu.dma_semaphore, #tpu.memory_space<semaphore_mem>>
        %dma_start3A_137 = arith.constant 9984 : i32
        %dma_start3A_138 = arith.constant 0 : i32
        %dma_start3A_139 = tpu.memref_slice %arg5[%arg0, %dma_start3A_137, %dma_start3A_138] : memref<2x10000x128xf32, #tpu.memory_space<hbm>> -> memref<1x16x128xf32, #tpu.memory_space<hbm>>
        %dma_start3A_140 = tpu.memref_squeeze %dma_start3A_139 : memref<1x16x128xf32, #tpu.memory_space<hbm>> -> memref<16x128xf32, #tpu.memory_space<hbm>>
        %dma_start3A_141 = arith.constant 9984 : i32
        %dma_start3A_142 = arith.constant 0 : i32
        %dma_start3A_143 = tpu.memref_slice %arg9[%dma_start3A_141, %dma_start3A_142] : memref<10000x128xf32, #tpu.memory_space<vmem_shared>> -> memref<16x128xf32, #tpu.memory_space<vmem_shared>>
        tpu.enqueue_dma source(%dma_start3A_143 : memref<16x128xf32, #tpu.memory_space<vmem_shared>>) target(%dma_start3A_140 : memref<16x128xf32, #tpu.memory_space<hbm>>) target_semaphore(%run_scoped3A_136 : memref<!tpu.dma_semaphore, #tpu.memory_space<semaphore_mem>>)
        %dma_wait3A_144 = arith.constant 9984 : i32
        %dma_wait3A_145 = arith.constant 0 : i32
        %dma_wait3A_146 = tpu.memref_slice %arg5[%arg0, %dma_wait3A_144, %dma_wait3A_145] : memref<2x10000x128xf32, #tpu.memory_space<hbm>> -> memref<1x16x128xf32, #tpu.memory_space<hbm>>
        %dma_wait3A_147 = tpu.memref_squeeze %dma_wait3A_146 : memref<1x16x128xf32, #tpu.memory_space<hbm>> -> memref<16x128xf32, #tpu.memory_space<hbm>>
        %dma_wait3A_148 = arith.constant 9984 : i32
        %dma_wait3A_149 = arith.constant 0 : i32
        %dma_wait3A_150 = tpu.memref_slice %arg9[%dma_wait3A_148, %dma_wait3A_149] : memref<10000x128xf32, #tpu.memory_space<vmem_shared>> -> memref<16x128xf32, #tpu.memory_space<vmem_shared>>
        tpu.wait_dma2 semaphore(%run_scoped3A_136 : memref<!tpu.dma_semaphore, #tpu.memory_space<semaphore_mem>>) src(%dma_wait3A_150 : memref<16x128xf32, #tpu.memory_space<vmem_shared>>) dst(%dma_wait3A_147 : memref<16x128xf32, #tpu.memory_space<hbm>>)
        tpu.yield
      }) : () -> ()
    } else {
    }
    return
  }
}

#map = affine_map<(d0, d1) -> (0, 0, 0)>
#map1 = affine_map<(d0, d1) -> (0, 0)>
module attributes {stable_mosaic.version = 14 : i64} {
  func.func @_agg_kernel(%arg0: i32, %arg1: i32, %arg2: memref<2x32x10000xi32, #tpu.memory_space<hbm>>, %arg3: memref<32x125x80xi32, #tpu.memory_space<hbm>>, %arg4: memref<10000x128xf32, #tpu.memory_space<hbm>>, %arg5: memref<2x10000x128xf32, #tpu.memory_space<hbm>>, %arg6: memref<10000xi32, #tpu.memory_space<vmem>>, %arg7: memref<125x80xi32, #tpu.memory_space<vmem>>, %arg8: memref<2x80x128xf32, #tpu.memory_space<vmem>>, %arg9: memref<10000x128xf32, #tpu.memory_space<vmem_shared>>, %arg10: memref<!tpu.dma_semaphore, #tpu.memory_space<semaphore_mem>>, %arg11: memref<!tpu.dma_semaphore, #tpu.memory_space<semaphore_mem>>, %arg12: memref<!tpu.dma_semaphore, #tpu.memory_space<semaphore_mem>>) attributes {dimension_semantics = [#tpu.dimension_semantics<core_parallel>, #tpu.dimension_semantics<subcore_parallel>], iteration_bounds = array<i64: 2, 16>, scalar_prefetch = 0 : i64, scratch_operands = 7 : i64, tpu.core_type = #tpu.core_type<sc_vector_subcore>, window_params = [{transform_indices = #map}, {transform_indices = #map}, {transform_indices = #map1}, {transform_indices = #map}]} {
    %mul3A = arith.constant 2 : i32
    %mul3A_0 = arith.muli %arg1, %mul3A : i32
    %add3A = arith.addi %mul3A_0, %arg0 : i32
    %run_scoped3A = arith.constant 0 : i32
    "tpu.region"() ({
      %run_scoped3A_136 = tpu.sem_alloc : memref<!tpu.dma_semaphore, #tpu.memory_space<semaphore_mem>>
      %dma_start3A_137 = arith.constant 0 : i32
      %dma_start3A_138 = tpu.memref_slice %arg2[%run_scoped3A, %add3A, %dma_start3A_137] : memref<2x32x10000xi32, #tpu.memory_space<hbm>> -> memref<1x1x10000xi32, #tpu.memory_space<hbm>>
      %dma_start3A_139 = tpu.memref_squeeze %dma_start3A_138 : memref<1x1x10000xi32, #tpu.memory_space<hbm>> -> memref<10000xi32, #tpu.memory_space<hbm>>
      %dma_start3A_140 = arith.constant 0 : i32
      %dma_start3A_141 = tpu.memref_slice %arg2[%run_scoped3A, %add3A, %dma_start3A_140] : memref<2x32x10000xi32, #tpu.memory_space<hbm>> -> memref<1x1x10000xi32, #tpu.memory_space<hbm>>
      %dma_start3A_142 = tpu.memref_squeeze %dma_start3A_141 : memref<1x1x10000xi32, #tpu.memory_space<hbm>> -> memref<10000xi32, #tpu.memory_space<hbm>>
      tpu.enqueue_dma source(%dma_start3A_142 : memref<10000xi32, #tpu.memory_space<hbm>>) target(%arg6 : memref<10000xi32, #tpu.memory_space<vmem>>) target_semaphore(%run_scoped3A_136 : memref<!tpu.dma_semaphore, #tpu.memory_space<semaphore_mem>>)
      %dma_wait3A_143 = arith.constant 0 : i32
      %dma_wait3A_144 = tpu.memref_slice %arg2[%run_scoped3A, %add3A, %dma_wait3A_143] : memref<2x32x10000xi32, #tpu.memory_space<hbm>> -> memref<1x1x10000xi32, #tpu.memory_space<hbm>>
      %dma_wait3A_145 = tpu.memref_squeeze %dma_wait3A_144 : memref<1x1x10000xi32, #tpu.memory_space<hbm>> -> memref<10000xi32, #tpu.memory_space<hbm>>
      %dma_wait3A_146 = arith.constant 0 : i32
      %dma_wait3A_147 = tpu.memref_slice %arg2[%run_scoped3A, %add3A, %dma_wait3A_146] : memref<2x32x10000xi32, #tpu.memory_space<hbm>> -> memref<1x1x10000xi32, #tpu.memory_space<hbm>>
      %dma_wait3A_148 = tpu.memref_squeeze %dma_wait3A_147 : memref<1x1x10000xi32, #tpu.memory_space<hbm>> -> memref<10000xi32, #tpu.memory_space<hbm>>
      tpu.wait_dma2 semaphore(%run_scoped3A_136 : memref<!tpu.dma_semaphore, #tpu.memory_space<semaphore_mem>>) src(%dma_wait3A_148 : memref<10000xi32, #tpu.memory_space<hbm>>) dst(%arg6 : memref<10000xi32, #tpu.memory_space<vmem>>)
      tpu.yield
    }) : () -> ()
    %dma_start3A = arith.constant 0 : i32
    %dma_start3A_1 = arith.constant 0 : i32
    %dma_start3A_2 = tpu.memref_slice %arg3[%add3A, %dma_start3A, %dma_start3A_1] : memref<32x125x80xi32, #tpu.memory_space<hbm>> -> memref<1x125x80xi32, #tpu.memory_space<hbm>>
    %dma_start3A_3 = tpu.memref_squeeze %dma_start3A_2 : memref<1x125x80xi32, #tpu.memory_space<hbm>> -> memref<125x80xi32, #tpu.memory_space<hbm>>
    %dma_start3A_4 = arith.constant 0 : i32
    %dma_start3A_5 = arith.constant 0 : i32
    %dma_start3A_6 = tpu.memref_slice %arg3[%add3A, %dma_start3A_4, %dma_start3A_5] : memref<32x125x80xi32, #tpu.memory_space<hbm>> -> memref<1x125x80xi32, #tpu.memory_space<hbm>>
    %dma_start3A_7 = tpu.memref_squeeze %dma_start3A_6 : memref<1x125x80xi32, #tpu.memory_space<hbm>> -> memref<125x80xi32, #tpu.memory_space<hbm>>
    tpu.enqueue_dma source(%dma_start3A_7 : memref<125x80xi32, #tpu.memory_space<hbm>>) target(%arg7 : memref<125x80xi32, #tpu.memory_space<vmem>>) target_semaphore(%arg12 : memref<!tpu.dma_semaphore, #tpu.memory_space<semaphore_mem>>)
    %multiple_of3A = arith.constant 80 : i32
    %multiple_of3A_8 = tpu.assume_multiple %multiple_of3A, 8 : i32
    %dma_start3A_9 = arith.constant 1 : i32
    %dma_start3A_10 = arith.constant 0 : i32
    %dma_start3A_11 = arith.constant 0 : i32
    %dma_start3A_12 = tpu.memref_slice %arg8[%dma_start3A_9, %dma_start3A_10, %dma_start3A_11] : memref<2x80x128xf32, #tpu.memory_space<vmem>> -> memref<1x80x128xf32, #tpu.memory_space<vmem>>
    %dma_start3A_13 = tpu.memref_squeeze %dma_start3A_12 : memref<1x80x128xf32, #tpu.memory_space<vmem>> -> memref<80x128xf32, #tpu.memory_space<vmem>>
    %dma_start3A_14 = tpu.memref_slice %arg6[%multiple_of3A_8] : memref<10000xi32, #tpu.memory_space<vmem>> -> memref<80xi32, #tpu.memory_space<vmem>>
    %dma_start3A_15 = arith.constant 0 : i32
    %dma_start3A_16 = arith.constant 0 : i32
    %dma_start3A_17 = tpu.memref_slice %arg4[%dma_start3A_15, %dma_start3A_16] : memref<10000x128xf32, #tpu.memory_space<hbm>> -> memref<10000x128xf32, #tpu.memory_space<hbm>>
    tpu.enqueue_indirect_dma source(%dma_start3A_17 : memref<10000x128xf32, #tpu.memory_space<hbm>>) target(%dma_start3A_13 : memref<80x128xf32, #tpu.memory_space<vmem>>) offsets(%dma_start3A_14 : memref<80xi32, #tpu.memory_space<vmem>>) semaphore(%arg11 : memref<!tpu.dma_semaphore, #tpu.memory_space<semaphore_mem>>)
    %scan3A = arith.constant 0 : i32
    %scan3A_18 = arith.constant 0 : i32
    %scan3A_19 = arith.constant 640 : i32
    %scan3A_20 = arith.addi %scan3A_18, %scan3A_19 : i32
    %scan3A_21 = arith.constant 1 : i32
    scf.for %scan3A_136 = %scan3A_18 to %scan3A_20 step %scan3A_21  : i32 {
      %broadcast_in_dim3A = arith.constant 0.000000e+00 : f32
      %broadcast_in_dim3A_137 = vector.broadcast %broadcast_in_dim3A : f32 to vector<16xf32>
      %jit3A = arith.constant 8 : i32
      %div3A = arith.divsi %scan3A_136, %jit3A : i32
      %sign3A = arith.constant 0 : i32
      %sign3A_138 = arith.cmpi sgt, %scan3A_136, %sign3A : i32
      %sign3A_139 = arith.extui %sign3A_138 : i1 to i32
      %sign3A_140 = arith.constant 0 : i32
      %sign3A_141 = arith.cmpi slt, %scan3A_136, %sign3A_140 : i32
      %sign3A_142 = arith.extui %sign3A_141 : i1 to i32
      %sign3A_143 = arith.subi %sign3A_139, %sign3A_142 : i32
      %sign3A_144 = arith.constant 0 : i32
      %sign3A_145 = arith.cmpi sgt, %jit3A, %sign3A_144 : i32
      %sign3A_146 = arith.extui %sign3A_145 : i1 to i32
      %sign3A_147 = arith.constant 0 : i32
      %sign3A_148 = arith.cmpi slt, %jit3A, %sign3A_147 : i32
      %sign3A_149 = arith.extui %sign3A_148 : i1 to i32
      %sign3A_150 = arith.subi %sign3A_146, %sign3A_149 : i32
      %ne3A = arith.cmpi ne, %sign3A_143, %sign3A_150 : i32
      %rem3A = arith.remsi %scan3A_136, %jit3A : i32
      %ne3A_151 = arith.constant 0 : i32
      %ne3A_152 = arith.cmpi ne, %rem3A, %ne3A_151 : i32
      %and3A = arith.andi %ne3A, %ne3A_152 : i1
      %sub3A = arith.constant 1 : i32
      %sub3A_153 = arith.subi %div3A, %sub3A : i32
      %select_n3A = arith.select %and3A, %sub3A_153, %div3A : i32
      %jit3A_154 = arith.constant 8 : i32
      %eq3A_155 = arith.constant 0 : i32
      %eq3A_156 = arith.cmpi eq, %jit3A_154, %eq3A_155 : i32
      %jit3A_157 = arith.constant 1 : i32
      %select_n3A_158 = arith.select %eq3A_156, %jit3A_157, %jit3A_154 : i32
      %rem3A_159 = arith.remsi %scan3A_136, %select_n3A_158 : i32
      %ne3A_160 = arith.constant 0 : i32
      %ne3A_161 = arith.cmpi ne, %rem3A_159, %ne3A_160 : i32
      %lt3A = arith.constant 0 : i32
      %lt3A_162 = arith.cmpi slt, %rem3A_159, %lt3A : i32
      %lt3A_163 = arith.constant 0 : i32
      %lt3A_164 = arith.cmpi slt, %select_n3A_158, %lt3A_163 : i32
      %ne3A_165 = arith.xori %lt3A_162, %lt3A_164 : i1
      %and3A_166 = arith.andi %ne3A_165, %ne3A_161 : i1
      %add3A_167 = arith.addi %rem3A_159, %select_n3A_158 : i32
      %select_n3A_168 = arith.select %and3A_166, %add3A_167, %rem3A_159 : i32
      %mul3A_169 = arith.constant 16 : i32
      %mul3A_170 = arith.muli %select_n3A_168, %mul3A_169 : i32
      %swap3A = arith.constant 0 : i32
      %swap3A_171 = arith.index_cast %swap3A : i32 to index
      %swap3A_172 = arith.index_cast %select_n3A : i32 to index
      %swap3A_173 = arith.index_cast %mul3A_170 : i32 to index
      %swap3A_174 = tpu.vector_load %arg8[%swap3A_171, %swap3A_172, %swap3A_173] {strides = array<i32>} : memref<2x80x128xf32, #tpu.memory_space<vmem>>, vector<1x1x16xf32>,
      %swap3A_175 = vector.shape_cast %swap3A_174 : vector<1x1x16xf32> to vector<16xf32>
      %swap3A_176 = vector.shape_cast %broadcast_in_dim3A_137 : vector<16xf32> to vector<1x1x16xf32>
      tpu.vector_store %arg8[%swap3A_171, %swap3A_172, %swap3A_173], %swap3A_176 {strides = array<i32>} : memref<2x80x128xf32, #tpu.memory_space<vmem>>, vector<1x1x16xf32>,
    }
    %scan3A_22 = arith.constant 640 : i32
    %mul3A_23 = arith.constant 624 : i32
    %mul3A_24 = arith.muli %arg1, %mul3A_23 : i32
    %multiple_of3A_25 = tpu.assume_multiple %mul3A_24, 8 : i32
    %add3A_26 = arith.constant 0 : i32
    %add3A_27 = arith.addi %multiple_of3A_25, %add3A_26 : i32
    %run_scoped3A_28 = arith.constant 0 : i32
    "tpu.region"() ({
      %run_scoped3A_136 = tpu.sem_alloc : memref<!tpu.dma_semaphore, #tpu.memory_space<semaphore_mem>>
      %dma_start3A_137 = arith.constant 0 : i32
      %dma_start3A_138 = arith.constant 0 : i32
      %dma_start3A_139 = tpu.memref_slice %arg8[%run_scoped3A_28, %dma_start3A_137, %dma_start3A_138] : memref<2x80x128xf32, #tpu.memory_space<vmem>> -> memref<1x80x128xf32, #tpu.memory_space<vmem>>
      %dma_start3A_140 = tpu.memref_squeeze %dma_start3A_139 : memref<1x80x128xf32, #tpu.memory_space<vmem>> -> memref<80x128xf32, #tpu.memory_space<vmem>>
      %dma_start3A_141 = arith.constant 0 : i32
      %dma_start3A_142 = arith.constant 0 : i32
      %dma_start3A_143 = tpu.memref_slice %dma_start3A_140[%dma_start3A_141, %dma_start3A_142] : memref<80x128xf32, #tpu.memory_space<vmem>> -> memref<80x128xf32, #tpu.memory_space<vmem>>
      %dma_start3A_144 = arith.constant 0 : i32
      %dma_start3A_145 = tpu.memref_slice %arg9[%add3A_27, %dma_start3A_144] : memref<10000x128xf32, #tpu.memory_space<vmem_shared>> -> memref<80x128xf32, #tpu.memory_space<vmem_shared>>
      %dma_start3A_146 = arith.constant 0 : i32
      %dma_start3A_147 = tpu.memref_slice %arg9[%add3A_27, %dma_start3A_146] : memref<10000x128xf32, #tpu.memory_space<vmem_shared>> -> memref<80x128xf32, #tpu.memory_space<vmem_shared>>
      %dma_start3A_148 = arith.constant 0 : i32
      %dma_start3A_149 = arith.constant 0 : i32
      %dma_start3A_150 = tpu.memref_slice %arg8[%run_scoped3A_28, %dma_start3A_148, %dma_start3A_149] : memref<2x80x128xf32, #tpu.memory_space<vmem>> -> memref<1x80x128xf32, #tpu.memory_space<vmem>>
      %dma_start3A_151 = tpu.memref_squeeze %dma_start3A_150 : memref<1x80x128xf32, #tpu.memory_space<vmem>> -> memref<80x128xf32, #tpu.memory_space<vmem>>
      %dma_start3A_152 = arith.constant 0 : i32
      %dma_start3A_153 = arith.constant 0 : i32
      %dma_start3A_154 = tpu.memref_slice %dma_start3A_151[%dma_start3A_152, %dma_start3A_153] : memref<80x128xf32, #tpu.memory_space<vmem>> -> memref<80x128xf32, #tpu.memory_space<vmem>>
      tpu.enqueue_dma source(%dma_start3A_154 : memref<80x128xf32, #tpu.memory_space<vmem>>) target(%dma_start3A_147 : memref<80x128xf32, #tpu.memory_space<vmem_shared>>) target_semaphore(%run_scoped3A_136 : memref<!tpu.dma_semaphore, #tpu.memory_space<semaphore_mem>>)
      %dma_wait3A_155 = arith.constant 0 : i32
      %dma_wait3A_156 = arith.constant 0 : i32
      %dma_wait3A_157 = tpu.memref_slice %arg8[%run_scoped3A_28, %dma_wait3A_155, %dma_wait3A_156] : memref<2x80x128xf32, #tpu.memory_space<vmem>> -> memref<1x80x128xf32, #tpu.memory_space<vmem>>
      %dma_wait3A_158 = tpu.memref_squeeze %dma_wait3A_157 : memref<1x80x128xf32, #tpu.memory_space<vmem>> -> memref<80x128xf32, #tpu.memory_space<vmem>>
      %dma_wait3A_159 = arith.constant 0 : i32
      %dma_wait3A_160 = arith.constant 0 : i32
      %dma_wait3A_161 = tpu.memref_slice %dma_wait3A_158[%dma_wait3A_159, %dma_wait3A_160] : memref<80x128xf32, #tpu.memory_space<vmem>> -> memref<80x128xf32, #tpu.memory_space<vmem>>
      %dma_wait3A_162 = arith.constant 0 : i32
      %dma_wait3A_163 = tpu.memref_slice %arg9[%add3A_27, %dma_wait3A_162] : memref<10000x128xf32, #tpu.memory_space<vmem_shared>> -> memref<80x128xf32, #tpu.memory_space<vmem_shared>>
      %dma_wait3A_164 = arith.constant 0 : i32
      %dma_wait3A_165 = tpu.memref_slice %arg9[%add3A_27, %dma_wait3A_164] : memref<10000x128xf32, #tpu.memory_space<vmem_shared>> -> memref<80x128xf32, #tpu.memory_space<vmem_shared>>
      %dma_wait3A_166 = arith.constant 0 : i32
      %dma_wait3A_167 = arith.constant 0 : i32
      %dma_wait3A_168 = tpu.memref_slice %arg8[%run_scoped3A_28, %dma_wait3A_166, %dma_wait3A_167] : memref<2x80x128xf32, #tpu.memory_space<vmem>> -> memref<1x80x128xf32, #tpu.memory_space<vmem>>
      %dma_wait3A_169 = tpu.memref_squeeze %dma_wait3A_168 : memref<1x80x128xf32, #tpu.memory_space<vmem>> -> memref<80x128xf32, #tpu.memory_space<vmem>>
      %dma_wait3A_170 = arith.constant 0 : i32
      %dma_wait3A_171 = arith.constant 0 : i32
      %dma_wait3A_172 = tpu.memref_slice %dma_wait3A_169[%dma_wait3A_170, %dma_wait3A_171] : memref<80x128xf32, #tpu.memory_space<vmem>> -> memref<80x128xf32, #tpu.memory_space<vmem>>
      tpu.wait_dma2 semaphore(%run_scoped3A_136 : memref<!tpu.dma_semaphore, #tpu.memory_space<semaphore_mem>>) src(%dma_wait3A_172 : memref<80x128xf32, #tpu.memory_space<vmem>>) dst(%dma_wait3A_165 : memref<80x128xf32, #tpu.memory_space<vmem_shared>>)
      tpu.yield
    }) : () -> ()
    %add3A_29 = arith.constant 80 : i32
    %add3A_30 = arith.addi %multiple_of3A_25, %add3A_29 : i32
    %run_scoped3A_31 = arith.constant 0 : i32
    "tpu.region"() ({
      %run_scoped3A_136 = tpu.sem_alloc : memref<!tpu.dma_semaphore, #tpu.memory_space<semaphore_mem>>
      %dma_start3A_137 = arith.constant 0 : i32
      %dma_start3A_138 = arith.constant 0 : i32
      %dma_start3A_139 = tpu.memref_slice %arg8[%run_scoped3A_31, %dma_start3A_137, %dma_start3A_138] : memref<2x80x128xf32, #tpu.memory_space<vmem>> -> memref<1x80x128xf32, #tpu.memory_space<vmem>>
      %dma_start3A_140 = tpu.memref_squeeze %dma_start3A_139 : memref<1x80x128xf32, #tpu.memory_space<vmem>> -> memref<80x128xf32, #tpu.memory_space<vmem>>
      %dma_start3A_141 = arith.constant 0 : i32
      %dma_start3A_142 = arith.constant 0 : i32
      %dma_start3A_143 = tpu.memref_slice %dma_start3A_140[%dma_start3A_141, %dma_start3A_142] : memref<80x128xf32, #tpu.memory_space<vmem>> -> memref<80x128xf32, #tpu.memory_space<vmem>>
      %dma_start3A_144 = arith.constant 0 : i32
      %dma_start3A_145 = tpu.memref_slice %arg9[%add3A_30, %dma_start3A_144] : memref<10000x128xf32, #tpu.memory_space<vmem_shared>> -> memref<80x128xf32, #tpu.memory_space<vmem_shared>>
      %dma_start3A_146 = arith.constant 0 : i32
      %dma_start3A_147 = tpu.memref_slice %arg9[%add3A_30, %dma_start3A_146] : memref<10000x128xf32, #tpu.memory_space<vmem_shared>> -> memref<80x128xf32, #tpu.memory_space<vmem_shared>>
      %dma_start3A_148 = arith.constant 0 : i32
      %dma_start3A_149 = arith.constant 0 : i32
      %dma_start3A_150 = tpu.memref_slice %arg8[%run_scoped3A_31, %dma_start3A_148, %dma_start3A_149] : memref<2x80x128xf32, #tpu.memory_space<vmem>> -> memref<1x80x128xf32, #tpu.memory_space<vmem>>
      %dma_start3A_151 = tpu.memref_squeeze %dma_start3A_150 : memref<1x80x128xf32, #tpu.memory_space<vmem>> -> memref<80x128xf32, #tpu.memory_space<vmem>>
      %dma_start3A_152 = arith.constant 0 : i32
      %dma_start3A_153 = arith.constant 0 : i32
      %dma_start3A_154 = tpu.memref_slice %dma_start3A_151[%dma_start3A_152, %dma_start3A_153] : memref<80x128xf32, #tpu.memory_space<vmem>> -> memref<80x128xf32, #tpu.memory_space<vmem>>
      tpu.enqueue_dma source(%dma_start3A_154 : memref<80x128xf32, #tpu.memory_space<vmem>>) target(%dma_start3A_147 : memref<80x128xf32, #tpu.memory_space<vmem_shared>>) target_semaphore(%run_scoped3A_136 : memref<!tpu.dma_semaphore, #tpu.memory_space<semaphore_mem>>)
      %dma_wait3A_155 = arith.constant 0 : i32
      %dma_wait3A_156 = arith.constant 0 : i32
      %dma_wait3A_157 = tpu.memref_slice %arg8[%run_scoped3A_31, %dma_wait3A_155, %dma_wait3A_156] : memref<2x80x128xf32, #tpu.memory_space<vmem>> -> memref<1x80x128xf32, #tpu.memory_space<vmem>>
      %dma_wait3A_158 = tpu.memref_squeeze %dma_wait3A_157 : memref<1x80x128xf32, #tpu.memory_space<vmem>> -> memref<80x128xf32, #tpu.memory_space<vmem>>
      %dma_wait3A_159 = arith.constant 0 : i32
      %dma_wait3A_160 = arith.constant 0 : i32
      %dma_wait3A_161 = tpu.memref_slice %dma_wait3A_158[%dma_wait3A_159, %dma_wait3A_160] : memref<80x128xf32, #tpu.memory_space<vmem>> -> memref<80x128xf32, #tpu.memory_space<vmem>>
      %dma_wait3A_162 = arith.constant 0 : i32
      %dma_wait3A_163 = tpu.memref_slice %arg9[%add3A_30, %dma_wait3A_162] : memref<10000x128xf32, #tpu.memory_space<vmem_shared>> -> memref<80x128xf32, #tpu.memory_space<vmem_shared>>
      %dma_wait3A_164 = arith.constant 0 : i32
      %dma_wait3A_165 = tpu.memref_slice %arg9[%add3A_30, %dma_wait3A_164] : memref<10000x128xf32, #tpu.memory_space<vmem_shared>> -> memref<80x128xf32, #tpu.memory_space<vmem_shared>>
      %dma_wait3A_166 = arith.constant 0 : i32
      %dma_wait3A_167 = arith.constant 0 : i32
      %dma_wait3A_168 = tpu.memref_slice %arg8[%run_scoped3A_31, %dma_wait3A_166, %dma_wait3A_167] : memref<2x80x128xf32, #tpu.memory_space<vmem>> -> memref<1x80x128xf32, #tpu.memory_space<vmem>>
      %dma_wait3A_169 = tpu.memref_squeeze %dma_wait3A_168 : memref<1x80x128xf32, #tpu.memory_space<vmem>> -> memref<80x128xf32, #tpu.memory_space<vmem>>
      %dma_wait3A_170 = arith.constant 0 : i32
      %dma_wait3A_171 = arith.constant 0 : i32
      %dma_wait3A_172 = tpu.memref_slice %dma_wait3A_169[%dma_wait3A_170, %dma_wait3A_171] : memref<80x128xf32, #tpu.memory_space<vmem>> -> memref<80x128xf32, #tpu.memory_space<vmem>>
      tpu.wait_dma2 semaphore(%run_scoped3A_136 : memref<!tpu.dma_semaphore, #tpu.memory_space<semaphore_mem>>) src(%dma_wait3A_172 : memref<80x128xf32, #tpu.memory_space<vmem>>) dst(%dma_wait3A_165 : memref<80x128xf32, #tpu.memory_space<vmem_shared>>)
      tpu.yield
    }) : () -> ()
    %add3A_32 = arith.constant 160 : i32
    %add3A_33 = arith.addi %multiple_of3A_25, %add3A_32 : i32
    %run_scoped3A_34 = arith.constant 0 : i32
    "tpu.region"() ({
      %run_scoped3A_136 = tpu.sem_alloc : memref<!tpu.dma_semaphore, #tpu.memory_space<semaphore_mem>>
      %dma_start3A_137 = arith.constant 0 : i32
      %dma_start3A_138 = arith.constant 0 : i32
      %dma_start3A_139 = tpu.memref_slice %arg8[%run_scoped3A_34, %dma_start3A_137, %dma_start3A_138] : memref<2x80x128xf32, #tpu.memory_space<vmem>> -> memref<1x80x128xf32, #tpu.memory_space<vmem>>
      %dma_start3A_140 = tpu.memref_squeeze %dma_start3A_139 : memref<1x80x128xf32, #tpu.memory_space<vmem>> -> memref<80x128xf32, #tpu.memory_space<vmem>>
      %dma_start3A_141 = arith.constant 0 : i32
      %dma_start3A_142 = arith.constant 0 : i32
      %dma_start3A_143 = tpu.memref_slice %dma_start3A_140[%dma_start3A_141, %dma_start3A_142] : memref<80x128xf32, #tpu.memory_space<vmem>> -> memref<80x128xf32, #tpu.memory_space<vmem>>
      %dma_start3A_144 = arith.constant 0 : i32
      %dma_start3A_145 = tpu.memref_slice %arg9[%add3A_33, %dma_start3A_144] : memref<10000x128xf32, #tpu.memory_space<vmem_shared>> -> memref<80x128xf32, #tpu.memory_space<vmem_shared>>
      %dma_start3A_146 = arith.constant 0 : i32
      %dma_start3A_147 = tpu.memref_slice %arg9[%add3A_33, %dma_start3A_146] : memref<10000x128xf32, #tpu.memory_space<vmem_shared>> -> memref<80x128xf32, #tpu.memory_space<vmem_shared>>
      %dma_start3A_148 = arith.constant 0 : i32
      %dma_start3A_149 = arith.constant 0 : i32
      %dma_start3A_150 = tpu.memref_slice %arg8[%run_scoped3A_34, %dma_start3A_148, %dma_start3A_149] : memref<2x80x128xf32, #tpu.memory_space<vmem>> -> memref<1x80x128xf32, #tpu.memory_space<vmem>>
      %dma_start3A_151 = tpu.memref_squeeze %dma_start3A_150 : memref<1x80x128xf32, #tpu.memory_space<vmem>> -> memref<80x128xf32, #tpu.memory_space<vmem>>
      %dma_start3A_152 = arith.constant 0 : i32
      %dma_start3A_153 = arith.constant 0 : i32
      %dma_start3A_154 = tpu.memref_slice %dma_start3A_151[%dma_start3A_152, %dma_start3A_153] : memref<80x128xf32, #tpu.memory_space<vmem>> -> memref<80x128xf32, #tpu.memory_space<vmem>>
      tpu.enqueue_dma source(%dma_start3A_154 : memref<80x128xf32, #tpu.memory_space<vmem>>) target(%dma_start3A_147 : memref<80x128xf32, #tpu.memory_space<vmem_shared>>) target_semaphore(%run_scoped3A_136 : memref<!tpu.dma_semaphore, #tpu.memory_space<semaphore_mem>>)
      %dma_wait3A_155 = arith.constant 0 : i32
      %dma_wait3A_156 = arith.constant 0 : i32
      %dma_wait3A_157 = tpu.memref_slice %arg8[%run_scoped3A_34, %dma_wait3A_155, %dma_wait3A_156] : memref<2x80x128xf32, #tpu.memory_space<vmem>> -> memref<1x80x128xf32, #tpu.memory_space<vmem>>
      %dma_wait3A_158 = tpu.memref_squeeze %dma_wait3A_157 : memref<1x80x128xf32, #tpu.memory_space<vmem>> -> memref<80x128xf32, #tpu.memory_space<vmem>>
      %dma_wait3A_159 = arith.constant 0 : i32
      %dma_wait3A_160 = arith.constant 0 : i32
      %dma_wait3A_161 = tpu.memref_slice %dma_wait3A_158[%dma_wait3A_159, %dma_wait3A_160] : memref<80x128xf32, #tpu.memory_space<vmem>> -> memref<80x128xf32, #tpu.memory_space<vmem>>
      %dma_wait3A_162 = arith.constant 0 : i32
      %dma_wait3A_163 = tpu.memref_slice %arg9[%add3A_33, %dma_wait3A_162] : memref<10000x128xf32, #tpu.memory_space<vmem_shared>> -> memref<80x128xf32, #tpu.memory_space<vmem_shared>>
      %dma_wait3A_164 = arith.constant 0 : i32
      %dma_wait3A_165 = tpu.memref_slice %arg9[%add3A_33, %dma_wait3A_164] : memref<10000x128xf32, #tpu.memory_space<vmem_shared>> -> memref<80x128xf32, #tpu.memory_space<vmem_shared>>
      %dma_wait3A_166 = arith.constant 0 : i32
      %dma_wait3A_167 = arith.constant 0 : i32
      %dma_wait3A_168 = tpu.memref_slice %arg8[%run_scoped3A_34, %dma_wait3A_166, %dma_wait3A_167] : memref<2x80x128xf32, #tpu.memory_space<vmem>> -> memref<1x80x128xf32, #tpu.memory_space<vmem>>
      %dma_wait3A_169 = tpu.memref_squeeze %dma_wait3A_168 : memref<1x80x128xf32, #tpu.memory_space<vmem>> -> memref<80x128xf32, #tpu.memory_space<vmem>>
      %dma_wait3A_170 = arith.constant 0 : i32
      %dma_wait3A_171 = arith.constant 0 : i32
      %dma_wait3A_172 = tpu.memref_slice %dma_wait3A_169[%dma_wait3A_170, %dma_wait3A_171] : memref<80x128xf32, #tpu.memory_space<vmem>> -> memref<80x128xf32, #tpu.memory_space<vmem>>
      tpu.wait_dma2 semaphore(%run_scoped3A_136 : memref<!tpu.dma_semaphore, #tpu.memory_space<semaphore_mem>>) src(%dma_wait3A_172 : memref<80x128xf32, #tpu.memory_space<vmem>>) dst(%dma_wait3A_165 : memref<80x128xf32, #tpu.memory_space<vmem_shared>>)
      tpu.yield
    }) : () -> ()
    %add3A_35 = arith.constant 240 : i32
    %add3A_36 = arith.addi %multiple_of3A_25, %add3A_35 : i32
    %run_scoped3A_37 = arith.constant 0 : i32
    "tpu.region"() ({
      %run_scoped3A_136 = tpu.sem_alloc : memref<!tpu.dma_semaphore, #tpu.memory_space<semaphore_mem>>
      %dma_start3A_137 = arith.constant 0 : i32
      %dma_start3A_138 = arith.constant 0 : i32
      %dma_start3A_139 = tpu.memref_slice %arg8[%run_scoped3A_37, %dma_start3A_137, %dma_start3A_138] : memref<2x80x128xf32, #tpu.memory_space<vmem>> -> memref<1x80x128xf32, #tpu.memory_space<vmem>>
      %dma_start3A_140 = tpu.memref_squeeze %dma_start3A_139 : memref<1x80x128xf32, #tpu.memory_space<vmem>> -> memref<80x128xf32, #tpu.memory_space<vmem>>
      %dma_start3A_141 = arith.constant 0 : i32
      %dma_start3A_142 = arith.constant 0 : i32
      %dma_start3A_143 = tpu.memref_slice %dma_start3A_140[%dma_start3A_141, %dma_start3A_142] : memref<80x128xf32, #tpu.memory_space<vmem>> -> memref<80x128xf32, #tpu.memory_space<vmem>>
      %dma_start3A_144 = arith.constant 0 : i32
      %dma_start3A_145 = tpu.memref_slice %arg9[%add3A_36, %dma_start3A_144] : memref<10000x128xf32, #tpu.memory_space<vmem_shared>> -> memref<80x128xf32, #tpu.memory_space<vmem_shared>>
      %dma_start3A_146 = arith.constant 0 : i32
      %dma_start3A_147 = tpu.memref_slice %arg9[%add3A_36, %dma_start3A_146] : memref<10000x128xf32, #tpu.memory_space<vmem_shared>> -> memref<80x128xf32, #tpu.memory_space<vmem_shared>>
      %dma_start3A_148 = arith.constant 0 : i32
      %dma_start3A_149 = arith.constant 0 : i32
      %dma_start3A_150 = tpu.memref_slice %arg8[%run_scoped3A_37, %dma_start3A_148, %dma_start3A_149] : memref<2x80x128xf32, #tpu.memory_space<vmem>> -> memref<1x80x128xf32, #tpu.memory_space<vmem>>
      %dma_start3A_151 = tpu.memref_squeeze %dma_start3A_150 : memref<1x80x128xf32, #tpu.memory_space<vmem>> -> memref<80x128xf32, #tpu.memory_space<vmem>>
      %dma_start3A_152 = arith.constant 0 : i32
      %dma_start3A_153 = arith.constant 0 : i32
      %dma_start3A_154 = tpu.memref_slice %dma_start3A_151[%dma_start3A_152, %dma_start3A_153] : memref<80x128xf32, #tpu.memory_space<vmem>> -> memref<80x128xf32, #tpu.memory_space<vmem>>
      tpu.enqueue_dma source(%dma_start3A_154 : memref<80x128xf32, #tpu.memory_space<vmem>>) target(%dma_start3A_147 : memref<80x128xf32, #tpu.memory_space<vmem_shared>>) target_semaphore(%run_scoped3A_136 : memref<!tpu.dma_semaphore, #tpu.memory_space<semaphore_mem>>)
      %dma_wait3A_155 = arith.constant 0 : i32
      %dma_wait3A_156 = arith.constant 0 : i32
      %dma_wait3A_157 = tpu.memref_slice %arg8[%run_scoped3A_37, %dma_wait3A_155, %dma_wait3A_156] : memref<2x80x128xf32, #tpu.memory_space<vmem>> -> memref<1x80x128xf32, #tpu.memory_space<vmem>>
      %dma_wait3A_158 = tpu.memref_squeeze %dma_wait3A_157 : memref<1x80x128xf32, #tpu.memory_space<vmem>> -> memref<80x128xf32, #tpu.memory_space<vmem>>
      %dma_wait3A_159 = arith.constant 0 : i32
      %dma_wait3A_160 = arith.constant 0 : i32
      %dma_wait3A_161 = tpu.memref_slice %dma_wait3A_158[%dma_wait3A_159, %dma_wait3A_160] : memref<80x128xf32, #tpu.memory_space<vmem>> -> memref<80x128xf32, #tpu.memory_space<vmem>>
      %dma_wait3A_162 = arith.constant 0 : i32
      %dma_wait3A_163 = tpu.memref_slice %arg9[%add3A_36, %dma_wait3A_162] : memref<10000x128xf32, #tpu.memory_space<vmem_shared>> -> memref<80x128xf32, #tpu.memory_space<vmem_shared>>
      %dma_wait3A_164 = arith.constant 0 : i32
      %dma_wait3A_165 = tpu.memref_slice %arg9[%add3A_36, %dma_wait3A_164] : memref<10000x128xf32, #tpu.memory_space<vmem_shared>> -> memref<80x128xf32, #tpu.memory_space<vmem_shared>>
      %dma_wait3A_166 = arith.constant 0 : i32
      %dma_wait3A_167 = arith.constant 0 : i32
      %dma_wait3A_168 = tpu.memref_slice %arg8[%run_scoped3A_37, %dma_wait3A_166, %dma_wait3A_167] : memref<2x80x128xf32, #tpu.memory_space<vmem>> -> memref<1x80x128xf32, #tpu.memory_space<vmem>>
      %dma_wait3A_169 = tpu.memref_squeeze %dma_wait3A_168 : memref<1x80x128xf32, #tpu.memory_space<vmem>> -> memref<80x128xf32, #tpu.memory_space<vmem>>
      %dma_wait3A_170 = arith.constant 0 : i32
      %dma_wait3A_171 = arith.constant 0 : i32
      %dma_wait3A_172 = tpu.memref_slice %dma_wait3A_169[%dma_wait3A_170, %dma_wait3A_171] : memref<80x128xf32, #tpu.memory_space<vmem>> -> memref<80x128xf32, #tpu.memory_space<vmem>>
      tpu.wait_dma2 semaphore(%run_scoped3A_136 : memref<!tpu.dma_semaphore, #tpu.memory_space<semaphore_mem>>) src(%dma_wait3A_172 : memref<80x128xf32, #tpu.memory_space<vmem>>) dst(%dma_wait3A_165 : memref<80x128xf32, #tpu.memory_space<vmem_shared>>)
      tpu.yield
    }) : () -> ()
    %add3A_38 = arith.constant 320 : i32
    %add3A_39 = arith.addi %multiple_of3A_25, %add3A_38 : i32
    %run_scoped3A_40 = arith.constant 0 : i32
    "tpu.region"() ({
      %run_scoped3A_136 = tpu.sem_alloc : memref<!tpu.dma_semaphore, #tpu.memory_space<semaphore_mem>>
      %dma_start3A_137 = arith.constant 0 : i32
      %dma_start3A_138 = arith.constant 0 : i32
      %dma_start3A_139 = tpu.memref_slice %arg8[%run_scoped3A_40, %dma_start3A_137, %dma_start3A_138] : memref<2x80x128xf32, #tpu.memory_space<vmem>> -> memref<1x80x128xf32, #tpu.memory_space<vmem>>
      %dma_start3A_140 = tpu.memref_squeeze %dma_start3A_139 : memref<1x80x128xf32, #tpu.memory_space<vmem>> -> memref<80x128xf32, #tpu.memory_space<vmem>>
      %dma_start3A_141 = arith.constant 0 : i32
      %dma_start3A_142 = arith.constant 0 : i32
      %dma_start3A_143 = tpu.memref_slice %dma_start3A_140[%dma_start3A_141, %dma_start3A_142] : memref<80x128xf32, #tpu.memory_space<vmem>> -> memref<80x128xf32, #tpu.memory_space<vmem>>
      %dma_start3A_144 = arith.constant 0 : i32
      %dma_start3A_145 = tpu.memref_slice %arg9[%add3A_39, %dma_start3A_144] : memref<10000x128xf32, #tpu.memory_space<vmem_shared>> -> memref<80x128xf32, #tpu.memory_space<vmem_shared>>
      %dma_start3A_146 = arith.constant 0 : i32
      %dma_start3A_147 = tpu.memref_slice %arg9[%add3A_39, %dma_start3A_146] : memref<10000x128xf32, #tpu.memory_space<vmem_shared>> -> memref<80x128xf32, #tpu.memory_space<vmem_shared>>
      %dma_start3A_148 = arith.constant 0 : i32
      %dma_start3A_149 = arith.constant 0 : i32
      %dma_start3A_150 = tpu.memref_slice %arg8[%run_scoped3A_40, %dma_start3A_148, %dma_start3A_149] : memref<2x80x128xf32, #tpu.memory_space<vmem>> -> memref<1x80x128xf32, #tpu.memory_space<vmem>>
      %dma_start3A_151 = tpu.memref_squeeze %dma_start3A_150 : memref<1x80x128xf32, #tpu.memory_space<vmem>> -> memref<80x128xf32, #tpu.memory_space<vmem>>
      %dma_start3A_152 = arith.constant 0 : i32
      %dma_start3A_153 = arith.constant 0 : i32
      %dma_start3A_154 = tpu.memref_slice %dma_start3A_151[%dma_start3A_152, %dma_start3A_153] : memref<80x128xf32, #tpu.memory_space<vmem>> -> memref<80x128xf32, #tpu.memory_space<vmem>>
      tpu.enqueue_dma source(%dma_start3A_154 : memref<80x128xf32, #tpu.memory_space<vmem>>) target(%dma_start3A_147 : memref<80x128xf32, #tpu.memory_space<vmem_shared>>) target_semaphore(%run_scoped3A_136 : memref<!tpu.dma_semaphore, #tpu.memory_space<semaphore_mem>>)
      %dma_wait3A_155 = arith.constant 0 : i32
      %dma_wait3A_156 = arith.constant 0 : i32
      %dma_wait3A_157 = tpu.memref_slice %arg8[%run_scoped3A_40, %dma_wait3A_155, %dma_wait3A_156] : memref<2x80x128xf32, #tpu.memory_space<vmem>> -> memref<1x80x128xf32, #tpu.memory_space<vmem>>
      %dma_wait3A_158 = tpu.memref_squeeze %dma_wait3A_157 : memref<1x80x128xf32, #tpu.memory_space<vmem>> -> memref<80x128xf32, #tpu.memory_space<vmem>>
      %dma_wait3A_159 = arith.constant 0 : i32
      %dma_wait3A_160 = arith.constant 0 : i32
      %dma_wait3A_161 = tpu.memref_slice %dma_wait3A_158[%dma_wait3A_159, %dma_wait3A_160] : memref<80x128xf32, #tpu.memory_space<vmem>> -> memref<80x128xf32, #tpu.memory_space<vmem>>
      %dma_wait3A_162 = arith.constant 0 : i32
      %dma_wait3A_163 = tpu.memref_slice %arg9[%add3A_39, %dma_wait3A_162] : memref<10000x128xf32, #tpu.memory_space<vmem_shared>> -> memref<80x128xf32, #tpu.memory_space<vmem_shared>>
      %dma_wait3A_164 = arith.constant 0 : i32
      %dma_wait3A_165 = tpu.memref_slice %arg9[%add3A_39, %dma_wait3A_164] : memref<10000x128xf32, #tpu.memory_space<vmem_shared>> -> memref<80x128xf32, #tpu.memory_space<vmem_shared>>
      %dma_wait3A_166 = arith.constant 0 : i32
      %dma_wait3A_167 = arith.constant 0 : i32
      %dma_wait3A_168 = tpu.memref_slice %arg8[%run_scoped3A_40, %dma_wait3A_166, %dma_wait3A_167] : memref<2x80x128xf32, #tpu.memory_space<vmem>> -> memref<1x80x128xf32, #tpu.memory_space<vmem>>
      %dma_wait3A_169 = tpu.memref_squeeze %dma_wait3A_168 : memref<1x80x128xf32, #tpu.memory_space<vmem>> -> memref<80x128xf32, #tpu.memory_space<vmem>>
      %dma_wait3A_170 = arith.constant 0 : i32
      %dma_wait3A_171 = arith.constant 0 : i32
      %dma_wait3A_172 = tpu.memref_slice %dma_wait3A_169[%dma_wait3A_170, %dma_wait3A_171] : memref<80x128xf32, #tpu.memory_space<vmem>> -> memref<80x128xf32, #tpu.memory_space<vmem>>
      tpu.wait_dma2 semaphore(%run_scoped3A_136 : memref<!tpu.dma_semaphore, #tpu.memory_space<semaphore_mem>>) src(%dma_wait3A_172 : memref<80x128xf32, #tpu.memory_space<vmem>>) dst(%dma_wait3A_165 : memref<80x128xf32, #tpu.memory_space<vmem_shared>>)
      tpu.yield
    }) : () -> ()
    %add3A_41 = arith.constant 400 : i32
    %add3A_42 = arith.addi %multiple_of3A_25, %add3A_41 : i32
    %run_scoped3A_43 = arith.constant 0 : i32
    "tpu.region"() ({
      %run_scoped3A_136 = tpu.sem_alloc : memref<!tpu.dma_semaphore, #tpu.memory_space<semaphore_mem>>
      %dma_start3A_137 = arith.constant 0 : i32
      %dma_start3A_138 = arith.constant 0 : i32
      %dma_start3A_139 = tpu.memref_slice %arg8[%run_scoped3A_43, %dma_start3A_137, %dma_start3A_138] : memref<2x80x128xf32, #tpu.memory_space<vmem>> -> memref<1x80x128xf32, #tpu.memory_space<vmem>>
      %dma_start3A_140 = tpu.memref_squeeze %dma_start3A_139 : memref<1x80x128xf32, #tpu.memory_space<vmem>> -> memref<80x128xf32, #tpu.memory_space<vmem>>
      %dma_start3A_141 = arith.constant 0 : i32
      %dma_start3A_142 = arith.constant 0 : i32
      %dma_start3A_143 = tpu.memref_slice %dma_start3A_140[%dma_start3A_141, %dma_start3A_142] : memref<80x128xf32, #tpu.memory_space<vmem>> -> memref<80x128xf32, #tpu.memory_space<vmem>>
      %dma_start3A_144 = arith.constant 0 : i32
      %dma_start3A_145 = tpu.memref_slice %arg9[%add3A_42, %dma_start3A_144] : memref<10000x128xf32, #tpu.memory_space<vmem_shared>> -> memref<80x128xf32, #tpu.memory_space<vmem_shared>>
      %dma_start3A_146 = arith.constant 0 : i32
      %dma_start3A_147 = tpu.memref_slice %arg9[%add3A_42, %dma_start3A_146] : memref<10000x128xf32, #tpu.memory_space<vmem_shared>> -> memref<80x128xf32, #tpu.memory_space<vmem_shared>>
      %dma_start3A_148 = arith.constant 0 : i32
      %dma_start3A_149 = arith.constant 0 : i32
      %dma_start3A_150 = tpu.memref_slice %arg8[%run_scoped3A_43, %dma_start3A_148, %dma_start3A_149] : memref<2x80x128xf32, #tpu.memory_space<vmem>> -> memref<1x80x128xf32, #tpu.memory_space<vmem>>
      %dma_start3A_151 = tpu.memref_squeeze %dma_start3A_150 : memref<1x80x128xf32, #tpu.memory_space<vmem>> -> memref<80x128xf32, #tpu.memory_space<vmem>>
      %dma_start3A_152 = arith.constant 0 : i32
      %dma_start3A_153 = arith.constant 0 : i32
      %dma_start3A_154 = tpu.memref_slice %dma_start3A_151[%dma_start3A_152, %dma_start3A_153] : memref<80x128xf32, #tpu.memory_space<vmem>> -> memref<80x128xf32, #tpu.memory_space<vmem>>
      tpu.enqueue_dma source(%dma_start3A_154 : memref<80x128xf32, #tpu.memory_space<vmem>>) target(%dma_start3A_147 : memref<80x128xf32, #tpu.memory_space<vmem_shared>>) target_semaphore(%run_scoped3A_136 : memref<!tpu.dma_semaphore, #tpu.memory_space<semaphore_mem>>)
      %dma_wait3A_155 = arith.constant 0 : i32
      %dma_wait3A_156 = arith.constant 0 : i32
      %dma_wait3A_157 = tpu.memref_slice %arg8[%run_scoped3A_43, %dma_wait3A_155, %dma_wait3A_156] : memref<2x80x128xf32, #tpu.memory_space<vmem>> -> memref<1x80x128xf32, #tpu.memory_space<vmem>>
      %dma_wait3A_158 = tpu.memref_squeeze %dma_wait3A_157 : memref<1x80x128xf32, #tpu.memory_space<vmem>> -> memref<80x128xf32, #tpu.memory_space<vmem>>
      %dma_wait3A_159 = arith.constant 0 : i32
      %dma_wait3A_160 = arith.constant 0 : i32
      %dma_wait3A_161 = tpu.memref_slice %dma_wait3A_158[%dma_wait3A_159, %dma_wait3A_160] : memref<80x128xf32, #tpu.memory_space<vmem>> -> memref<80x128xf32, #tpu.memory_space<vmem>>
      %dma_wait3A_162 = arith.constant 0 : i32
      %dma_wait3A_163 = tpu.memref_slice %arg9[%add3A_42, %dma_wait3A_162] : memref<10000x128xf32, #tpu.memory_space<vmem_shared>> -> memref<80x128xf32, #tpu.memory_space<vmem_shared>>
      %dma_wait3A_164 = arith.constant 0 : i32
      %dma_wait3A_165 = tpu.memref_slice %arg9[%add3A_42, %dma_wait3A_164] : memref<10000x128xf32, #tpu.memory_space<vmem_shared>> -> memref<80x128xf32, #tpu.memory_space<vmem_shared>>
      %dma_wait3A_166 = arith.constant 0 : i32
      %dma_wait3A_167 = arith.constant 0 : i32
      %dma_wait3A_168 = tpu.memref_slice %arg8[%run_scoped3A_43, %dma_wait3A_166, %dma_wait3A_167] : memref<2x80x128xf32, #tpu.memory_space<vmem>> -> memref<1x80x128xf32, #tpu.memory_space<vmem>>
      %dma_wait3A_169 = tpu.memref_squeeze %dma_wait3A_168 : memref<1x80x128xf32, #tpu.memory_space<vmem>> -> memref<80x128xf32, #tpu.memory_space<vmem>>
      %dma_wait3A_170 = arith.constant 0 : i32
      %dma_wait3A_171 = arith.constant 0 : i32
      %dma_wait3A_172 = tpu.memref_slice %dma_wait3A_169[%dma_wait3A_170, %dma_wait3A_171] : memref<80x128xf32, #tpu.memory_space<vmem>> -> memref<80x128xf32, #tpu.memory_space<vmem>>
      tpu.wait_dma2 semaphore(%run_scoped3A_136 : memref<!tpu.dma_semaphore, #tpu.memory_space<semaphore_mem>>) src(%dma_wait3A_172 : memref<80x128xf32, #tpu.memory_space<vmem>>) dst(%dma_wait3A_165 : memref<80x128xf32, #tpu.memory_space<vmem_shared>>)
      tpu.yield
    }) : () -> ()
    %add3A_44 = arith.constant 480 : i32
    %add3A_45 = arith.addi %multiple_of3A_25, %add3A_44 : i32
    %run_scoped3A_46 = arith.constant 0 : i32
    "tpu.region"() ({
      %run_scoped3A_136 = tpu.sem_alloc : memref<!tpu.dma_semaphore, #tpu.memory_space<semaphore_mem>>
      %dma_start3A_137 = arith.constant 0 : i32
      %dma_start3A_138 = arith.constant 0 : i32
      %dma_start3A_139 = tpu.memref_slice %arg8[%run_scoped3A_46, %dma_start3A_137, %dma_start3A_138] : memref<2x80x128xf32, #tpu.memory_space<vmem>> -> memref<1x80x128xf32, #tpu.memory_space<vmem>>
      %dma_start3A_140 = tpu.memref_squeeze %dma_start3A_139 : memref<1x80x128xf32, #tpu.memory_space<vmem>> -> memref<80x128xf32, #tpu.memory_space<vmem>>
      %dma_start3A_141 = arith.constant 0 : i32
      %dma_start3A_142 = arith.constant 0 : i32
      %dma_start3A_143 = tpu.memref_slice %dma_start3A_140[%dma_start3A_141, %dma_start3A_142] : memref<80x128xf32, #tpu.memory_space<vmem>> -> memref<80x128xf32, #tpu.memory_space<vmem>>
      %dma_start3A_144 = arith.constant 0 : i32
      %dma_start3A_145 = tpu.memref_slice %arg9[%add3A_45, %dma_start3A_144] : memref<10000x128xf32, #tpu.memory_space<vmem_shared>> -> memref<80x128xf32, #tpu.memory_space<vmem_shared>>
      %dma_start3A_146 = arith.constant 0 : i32
      %dma_start3A_147 = tpu.memref_slice %arg9[%add3A_45, %dma_start3A_146] : memref<10000x128xf32, #tpu.memory_space<vmem_shared>> -> memref<80x128xf32, #tpu.memory_space<vmem_shared>>
      %dma_start3A_148 = arith.constant 0 : i32
      %dma_start3A_149 = arith.constant 0 : i32
      %dma_start3A_150 = tpu.memref_slice %arg8[%run_scoped3A_46, %dma_start3A_148, %dma_start3A_149] : memref<2x80x128xf32, #tpu.memory_space<vmem>> -> memref<1x80x128xf32, #tpu.memory_space<vmem>>
      %dma_start3A_151 = tpu.memref_squeeze %dma_start3A_150 : memref<1x80x128xf32, #tpu.memory_space<vmem>> -> memref<80x128xf32, #tpu.memory_space<vmem>>
      %dma_start3A_152 = arith.constant 0 : i32
      %dma_start3A_153 = arith.constant 0 : i32
      %dma_start3A_154 = tpu.memref_slice %dma_start3A_151[%dma_start3A_152, %dma_start3A_153] : memref<80x128xf32, #tpu.memory_space<vmem>> -> memref<80x128xf32, #tpu.memory_space<vmem>>
      tpu.enqueue_dma source(%dma_start3A_154 : memref<80x128xf32, #tpu.memory_space<vmem>>) target(%dma_start3A_147 : memref<80x128xf32, #tpu.memory_space<vmem_shared>>) target_semaphore(%run_scoped3A_136 : memref<!tpu.dma_semaphore, #tpu.memory_space<semaphore_mem>>)
      %dma_wait3A_155 = arith.constant 0 : i32
      %dma_wait3A_156 = arith.constant 0 : i32
      %dma_wait3A_157 = tpu.memref_slice %arg8[%run_scoped3A_46, %dma_wait3A_155, %dma_wait3A_156] : memref<2x80x128xf32, #tpu.memory_space<vmem>> -> memref<1x80x128xf32, #tpu.memory_space<vmem>>
      %dma_wait3A_158 = tpu.memref_squeeze %dma_wait3A_157 : memref<1x80x128xf32, #tpu.memory_space<vmem>> -> memref<80x128xf32, #tpu.memory_space<vmem>>
      %dma_wait3A_159 = arith.constant 0 : i32
      %dma_wait3A_160 = arith.constant 0 : i32
      %dma_wait3A_161 = tpu.memref_slice %dma_wait3A_158[%dma_wait3A_159, %dma_wait3A_160] : memref<80x128xf32, #tpu.memory_space<vmem>> -> memref<80x128xf32, #tpu.memory_space<vmem>>
      %dma_wait3A_162 = arith.constant 0 : i32
      %dma_wait3A_163 = tpu.memref_slice %arg9[%add3A_45, %dma_wait3A_162] : memref<10000x128xf32, #tpu.memory_space<vmem_shared>> -> memref<80x128xf32, #tpu.memory_space<vmem_shared>>
      %dma_wait3A_164 = arith.constant 0 : i32
      %dma_wait3A_165 = tpu.memref_slice %arg9[%add3A_45, %dma_wait3A_164] : memref<10000x128xf32, #tpu.memory_space<vmem_shared>> -> memref<80x128xf32, #tpu.memory_space<vmem_shared>>
      %dma_wait3A_166 = arith.constant 0 : i32
      %dma_wait3A_167 = arith.constant 0 : i32
      %dma_wait3A_168 = tpu.memref_slice %arg8[%run_scoped3A_46, %dma_wait3A_166, %dma_wait3A_167] : memref<2x80x128xf32, #tpu.memory_space<vmem>> -> memref<1x80x128xf32, #tpu.memory_space<vmem>>
      %dma_wait3A_169 = tpu.memref_squeeze %dma_wait3A_168 : memref<1x80x128xf32, #tpu.memory_space<vmem>> -> memref<80x128xf32, #tpu.memory_space<vmem>>
      %dma_wait3A_170 = arith.constant 0 : i32
      %dma_wait3A_171 = arith.constant 0 : i32
      %dma_wait3A_172 = tpu.memref_slice %dma_wait3A_169[%dma_wait3A_170, %dma_wait3A_171] : memref<80x128xf32, #tpu.memory_space<vmem>> -> memref<80x128xf32, #tpu.memory_space<vmem>>
      tpu.wait_dma2 semaphore(%run_scoped3A_136 : memref<!tpu.dma_semaphore, #tpu.memory_space<semaphore_mem>>) src(%dma_wait3A_172 : memref<80x128xf32, #tpu.memory_space<vmem>>) dst(%dma_wait3A_165 : memref<80x128xf32, #tpu.memory_space<vmem_shared>>)
      tpu.yield
    }) : () -> ()
    %add3A_47 = arith.constant 560 : i32
    %add3A_48 = arith.addi %multiple_of3A_25, %add3A_47 : i32
    %run_scoped3A_49 = arith.constant 0 : i32
    "tpu.region"() ({
      %run_scoped3A_136 = tpu.sem_alloc : memref<!tpu.dma_semaphore, #tpu.memory_space<semaphore_mem>>
      %dma_start3A_137 = arith.constant 0 : i32
      %dma_start3A_138 = arith.constant 0 : i32
      %dma_start3A_139 = tpu.memref_slice %arg8[%run_scoped3A_49, %dma_start3A_137, %dma_start3A_138] : memref<2x80x128xf32, #tpu.memory_space<vmem>> -> memref<1x80x128xf32, #tpu.memory_space<vmem>>
      %dma_start3A_140 = tpu.memref_squeeze %dma_start3A_139 : memref<1x80x128xf32, #tpu.memory_space<vmem>> -> memref<80x128xf32, #tpu.memory_space<vmem>>
      %dma_start3A_141 = arith.constant 0 : i32
      %dma_start3A_142 = arith.constant 0 : i32
      %dma_start3A_143 = tpu.memref_slice %dma_start3A_140[%dma_start3A_141, %dma_start3A_142] : memref<80x128xf32, #tpu.memory_space<vmem>> -> memref<64x128xf32, #tpu.memory_space<vmem>>
      %dma_start3A_144 = arith.constant 0 : i32
      %dma_start3A_145 = tpu.memref_slice %arg9[%add3A_48, %dma_start3A_144] : memref<10000x128xf32, #tpu.memory_space<vmem_shared>> -> memref<64x128xf32, #tpu.memory_space<vmem_shared>>
      %dma_start3A_146 = arith.constant 0 : i32
      %dma_start3A_147 = tpu.memref_slice %arg9[%add3A_48, %dma_start3A_146] : memref<10000x128xf32, #tpu.memory_space<vmem_shared>> -> memref<64x128xf32, #tpu.memory_space<vmem_shared>>
      %dma_start3A_148 = arith.constant 0 : i32
      %dma_start3A_149 = arith.constant 0 : i32
      %dma_start3A_150 = tpu.memref_slice %arg8[%run_scoped3A_49, %dma_start3A_148, %dma_start3A_149] : memref<2x80x128xf32, #tpu.memory_space<vmem>> -> memref<1x80x128xf32, #tpu.memory_space<vmem>>
      %dma_start3A_151 = tpu.memref_squeeze %dma_start3A_150 : memref<1x80x128xf32, #tpu.memory_space<vmem>> -> memref<80x128xf32, #tpu.memory_space<vmem>>
      %dma_start3A_152 = arith.constant 0 : i32
      %dma_start3A_153 = arith.constant 0 : i32
      %dma_start3A_154 = tpu.memref_slice %dma_start3A_151[%dma_start3A_152, %dma_start3A_153] : memref<80x128xf32, #tpu.memory_space<vmem>> -> memref<64x128xf32, #tpu.memory_space<vmem>>
      tpu.enqueue_dma source(%dma_start3A_154 : memref<64x128xf32, #tpu.memory_space<vmem>>) target(%dma_start3A_147 : memref<64x128xf32, #tpu.memory_space<vmem_shared>>) target_semaphore(%run_scoped3A_136 : memref<!tpu.dma_semaphore, #tpu.memory_space<semaphore_mem>>)
      %dma_wait3A_155 = arith.constant 0 : i32
      %dma_wait3A_156 = arith.constant 0 : i32
      %dma_wait3A_157 = tpu.memref_slice %arg8[%run_scoped3A_49, %dma_wait3A_155, %dma_wait3A_156] : memref<2x80x128xf32, #tpu.memory_space<vmem>> -> memref<1x80x128xf32, #tpu.memory_space<vmem>>
      %dma_wait3A_158 = tpu.memref_squeeze %dma_wait3A_157 : memref<1x80x128xf32, #tpu.memory_space<vmem>> -> memref<80x128xf32, #tpu.memory_space<vmem>>
      %dma_wait3A_159 = arith.constant 0 : i32
      %dma_wait3A_160 = arith.constant 0 : i32
      %dma_wait3A_161 = tpu.memref_slice %dma_wait3A_158[%dma_wait3A_159, %dma_wait3A_160] : memref<80x128xf32, #tpu.memory_space<vmem>> -> memref<64x128xf32, #tpu.memory_space<vmem>>
      %dma_wait3A_162 = arith.constant 0 : i32
      %dma_wait3A_163 = tpu.memref_slice %arg9[%add3A_48, %dma_wait3A_162] : memref<10000x128xf32, #tpu.memory_space<vmem_shared>> -> memref<64x128xf32, #tpu.memory_space<vmem_shared>>
      %dma_wait3A_164 = arith.constant 0 : i32
      %dma_wait3A_165 = tpu.memref_slice %arg9[%add3A_48, %dma_wait3A_164] : memref<10000x128xf32, #tpu.memory_space<vmem_shared>> -> memref<64x128xf32, #tpu.memory_space<vmem_shared>>
      %dma_wait3A_166 = arith.constant 0 : i32
      %dma_wait3A_167 = arith.constant 0 : i32
      %dma_wait3A_168 = tpu.memref_slice %arg8[%run_scoped3A_49, %dma_wait3A_166, %dma_wait3A_167] : memref<2x80x128xf32, #tpu.memory_space<vmem>> -> memref<1x80x128xf32, #tpu.memory_space<vmem>>
      %dma_wait3A_169 = tpu.memref_squeeze %dma_wait3A_168 : memref<1x80x128xf32, #tpu.memory_space<vmem>> -> memref<80x128xf32, #tpu.memory_space<vmem>>
      %dma_wait3A_170 = arith.constant 0 : i32
      %dma_wait3A_171 = arith.constant 0 : i32
      %dma_wait3A_172 = tpu.memref_slice %dma_wait3A_169[%dma_wait3A_170, %dma_wait3A_171] : memref<80x128xf32, #tpu.memory_space<vmem>> -> memref<64x128xf32, #tpu.memory_space<vmem>>
      tpu.wait_dma2 semaphore(%run_scoped3A_136 : memref<!tpu.dma_semaphore, #tpu.memory_space<semaphore_mem>>) src(%dma_wait3A_172 : memref<64x128xf32, #tpu.memory_space<vmem>>) dst(%dma_wait3A_165 : memref<64x128xf32, #tpu.memory_space<vmem_shared>>)
      tpu.yield
    }) : () -> ()
    %eq3A = arith.constant 15 : i32
    %eq3A_50 = arith.cmpi eq, %arg1, %eq3A : i32
    %convert_element_type3A = arith.extui %eq3A_50 : i1 to i32
    %cond3A = arith.constant 0 : i32
    %cond3A_51 = arith.constant 0 : i32
    %cond3A_52 = arith.cmpi ne, %convert_element_type3A, %cond3A_51 : i32
    scf.if %cond3A_52 {
      "tpu.region"() ({
        %run_scoped3A_136 = tpu.sem_alloc : memref<!tpu.dma_semaphore, #tpu.memory_space<semaphore_mem>>
        %dma_start3A_137 = arith.constant 0 : i32
        %dma_start3A_138 = arith.constant 0 : i32
        %dma_start3A_139 = tpu.memref_slice %arg8[%cond3A, %dma_start3A_137, %dma_start3A_138] : memref<2x80x128xf32, #tpu.memory_space<vmem>> -> memref<1x80x128xf32, #tpu.memory_space<vmem>>
        %dma_start3A_140 = tpu.memref_squeeze %dma_start3A_139 : memref<1x80x128xf32, #tpu.memory_space<vmem>> -> memref<80x128xf32, #tpu.memory_space<vmem>>
        %dma_start3A_141 = arith.constant 0 : i32
        %dma_start3A_142 = arith.constant 0 : i32
        %dma_start3A_143 = tpu.memref_slice %dma_start3A_140[%dma_start3A_141, %dma_start3A_142] : memref<80x128xf32, #tpu.memory_space<vmem>> -> memref<16x128xf32, #tpu.memory_space<vmem>>
        %dma_start3A_144 = arith.constant 9984 : i32
        %dma_start3A_145 = arith.constant 0 : i32
        %dma_start3A_146 = tpu.memref_slice %arg9[%dma_start3A_144, %dma_start3A_145] : memref<10000x128xf32, #tpu.memory_space<vmem_shared>> -> memref<16x128xf32, #tpu.memory_space<vmem_shared>>
        %dma_start3A_147 = arith.constant 9984 : i32
        %dma_start3A_148 = arith.constant 0 : i32
        %dma_start3A_149 = tpu.memref_slice %arg9[%dma_start3A_147, %dma_start3A_148] : memref<10000x128xf32, #tpu.memory_space<vmem_shared>> -> memref<16x128xf32, #tpu.memory_space<vmem_shared>>
        %dma_start3A_150 = arith.constant 0 : i32
        %dma_start3A_151 = arith.constant 0 : i32
        %dma_start3A_152 = tpu.memref_slice %arg8[%cond3A, %dma_start3A_150, %dma_start3A_151] : memref<2x80x128xf32, #tpu.memory_space<vmem>> -> memref<1x80x128xf32, #tpu.memory_space<vmem>>
        %dma_start3A_153 = tpu.memref_squeeze %dma_start3A_152 : memref<1x80x128xf32, #tpu.memory_space<vmem>> -> memref<80x128xf32, #tpu.memory_space<vmem>>
        %dma_start3A_154 = arith.constant 0 : i32
        %dma_start3A_155 = arith.constant 0 : i32
        %dma_start3A_156 = tpu.memref_slice %dma_start3A_153[%dma_start3A_154, %dma_start3A_155] : memref<80x128xf32, #tpu.memory_space<vmem>> -> memref<16x128xf32, #tpu.memory_space<vmem>>
        tpu.enqueue_dma source(%dma_start3A_156 : memref<16x128xf32, #tpu.memory_space<vmem>>) target(%dma_start3A_149 : memref<16x128xf32, #tpu.memory_space<vmem_shared>>) target_semaphore(%run_scoped3A_136 : memref<!tpu.dma_semaphore, #tpu.memory_space<semaphore_mem>>)
        %dma_wait3A_157 = arith.constant 0 : i32
        %dma_wait3A_158 = arith.constant 0 : i32
        %dma_wait3A_159 = tpu.memref_slice %arg8[%cond3A, %dma_wait3A_157, %dma_wait3A_158] : memref<2x80x128xf32, #tpu.memory_space<vmem>> -> memref<1x80x128xf32, #tpu.memory_space<vmem>>
        %dma_wait3A_160 = tpu.memref_squeeze %dma_wait3A_159 : memref<1x80x128xf32, #tpu.memory_space<vmem>> -> memref<80x128xf32, #tpu.memory_space<vmem>>
        %dma_wait3A_161 = arith.constant 0 : i32
        %dma_wait3A_162 = arith.constant 0 : i32
        %dma_wait3A_163 = tpu.memref_slice %dma_wait3A_160[%dma_wait3A_161, %dma_wait3A_162] : memref<80x128xf32, #tpu.memory_space<vmem>> -> memref<16x128xf32, #tpu.memory_space<vmem>>
        %dma_wait3A_164 = arith.constant 9984 : i32
        %dma_wait3A_165 = arith.constant 0 : i32
        %dma_wait3A_166 = tpu.memref_slice %arg9[%dma_wait3A_164, %dma_wait3A_165] : memref<10000x128xf32, #tpu.memory_space<vmem_shared>> -> memref<16x128xf32, #tpu.memory_space<vmem_shared>>
        %dma_wait3A_167 = arith.constant 9984 : i32
        %dma_wait3A_168 = arith.constant 0 : i32
        %dma_wait3A_169 = tpu.memref_slice %arg9[%dma_wait3A_167, %dma_wait3A_168] : memref<10000x128xf32, #tpu.memory_space<vmem_shared>> -> memref<16x128xf32, #tpu.memory_space<vmem_shared>>
        %dma_wait3A_170 = arith.constant 0 : i32
        %dma_wait3A_171 = arith.constant 0 : i32
        %dma_wait3A_172 = tpu.memref_slice %arg8[%cond3A, %dma_wait3A_170, %dma_wait3A_171] : memref<2x80x128xf32, #tpu.memory_space<vmem>> -> memref<1x80x128xf32, #tpu.memory_space<vmem>>
        %dma_wait3A_173 = tpu.memref_squeeze %dma_wait3A_172 : memref<1x80x128xf32, #tpu.memory_space<vmem>> -> memref<80x128xf32, #tpu.memory_space<vmem>>
        %dma_wait3A_174 = arith.constant 0 : i32
        %dma_wait3A_175 = arith.constant 0 : i32
        %dma_wait3A_176 = tpu.memref_slice %dma_wait3A_173[%dma_wait3A_174, %dma_wait3A_175] : memref<80x128xf32, #tpu.memory_space<vmem>> -> memref<16x128xf32, #tpu.memory_space<vmem>>
        tpu.wait_dma2 semaphore(%run_scoped3A_136 : memref<!tpu.dma_semaphore, #tpu.memory_space<semaphore_mem>>) src(%dma_wait3A_176 : memref<16x128xf32, #tpu.memory_space<vmem>>) dst(%dma_wait3A_169 : memref<16x128xf32, #tpu.memory_space<vmem_shared>>)
        tpu.yield
      }) : () -> ()
    } else {
    }
    %multiple_of3A_53 = arith.constant 0 : i32
    %multiple_of3A_54 = tpu.assume_multiple %multiple_of3A_53, 8 : i32
    %dma_start3A_55 = arith.constant 0 : i32
    %dma_start3A_56 = arith.constant 0 : i32
    %dma_start3A_57 = arith.constant 0 : i32
    %dma_start3A_58 = tpu.memref_slice %arg8[%dma_start3A_55, %dma_start3A_56, %dma_start3A_57] : memref<2x80x128xf32, #tpu.memory_space<vmem>> -> memref<1x80x128xf32, #tpu.memory_space<vmem>>
    %dma_start3A_59 = tpu.memref_squeeze %dma_start3A_58 : memref<1x80x128xf32, #tpu.memory_space<vmem>> -> memref<80x128xf32, #tpu.memory_space<vmem>>
    %dma_start3A_60 = tpu.memref_slice %arg6[%multiple_of3A_54] : memref<10000xi32, #tpu.memory_space<vmem>> -> memref<80xi32, #tpu.memory_space<vmem>>
    %dma_start3A_61 = arith.constant 0 : i32
    %dma_start3A_62 = arith.constant 0 : i32
    %dma_start3A_63 = tpu.memref_slice %arg4[%dma_start3A_61, %dma_start3A_62] : memref<10000x128xf32, #tpu.memory_space<hbm>> -> memref<10000x128xf32, #tpu.memory_space<hbm>>
    tpu.enqueue_indirect_dma source(%dma_start3A_63 : memref<10000x128xf32, #tpu.memory_space<hbm>>) target(%dma_start3A_59 : memref<80x128xf32, #tpu.memory_space<vmem>>) offsets(%dma_start3A_60 : memref<80xi32, #tpu.memory_space<vmem>>) semaphore(%arg10 : memref<!tpu.dma_semaphore, #tpu.memory_space<semaphore_mem>>)
    %dma_wait3A = arith.constant 0 : i32
    %dma_wait3A_64 = arith.constant 0 : i32
    %dma_wait3A_65 = tpu.memref_slice %arg3[%add3A, %dma_wait3A, %dma_wait3A_64] : memref<32x125x80xi32, #tpu.memory_space<hbm>> -> memref<1x125x80xi32, #tpu.memory_space<hbm>>
    %dma_wait3A_66 = tpu.memref_squeeze %dma_wait3A_65 : memref<1x125x80xi32, #tpu.memory_space<hbm>> -> memref<125x80xi32, #tpu.memory_space<hbm>>
    %dma_wait3A_67 = arith.constant 0 : i32
    %dma_wait3A_68 = arith.constant 0 : i32
    %dma_wait3A_69 = tpu.memref_slice %arg3[%add3A, %dma_wait3A_67, %dma_wait3A_68] : memref<32x125x80xi32, #tpu.memory_space<hbm>> -> memref<1x125x80xi32, #tpu.memory_space<hbm>>
    %dma_wait3A_70 = tpu.memref_squeeze %dma_wait3A_69 : memref<1x125x80xi32, #tpu.memory_space<hbm>> -> memref<125x80xi32, #tpu.memory_space<hbm>>
    tpu.wait_dma2 semaphore(%arg12 : memref<!tpu.dma_semaphore, #tpu.memory_space<semaphore_mem>>) src(%dma_wait3A_70 : memref<125x80xi32, #tpu.memory_space<hbm>>) dst(%arg7 : memref<125x80xi32, #tpu.memory_space<vmem>>)
    %barrier3A = arith.constant 0 : index
    tpu.barrier barrier_id(%barrier3A)
    %scan3A_71 = arith.constant 0 : i32
    %scan3A_72 = arith.constant 0 : i32
    %scan3A_73 = arith.constant 61 : i32
    %scan3A_74 = arith.addi %scan3A_72, %scan3A_73 : i32
    %scan3A_75 = arith.constant 1 : i32
    scf.for %scan3A_136 = %scan3A_72 to %scan3A_74 step %scan3A_75  : i32 {
      %mul3A_137 = arith.constant 2 : i32
      %mul3A_138 = arith.muli %mul3A_137, %scan3A_136 : i32
      %add3A_139 = arith.constant 0 : i32
      %add3A_140 = arith.addi %mul3A_138, %add3A_139 : i32
      %mul3A_141 = arith.constant 80 : i32
      %mul3A_142 = arith.muli %add3A_140, %mul3A_141 : i32
      %multiple_of3A_143 = tpu.assume_multiple %mul3A_142, 8 : i32
      %dma_wait3A_144 = arith.constant 0 : i32
      %dma_wait3A_145 = arith.constant 0 : i32
      %dma_wait3A_146 = arith.constant 0 : i32
      %dma_wait3A_147 = tpu.memref_slice %arg8[%dma_wait3A_144, %dma_wait3A_145, %dma_wait3A_146] : memref<2x80x128xf32, #tpu.memory_space<vmem>> -> memref<1x80x128xf32, #tpu.memory_space<vmem>>
      %dma_wait3A_148 = tpu.memref_squeeze %dma_wait3A_147 : memref<1x80x128xf32, #tpu.memory_space<vmem>> -> memref<80x128xf32, #tpu.memory_space<vmem>>
      %dma_wait3A_149 = tpu.memref_slice %arg6[%multiple_of3A_143] : memref<10000xi32, #tpu.memory_space<vmem>> -> memref<80xi32, #tpu.memory_space<vmem>>
      %dma_wait3A_150 = arith.constant 0 : i32
      %dma_wait3A_151 = arith.constant 0 : i32
      %dma_wait3A_152 = tpu.memref_slice %arg4[%dma_wait3A_150, %dma_wait3A_151] : memref<10000x128xf32, #tpu.memory_space<hbm>> -> memref<10000x128xf32, #tpu.memory_space<hbm>>
      tpu.wait_indirect_dma semaphore(%arg10 : memref<!tpu.dma_semaphore, #tpu.memory_space<semaphore_mem>>) src(%dma_wait3A_152 : memref<10000x128xf32, #tpu.memory_space<hbm>>) dst(%dma_wait3A_148 : memref<80x128xf32, #tpu.memory_space<vmem>>)
      %run_scoped3A_153 = arith.constant 0 : i32
      "tpu.region"() ({
        %run_scoped3A_199 = tpu.sem_alloc : memref<!tpu.dma_semaphore, #tpu.memory_space<semaphore_mem>>
        %dma_start3A_200 = arith.constant 0 : i32
        %dma_start3A_201 = arith.constant 0 : i32
        %dma_start3A_202 = tpu.memref_slice %arg8[%run_scoped3A_153, %dma_start3A_200, %dma_start3A_201] : memref<2x80x128xf32, #tpu.memory_space<vmem>> -> memref<1x80x128xf32, #tpu.memory_space<vmem>>
        %dma_start3A_203 = tpu.memref_squeeze %dma_start3A_202 : memref<1x80x128xf32, #tpu.memory_space<vmem>> -> memref<80x128xf32, #tpu.memory_space<vmem>>
        %dma_start3A_204 = arith.constant 0 : i32
        %dma_start3A_205 = tpu.memref_slice %arg7[%add3A_140, %dma_start3A_204] : memref<125x80xi32, #tpu.memory_space<vmem>> -> memref<1x80xi32, #tpu.memory_space<vmem>>
        %dma_start3A_206 = tpu.memref_squeeze %dma_start3A_205 : memref<1x80xi32, #tpu.memory_space<vmem>> -> memref<80xi32, #tpu.memory_space<vmem>>
        %dma_start3A_207 = arith.constant 0 : i32
        %dma_start3A_208 = arith.constant 0 : i32
        %dma_start3A_209 = tpu.memref_slice %arg9[%dma_start3A_207, %dma_start3A_208] : memref<10000x128xf32, #tpu.memory_space<vmem_shared>> -> memref<10000x128xf32, #tpu.memory_space<vmem_shared>>
        tpu.enqueue_indirect_dma source(%dma_start3A_203 : memref<80x128xf32, #tpu.memory_space<vmem>>) target(%dma_start3A_209 : memref<10000x128xf32, #tpu.memory_space<vmem_shared>>) offsets(%dma_start3A_206 : memref<80xi32, #tpu.memory_space<vmem>>) semaphore(%run_scoped3A_199 : memref<!tpu.dma_semaphore, #tpu.memory_space<semaphore_mem>>) {add = true}
        %dma_wait3A_210 = arith.constant 0 : i32
        %dma_wait3A_211 = arith.constant 0 : i32
        %dma_wait3A_212 = tpu.memref_slice %arg8[%run_scoped3A_153, %dma_wait3A_210, %dma_wait3A_211] : memref<2x80x128xf32, #tpu.memory_space<vmem>> -> memref<1x80x128xf32, #tpu.memory_space<vmem>>
        %dma_wait3A_213 = tpu.memref_squeeze %dma_wait3A_212 : memref<1x80x128xf32, #tpu.memory_space<vmem>> -> memref<80x128xf32, #tpu.memory_space<vmem>>
        %dma_wait3A_214 = arith.constant 0 : i32
        %dma_wait3A_215 = tpu.memref_slice %arg7[%add3A_140, %dma_wait3A_214] : memref<125x80xi32, #tpu.memory_space<vmem>> -> memref<1x80xi32, #tpu.memory_space<vmem>>
        %dma_wait3A_216 = tpu.memref_squeeze %dma_wait3A_215 : memref<1x80xi32, #tpu.memory_space<vmem>> -> memref<80xi32, #tpu.memory_space<vmem>>
        %dma_wait3A_217 = arith.constant 0 : i32
        %dma_wait3A_218 = arith.constant 0 : i32
        %dma_wait3A_219 = tpu.memref_slice %arg9[%dma_wait3A_217, %dma_wait3A_218] : memref<10000x128xf32, #tpu.memory_space<vmem_shared>> -> memref<10000x128xf32, #tpu.memory_space<vmem_shared>>
        tpu.wait_indirect_dma semaphore(%run_scoped3A_199 : memref<!tpu.dma_semaphore, #tpu.memory_space<semaphore_mem>>) src(%dma_wait3A_213 : memref<80x128xf32, #tpu.memory_space<vmem>>) dst(%dma_wait3A_219 : memref<10000x128xf32, #tpu.memory_space<vmem_shared>>)
        tpu.yield
      }) : () -> ()
      %add3A_154 = arith.constant 2 : i32
      %add3A_155 = arith.addi %add3A_140, %add3A_154 : i32
      %mul3A_156 = arith.constant 80 : i32
      %mul3A_157 = arith.muli %add3A_155, %mul3A_156 : i32
      %multiple_of3A_158 = tpu.assume_multiple %mul3A_157, 8 : i32
      %dma_start3A_159 = arith.constant 0 : i32
      %dma_start3A_160 = arith.constant 0 : i32
      %dma_start3A_161 = arith.constant 0 : i32
      %dma_start3A_162 = tpu.memref_slice %arg8[%dma_start3A_159, %dma_start3A_160, %dma_start3A_161] : memref<2x80x128xf32, #tpu.memory_space<vmem>> -> memref<1x80x128xf32, #tpu.memory_space<vmem>>
      %dma_start3A_163 = tpu.memref_squeeze %dma_start3A_162 : memref<1x80x128xf32, #tpu.memory_space<vmem>> -> memref<80x128xf32, #tpu.memory_space<vmem>>
      %dma_start3A_164 = tpu.memref_slice %arg6[%multiple_of3A_158] : memref<10000xi32, #tpu.memory_space<vmem>> -> memref<80xi32, #tpu.memory_space<vmem>>
      %dma_start3A_165 = arith.constant 0 : i32
      %dma_start3A_166 = arith.constant 0 : i32
      %dma_start3A_167 = tpu.memref_slice %arg4[%dma_start3A_165, %dma_start3A_166] : memref<10000x128xf32, #tpu.memory_space<hbm>> -> memref<10000x128xf32, #tpu.memory_space<hbm>>
      tpu.enqueue_indirect_dma source(%dma_start3A_167 : memref<10000x128xf32, #tpu.memory_space<hbm>>) target(%dma_start3A_163 : memref<80x128xf32, #tpu.memory_space<vmem>>) offsets(%dma_start3A_164 : memref<80xi32, #tpu.memory_space<vmem>>) semaphore(%arg10 : memref<!tpu.dma_semaphore, #tpu.memory_space<semaphore_mem>>)
      %mul3A_168 = arith.constant 2 : i32
      %mul3A_169 = arith.muli %mul3A_168, %scan3A_136 : i32
      %add3A_170 = arith.constant 1 : i32
      %add3A_171 = arith.addi %mul3A_169, %add3A_170 : i32
      %mul3A_172 = arith.constant 80 : i32
      %mul3A_173 = arith.muli %add3A_171, %mul3A_172 : i32
      %multiple_of3A_174 = tpu.assume_multiple %mul3A_173, 8 : i32
      %dma_wait3A_175 = arith.constant 1 : i32
      %dma_wait3A_176 = arith.constant 0 : i32
      %dma_wait3A_177 = arith.constant 0 : i32
      %dma_wait3A_178 = tpu.memref_slice %arg8[%dma_wait3A_175, %dma_wait3A_176, %dma_wait3A_177] : memref<2x80x128xf32, #tpu.memory_space<vmem>> -> memref<1x80x128xf32, #tpu.memory_space<vmem>>
      %dma_wait3A_179 = tpu.memref_squeeze %dma_wait3A_178 : memref<1x80x128xf32, #tpu.memory_space<vmem>> -> memref<80x128xf32, #tpu.memory_space<vmem>>
      %dma_wait3A_180 = tpu.memref_slice %arg6[%multiple_of3A_174] : memref<10000xi32, #tpu.memory_space<vmem>> -> memref<80xi32, #tpu.memory_space<vmem>>
      %dma_wait3A_181 = arith.constant 0 : i32
      %dma_wait3A_182 = arith.constant 0 : i32
      %dma_wait3A_183 = tpu.memref_slice %arg4[%dma_wait3A_181, %dma_wait3A_182] : memref<10000x128xf32, #tpu.memory_space<hbm>> -> memref<10000x128xf32, #tpu.memory_space<hbm>>
      tpu.wait_indirect_dma semaphore(%arg11 : memref<!tpu.dma_semaphore, #tpu.memory_space<semaphore_mem>>) src(%dma_wait3A_183 : memref<10000x128xf32, #tpu.memory_space<hbm>>) dst(%dma_wait3A_179 : memref<80x128xf32, #tpu.memory_space<vmem>>)
      %run_scoped3A_184 = arith.constant 1 : i32
      "tpu.region"() ({
        %run_scoped3A_199 = tpu.sem_alloc : memref<!tpu.dma_semaphore, #tpu.memory_space<semaphore_mem>>
        %dma_start3A_200 = arith.constant 0 : i32
        %dma_start3A_201 = arith.constant 0 : i32
        %dma_start3A_202 = tpu.memref_slice %arg8[%run_scoped3A_184, %dma_start3A_200, %dma_start3A_201] : memref<2x80x128xf32, #tpu.memory_space<vmem>> -> memref<1x80x128xf32, #tpu.memory_space<vmem>>
        %dma_start3A_203 = tpu.memref_squeeze %dma_start3A_202 : memref<1x80x128xf32, #tpu.memory_space<vmem>> -> memref<80x128xf32, #tpu.memory_space<vmem>>
        %dma_start3A_204 = arith.constant 0 : i32
        %dma_start3A_205 = tpu.memref_slice %arg7[%add3A_171, %dma_start3A_204] : memref<125x80xi32, #tpu.memory_space<vmem>> -> memref<1x80xi32, #tpu.memory_space<vmem>>
        %dma_start3A_206 = tpu.memref_squeeze %dma_start3A_205 : memref<1x80xi32, #tpu.memory_space<vmem>> -> memref<80xi32, #tpu.memory_space<vmem>>
        %dma_start3A_207 = arith.constant 0 : i32
        %dma_start3A_208 = arith.constant 0 : i32
        %dma_start3A_209 = tpu.memref_slice %arg9[%dma_start3A_207, %dma_start3A_208] : memref<10000x128xf32, #tpu.memory_space<vmem_shared>> -> memref<10000x128xf32, #tpu.memory_space<vmem_shared>>
        tpu.enqueue_indirect_dma source(%dma_start3A_203 : memref<80x128xf32, #tpu.memory_space<vmem>>) target(%dma_start3A_209 : memref<10000x128xf32, #tpu.memory_space<vmem_shared>>) offsets(%dma_start3A_206 : memref<80xi32, #tpu.memory_space<vmem>>) semaphore(%run_scoped3A_199 : memref<!tpu.dma_semaphore, #tpu.memory_space<semaphore_mem>>) {add = true}
        %dma_wait3A_210 = arith.constant 0 : i32
        %dma_wait3A_211 = arith.constant 0 : i32
        %dma_wait3A_212 = tpu.memref_slice %arg8[%run_scoped3A_184, %dma_wait3A_210, %dma_wait3A_211] : memref<2x80x128xf32, #tpu.memory_space<vmem>> -> memref<1x80x128xf32, #tpu.memory_space<vmem>>
        %dma_wait3A_213 = tpu.memref_squeeze %dma_wait3A_212 : memref<1x80x128xf32, #tpu.memory_space<vmem>> -> memref<80x128xf32, #tpu.memory_space<vmem>>
        %dma_wait3A_214 = arith.constant 0 : i32
        %dma_wait3A_215 = tpu.memref_slice %arg7[%add3A_171, %dma_wait3A_214] : memref<125x80xi32, #tpu.memory_space<vmem>> -> memref<1x80xi32, #tpu.memory_space<vmem>>
        %dma_wait3A_216 = tpu.memref_squeeze %dma_wait3A_215 : memref<1x80xi32, #tpu.memory_space<vmem>> -> memref<80xi32, #tpu.memory_space<vmem>>
        %dma_wait3A_217 = arith.constant 0 : i32
        %dma_wait3A_218 = arith.constant 0 : i32
        %dma_wait3A_219 = tpu.memref_slice %arg9[%dma_wait3A_217, %dma_wait3A_218] : memref<10000x128xf32, #tpu.memory_space<vmem_shared>> -> memref<10000x128xf32, #tpu.memory_space<vmem_shared>>
        tpu.wait_indirect_dma semaphore(%run_scoped3A_199 : memref<!tpu.dma_semaphore, #tpu.memory_space<semaphore_mem>>) src(%dma_wait3A_213 : memref<80x128xf32, #tpu.memory_space<vmem>>) dst(%dma_wait3A_219 : memref<10000x128xf32, #tpu.memory_space<vmem_shared>>)
        tpu.yield
      }) : () -> ()
      %add3A_185 = arith.constant 2 : i32
      %add3A_186 = arith.addi %add3A_171, %add3A_185 : i32
      %mul3A_187 = arith.constant 80 : i32
      %mul3A_188 = arith.muli %add3A_186, %mul3A_187 : i32
      %multiple_of3A_189 = tpu.assume_multiple %mul3A_188, 8 : i32
      %dma_start3A_190 = arith.constant 1 : i32
      %dma_start3A_191 = arith.constant 0 : i32
      %dma_start3A_192 = arith.constant 0 : i32
      %dma_start3A_193 = tpu.memref_slice %arg8[%dma_start3A_190, %dma_start3A_191, %dma_start3A_192] : memref<2x80x128xf32, #tpu.memory_space<vmem>> -> memref<1x80x128xf32, #tpu.memory_space<vmem>>
      %dma_start3A_194 = tpu.memref_squeeze %dma_start3A_193 : memref<1x80x128xf32, #tpu.memory_space<vmem>> -> memref<80x128xf32, #tpu.memory_space<vmem>>
      %dma_start3A_195 = tpu.memref_slice %arg6[%multiple_of3A_189] : memref<10000xi32, #tpu.memory_space<vmem>> -> memref<80xi32, #tpu.memory_space<vmem>>
      %dma_start3A_196 = arith.constant 0 : i32
      %dma_start3A_197 = arith.constant 0 : i32
      %dma_start3A_198 = tpu.memref_slice %arg4[%dma_start3A_196, %dma_start3A_197] : memref<10000x128xf32, #tpu.memory_space<hbm>> -> memref<10000x128xf32, #tpu.memory_space<hbm>>
      tpu.enqueue_indirect_dma source(%dma_start3A_198 : memref<10000x128xf32, #tpu.memory_space<hbm>>) target(%dma_start3A_194 : memref<80x128xf32, #tpu.memory_space<vmem>>) offsets(%dma_start3A_195 : memref<80xi32, #tpu.memory_space<vmem>>) semaphore(%arg11 : memref<!tpu.dma_semaphore, #tpu.memory_space<semaphore_mem>>)
    }
    %scan3A_76 = arith.constant 61 : i32
    %multiple_of3A_77 = arith.constant 9760 : i32
    %multiple_of3A_78 = tpu.assume_multiple %multiple_of3A_77, 8 : i32
    %dma_wait3A_79 = arith.constant 0 : i32
    %dma_wait3A_80 = arith.constant 0 : i32
    %dma_wait3A_81 = arith.constant 0 : i32
    %dma_wait3A_82 = tpu.memref_slice %arg8[%dma_wait3A_79, %dma_wait3A_80, %dma_wait3A_81] : memref<2x80x128xf32, #tpu.memory_space<vmem>> -> memref<1x80x128xf32, #tpu.memory_space<vmem>>
    %dma_wait3A_83 = tpu.memref_squeeze %dma_wait3A_82 : memref<1x80x128xf32, #tpu.memory_space<vmem>> -> memref<80x128xf32, #tpu.memory_space<vmem>>
    %dma_wait3A_84 = tpu.memref_slice %arg6[%multiple_of3A_78] : memref<10000xi32, #tpu.memory_space<vmem>> -> memref<80xi32, #tpu.memory_space<vmem>>
    %dma_wait3A_85 = arith.constant 0 : i32
    %dma_wait3A_86 = arith.constant 0 : i32
    %dma_wait3A_87 = tpu.memref_slice %arg4[%dma_wait3A_85, %dma_wait3A_86] : memref<10000x128xf32, #tpu.memory_space<hbm>> -> memref<10000x128xf32, #tpu.memory_space<hbm>>
    tpu.wait_indirect_dma semaphore(%arg10 : memref<!tpu.dma_semaphore, #tpu.memory_space<semaphore_mem>>) src(%dma_wait3A_87 : memref<10000x128xf32, #tpu.memory_space<hbm>>) dst(%dma_wait3A_83 : memref<80x128xf32, #tpu.memory_space<vmem>>)
    %run_scoped3A_88 = arith.constant 0 : i32
    %run_scoped3A_89 = arith.constant 122 : i32
    "tpu.region"() ({
      %run_scoped3A_136 = tpu.sem_alloc : memref<!tpu.dma_semaphore, #tpu.memory_space<semaphore_mem>>
      %dma_start3A_137 = arith.constant 0 : i32
      %dma_start3A_138 = arith.constant 0 : i32
      %dma_start3A_139 = tpu.memref_slice %arg8[%run_scoped3A_88, %dma_start3A_137, %dma_start3A_138] : memref<2x80x128xf32, #tpu.memory_space<vmem>> -> memref<1x80x128xf32, #tpu.memory_space<vmem>>
      %dma_start3A_140 = tpu.memref_squeeze %dma_start3A_139 : memref<1x80x128xf32, #tpu.memory_space<vmem>> -> memref<80x128xf32, #tpu.memory_space<vmem>>
      %dma_start3A_141 = arith.constant 0 : i32
      %dma_start3A_142 = tpu.memref_slice %arg7[%run_scoped3A_89, %dma_start3A_141] : memref<125x80xi32, #tpu.memory_space<vmem>> -> memref<1x80xi32, #tpu.memory_space<vmem>>
      %dma_start3A_143 = tpu.memref_squeeze %dma_start3A_142 : memref<1x80xi32, #tpu.memory_space<vmem>> -> memref<80xi32, #tpu.memory_space<vmem>>
      %dma_start3A_144 = arith.constant 0 : i32
      %dma_start3A_145 = arith.constant 0 : i32
      %dma_start3A_146 = tpu.memref_slice %arg9[%dma_start3A_144, %dma_start3A_145] : memref<10000x128xf32, #tpu.memory_space<vmem_shared>> -> memref<10000x128xf32, #tpu.memory_space<vmem_shared>>
      tpu.enqueue_indirect_dma source(%dma_start3A_140 : memref<80x128xf32, #tpu.memory_space<vmem>>) target(%dma_start3A_146 : memref<10000x128xf32, #tpu.memory_space<vmem_shared>>) offsets(%dma_start3A_143 : memref<80xi32, #tpu.memory_space<vmem>>) semaphore(%run_scoped3A_136 : memref<!tpu.dma_semaphore, #tpu.memory_space<semaphore_mem>>) {add = true}
      %dma_wait3A_147 = arith.constant 0 : i32
      %dma_wait3A_148 = arith.constant 0 : i32
      %dma_wait3A_149 = tpu.memref_slice %arg8[%run_scoped3A_88, %dma_wait3A_147, %dma_wait3A_148] : memref<2x80x128xf32, #tpu.memory_space<vmem>> -> memref<1x80x128xf32, #tpu.memory_space<vmem>>
      %dma_wait3A_150 = tpu.memref_squeeze %dma_wait3A_149 : memref<1x80x128xf32, #tpu.memory_space<vmem>> -> memref<80x128xf32, #tpu.memory_space<vmem>>
      %dma_wait3A_151 = arith.constant 0 : i32
      %dma_wait3A_152 = tpu.memref_slice %arg7[%run_scoped3A_89, %dma_wait3A_151] : memref<125x80xi32, #tpu.memory_space<vmem>> -> memref<1x80xi32, #tpu.memory_space<vmem>>
      %dma_wait3A_153 = tpu.memref_squeeze %dma_wait3A_152 : memref<1x80xi32, #tpu.memory_space<vmem>> -> memref<80xi32, #tpu.memory_space<vmem>>
      %dma_wait3A_154 = arith.constant 0 : i32
      %dma_wait3A_155 = arith.constant 0 : i32
      %dma_wait3A_156 = tpu.memref_slice %arg9[%dma_wait3A_154, %dma_wait3A_155] : memref<10000x128xf32, #tpu.memory_space<vmem_shared>> -> memref<10000x128xf32, #tpu.memory_space<vmem_shared>>
      tpu.wait_indirect_dma semaphore(%run_scoped3A_136 : memref<!tpu.dma_semaphore, #tpu.memory_space<semaphore_mem>>) src(%dma_wait3A_150 : memref<80x128xf32, #tpu.memory_space<vmem>>) dst(%dma_wait3A_156 : memref<10000x128xf32, #tpu.memory_space<vmem_shared>>)
      tpu.yield
    }) : () -> ()
    %multiple_of3A_90 = arith.constant 9920 : i32
    %multiple_of3A_91 = tpu.assume_multiple %multiple_of3A_90, 8 : i32
    %dma_start3A_92 = arith.constant 0 : i32
    %dma_start3A_93 = arith.constant 0 : i32
    %dma_start3A_94 = arith.constant 0 : i32
    %dma_start3A_95 = tpu.memref_slice %arg8[%dma_start3A_92, %dma_start3A_93, %dma_start3A_94] : memref<2x80x128xf32, #tpu.memory_space<vmem>> -> memref<1x80x128xf32, #tpu.memory_space<vmem>>
    %dma_start3A_96 = tpu.memref_squeeze %dma_start3A_95 : memref<1x80x128xf32, #tpu.memory_space<vmem>> -> memref<80x128xf32, #tpu.memory_space<vmem>>
    %dma_start3A_97 = tpu.memref_slice %arg6[%multiple_of3A_91] : memref<10000xi32, #tpu.memory_space<vmem>> -> memref<80xi32, #tpu.memory_space<vmem>>
    %dma_start3A_98 = arith.constant 0 : i32
    %dma_start3A_99 = arith.constant 0 : i32
    %dma_start3A_100 = tpu.memref_slice %arg4[%dma_start3A_98, %dma_start3A_99] : memref<10000x128xf32, #tpu.memory_space<hbm>> -> memref<10000x128xf32, #tpu.memory_space<hbm>>
    tpu.enqueue_indirect_dma source(%dma_start3A_100 : memref<10000x128xf32, #tpu.memory_space<hbm>>) target(%dma_start3A_96 : memref<80x128xf32, #tpu.memory_space<vmem>>) offsets(%dma_start3A_97 : memref<80xi32, #tpu.memory_space<vmem>>) semaphore(%arg10 : memref<!tpu.dma_semaphore, #tpu.memory_space<semaphore_mem>>)
    %multiple_of3A_101 = arith.constant 9840 : i32
    %multiple_of3A_102 = tpu.assume_multiple %multiple_of3A_101, 8 : i32
    %dma_wait3A_103 = arith.constant 1 : i32
    %dma_wait3A_104 = arith.constant 0 : i32
    %dma_wait3A_105 = arith.constant 0 : i32
    %dma_wait3A_106 = tpu.memref_slice %arg8[%dma_wait3A_103, %dma_wait3A_104, %dma_wait3A_105] : memref<2x80x128xf32, #tpu.memory_space<vmem>> -> memref<1x80x128xf32, #tpu.memory_space<vmem>>
    %dma_wait3A_107 = tpu.memref_squeeze %dma_wait3A_106 : memref<1x80x128xf32, #tpu.memory_space<vmem>> -> memref<80x128xf32, #tpu.memory_space<vmem>>
    %dma_wait3A_108 = tpu.memref_slice %arg6[%multiple_of3A_102] : memref<10000xi32, #tpu.memory_space<vmem>> -> memref<80xi32, #tpu.memory_space<vmem>>
    %dma_wait3A_109 = arith.constant 0 : i32
    %dma_wait3A_110 = arith.constant 0 : i32
    %dma_wait3A_111 = tpu.memref_slice %arg4[%dma_wait3A_109, %dma_wait3A_110] : memref<10000x128xf32, #tpu.memory_space<hbm>> -> memref<10000x128xf32, #tpu.memory_space<hbm>>
    tpu.wait_indirect_dma semaphore(%arg11 : memref<!tpu.dma_semaphore, #tpu.memory_space<semaphore_mem>>) src(%dma_wait3A_111 : memref<10000x128xf32, #tpu.memory_space<hbm>>) dst(%dma_wait3A_107 : memref<80x128xf32, #tpu.memory_space<vmem>>)
    %run_scoped3A_112 = arith.constant 1 : i32
    %run_scoped3A_113 = arith.constant 123 : i32
    "tpu.region"() ({
      %run_scoped3A_136 = tpu.sem_alloc : memref<!tpu.dma_semaphore, #tpu.memory_space<semaphore_mem>>
      %dma_start3A_137 = arith.constant 0 : i32
      %dma_start3A_138 = arith.constant 0 : i32
      %dma_start3A_139 = tpu.memref_slice %arg8[%run_scoped3A_112, %dma_start3A_137, %dma_start3A_138] : memref<2x80x128xf32, #tpu.memory_space<vmem>> -> memref<1x80x128xf32, #tpu.memory_space<vmem>>
      %dma_start3A_140 = tpu.memref_squeeze %dma_start3A_139 : memref<1x80x128xf32, #tpu.memory_space<vmem>> -> memref<80x128xf32, #tpu.memory_space<vmem>>
      %dma_start3A_141 = arith.constant 0 : i32
      %dma_start3A_142 = tpu.memref_slice %arg7[%run_scoped3A_113, %dma_start3A_141] : memref<125x80xi32, #tpu.memory_space<vmem>> -> memref<1x80xi32, #tpu.memory_space<vmem>>
      %dma_start3A_143 = tpu.memref_squeeze %dma_start3A_142 : memref<1x80xi32, #tpu.memory_space<vmem>> -> memref<80xi32, #tpu.memory_space<vmem>>
      %dma_start3A_144 = arith.constant 0 : i32
      %dma_start3A_145 = arith.constant 0 : i32
      %dma_start3A_146 = tpu.memref_slice %arg9[%dma_start3A_144, %dma_start3A_145] : memref<10000x128xf32, #tpu.memory_space<vmem_shared>> -> memref<10000x128xf32, #tpu.memory_space<vmem_shared>>
      tpu.enqueue_indirect_dma source(%dma_start3A_140 : memref<80x128xf32, #tpu.memory_space<vmem>>) target(%dma_start3A_146 : memref<10000x128xf32, #tpu.memory_space<vmem_shared>>) offsets(%dma_start3A_143 : memref<80xi32, #tpu.memory_space<vmem>>) semaphore(%run_scoped3A_136 : memref<!tpu.dma_semaphore, #tpu.memory_space<semaphore_mem>>) {add = true}
      %dma_wait3A_147 = arith.constant 0 : i32
      %dma_wait3A_148 = arith.constant 0 : i32
      %dma_wait3A_149 = tpu.memref_slice %arg8[%run_scoped3A_112, %dma_wait3A_147, %dma_wait3A_148] : memref<2x80x128xf32, #tpu.memory_space<vmem>> -> memref<1x80x128xf32, #tpu.memory_space<vmem>>
      %dma_wait3A_150 = tpu.memref_squeeze %dma_wait3A_149 : memref<1x80x128xf32, #tpu.memory_space<vmem>> -> memref<80x128xf32, #tpu.memory_space<vmem>>
      %dma_wait3A_151 = arith.constant 0 : i32
      %dma_wait3A_152 = tpu.memref_slice %arg7[%run_scoped3A_113, %dma_wait3A_151] : memref<125x80xi32, #tpu.memory_space<vmem>> -> memref<1x80xi32, #tpu.memory_space<vmem>>
      %dma_wait3A_153 = tpu.memref_squeeze %dma_wait3A_152 : memref<1x80xi32, #tpu.memory_space<vmem>> -> memref<80xi32, #tpu.memory_space<vmem>>
      %dma_wait3A_154 = arith.constant 0 : i32
      %dma_wait3A_155 = arith.constant 0 : i32
      %dma_wait3A_156 = tpu.memref_slice %arg9[%dma_wait3A_154, %dma_wait3A_155] : memref<10000x128xf32, #tpu.memory_space<vmem_shared>> -> memref<10000x128xf32, #tpu.memory_space<vmem_shared>>
      tpu.wait_indirect_dma semaphore(%run_scoped3A_136 : memref<!tpu.dma_semaphore, #tpu.memory_space<semaphore_mem>>) src(%dma_wait3A_150 : memref<80x128xf32, #tpu.memory_space<vmem>>) dst(%dma_wait3A_156 : memref<10000x128xf32, #tpu.memory_space<vmem_shared>>)
      tpu.yield
    }) : () -> ()
    %multiple_of3A_114 = arith.constant 9920 : i32
    %multiple_of3A_115 = tpu.assume_multiple %multiple_of3A_114, 8 : i32
    %dma_wait3A_116 = arith.constant 0 : i32
    %dma_wait3A_117 = arith.constant 0 : i32
    %dma_wait3A_118 = arith.constant 0 : i32
    %dma_wait3A_119 = tpu.memref_slice %arg8[%dma_wait3A_116, %dma_wait3A_117, %dma_wait3A_118] : memref<2x80x128xf32, #tpu.memory_space<vmem>> -> memref<1x80x128xf32, #tpu.memory_space<vmem>>
    %dma_wait3A_120 = tpu.memref_squeeze %dma_wait3A_119 : memref<1x80x128xf32, #tpu.memory_space<vmem>> -> memref<80x128xf32, #tpu.memory_space<vmem>>
    %dma_wait3A_121 = tpu.memref_slice %arg6[%multiple_of3A_115] : memref<10000xi32, #tpu.memory_space<vmem>> -> memref<80xi32, #tpu.memory_space<vmem>>
    %dma_wait3A_122 = arith.constant 0 : i32
    %dma_wait3A_123 = arith.constant 0 : i32
    %dma_wait3A_124 = tpu.memref_slice %arg4[%dma_wait3A_122, %dma_wait3A_123] : memref<10000x128xf32, #tpu.memory_space<hbm>> -> memref<10000x128xf32, #tpu.memory_space<hbm>>
    tpu.wait_indirect_dma semaphore(%arg10 : memref<!tpu.dma_semaphore, #tpu.memory_space<semaphore_mem>>) src(%dma_wait3A_124 : memref<10000x128xf32, #tpu.memory_space<hbm>>) dst(%dma_wait3A_120 : memref<80x128xf32, #tpu.memory_space<vmem>>)
    %run_scoped3A_125 = arith.constant 0 : i32
    %run_scoped3A_126 = arith.constant 124 : i32
    "tpu.region"() ({
      %run_scoped3A_136 = tpu.sem_alloc : memref<!tpu.dma_semaphore, #tpu.memory_space<semaphore_mem>>
      %dma_start3A_137 = arith.constant 0 : i32
      %dma_start3A_138 = arith.constant 0 : i32
      %dma_start3A_139 = tpu.memref_slice %arg8[%run_scoped3A_125, %dma_start3A_137, %dma_start3A_138] : memref<2x80x128xf32, #tpu.memory_space<vmem>> -> memref<1x80x128xf32, #tpu.memory_space<vmem>>
      %dma_start3A_140 = tpu.memref_squeeze %dma_start3A_139 : memref<1x80x128xf32, #tpu.memory_space<vmem>> -> memref<80x128xf32, #tpu.memory_space<vmem>>
      %dma_start3A_141 = arith.constant 0 : i32
      %dma_start3A_142 = tpu.memref_slice %arg7[%run_scoped3A_126, %dma_start3A_141] : memref<125x80xi32, #tpu.memory_space<vmem>> -> memref<1x80xi32, #tpu.memory_space<vmem>>
      %dma_start3A_143 = tpu.memref_squeeze %dma_start3A_142 : memref<1x80xi32, #tpu.memory_space<vmem>> -> memref<80xi32, #tpu.memory_space<vmem>>
      %dma_start3A_144 = arith.constant 0 : i32
      %dma_start3A_145 = arith.constant 0 : i32
      %dma_start3A_146 = tpu.memref_slice %arg9[%dma_start3A_144, %dma_start3A_145] : memref<10000x128xf32, #tpu.memory_space<vmem_shared>> -> memref<10000x128xf32, #tpu.memory_space<vmem_shared>>
      tpu.enqueue_indirect_dma source(%dma_start3A_140 : memref<80x128xf32, #tpu.memory_space<vmem>>) target(%dma_start3A_146 : memref<10000x128xf32, #tpu.memory_space<vmem_shared>>) offsets(%dma_start3A_143 : memref<80xi32, #tpu.memory_space<vmem>>) semaphore(%run_scoped3A_136 : memref<!tpu.dma_semaphore, #tpu.memory_space<semaphore_mem>>) {add = true}
      %dma_wait3A_147 = arith.constant 0 : i32
      %dma_wait3A_148 = arith.constant 0 : i32
      %dma_wait3A_149 = tpu.memref_slice %arg8[%run_scoped3A_125, %dma_wait3A_147, %dma_wait3A_148] : memref<2x80x128xf32, #tpu.memory_space<vmem>> -> memref<1x80x128xf32, #tpu.memory_space<vmem>>
      %dma_wait3A_150 = tpu.memref_squeeze %dma_wait3A_149 : memref<1x80x128xf32, #tpu.memory_space<vmem>> -> memref<80x128xf32, #tpu.memory_space<vmem>>
      %dma_wait3A_151 = arith.constant 0 : i32
      %dma_wait3A_152 = tpu.memref_slice %arg7[%run_scoped3A_126, %dma_wait3A_151] : memref<125x80xi32, #tpu.memory_space<vmem>> -> memref<1x80xi32, #tpu.memory_space<vmem>>
      %dma_wait3A_153 = tpu.memref_squeeze %dma_wait3A_152 : memref<1x80xi32, #tpu.memory_space<vmem>> -> memref<80xi32, #tpu.memory_space<vmem>>
      %dma_wait3A_154 = arith.constant 0 : i32
      %dma_wait3A_155 = arith.constant 0 : i32
      %dma_wait3A_156 = tpu.memref_slice %arg9[%dma_wait3A_154, %dma_wait3A_155] : memref<10000x128xf32, #tpu.memory_space<vmem_shared>> -> memref<10000x128xf32, #tpu.memory_space<vmem_shared>>
      tpu.wait_indirect_dma semaphore(%run_scoped3A_136 : memref<!tpu.dma_semaphore, #tpu.memory_space<semaphore_mem>>) src(%dma_wait3A_150 : memref<80x128xf32, #tpu.memory_space<vmem>>) dst(%dma_wait3A_156 : memref<10000x128xf32, #tpu.memory_space<vmem_shared>>)
      tpu.yield
    }) : () -> ()
    %barrier3A_127 = arith.constant 0 : index
    tpu.barrier barrier_id(%barrier3A_127)
    %mul3A_128 = arith.constant 624 : i32
    %mul3A_129 = arith.muli %arg1, %mul3A_128 : i32
    %multiple_of3A_130 = tpu.assume_multiple %mul3A_129, 8 : i32
    "tpu.region"() ({
      %run_scoped3A_136 = tpu.sem_alloc : memref<!tpu.dma_semaphore, #tpu.memory_space<semaphore_mem>>
      %dma_start3A_137 = arith.constant 0 : i32
      %dma_start3A_138 = tpu.memref_slice %arg5[%arg0, %multiple_of3A_130, %dma_start3A_137] : memref<2x10000x128xf32, #tpu.memory_space<hbm>> -> memref<1x624x128xf32, #tpu.memory_space<hbm>>
      %dma_start3A_139 = tpu.memref_squeeze %dma_start3A_138 : memref<1x624x128xf32, #tpu.memory_space<hbm>> -> memref<624x128xf32, #tpu.memory_space<hbm>>
      %dma_start3A_140 = arith.constant 0 : i32
      %dma_start3A_141 = tpu.memref_slice %arg9[%multiple_of3A_130, %dma_start3A_140] : memref<10000x128xf32, #tpu.memory_space<vmem_shared>> -> memref<624x128xf32, #tpu.memory_space<vmem_shared>>
      tpu.enqueue_dma source(%dma_start3A_141 : memref<624x128xf32, #tpu.memory_space<vmem_shared>>) target(%dma_start3A_139 : memref<624x128xf32, #tpu.memory_space<hbm>>) target_semaphore(%run_scoped3A_136 : memref<!tpu.dma_semaphore, #tpu.memory_space<semaphore_mem>>)
      %dma_wait3A_142 = arith.constant 0 : i32
      %dma_wait3A_143 = tpu.memref_slice %arg5[%arg0, %multiple_of3A_130, %dma_wait3A_142] : memref<2x10000x128xf32, #tpu.memory_space<hbm>> -> memref<1x624x128xf32, #tpu.memory_space<hbm>>
      %dma_wait3A_144 = tpu.memref_squeeze %dma_wait3A_143 : memref<1x624x128xf32, #tpu.memory_space<hbm>> -> memref<624x128xf32, #tpu.memory_space<hbm>>
      %dma_wait3A_145 = arith.constant 0 : i32
      %dma_wait3A_146 = tpu.memref_slice %arg9[%multiple_of3A_130, %dma_wait3A_145] : memref<10000x128xf32, #tpu.memory_space<vmem_shared>> -> memref<624x128xf32, #tpu.memory_space<vmem_shared>>
      tpu.wait_dma2 semaphore(%run_scoped3A_136 : memref<!tpu.dma_semaphore, #tpu.memory_space<semaphore_mem>>) src(%dma_wait3A_146 : memref<624x128xf32, #tpu.memory_space<vmem_shared>>) dst(%dma_wait3A_144 : memref<624x128xf32, #tpu.memory_space<hbm>>)
      tpu.yield
    }) : () -> ()
    %eq3A_131 = arith.constant 15 : i32
    %eq3A_132 = arith.cmpi eq, %arg1, %eq3A_131 : i32
    %convert_element_type3A_133 = arith.extui %eq3A_132 : i1 to i32
    %cond3A_134 = arith.constant 0 : i32
    %cond3A_135 = arith.cmpi ne, %convert_element_type3A_133, %cond3A_134 : i32
    scf.if %cond3A_135 {
      "tpu.region"() ({
        %run_scoped3A_136 = tpu.sem_alloc : memref<!tpu.dma_semaphore, #tpu.memory_space<semaphore_mem>>
        %dma_start3A_137 = arith.constant 9984 : i32
        %dma_start3A_138 = arith.constant 0 : i32
        %dma_start3A_139 = tpu.memref_slice %arg5[%arg0, %dma_start3A_137, %dma_start3A_138] : memref<2x10000x128xf32, #tpu.memory_space<hbm>> -> memref<1x16x128xf32, #tpu.memory_space<hbm>>
        %dma_start3A_140 = tpu.memref_squeeze %dma_start3A_139 : memref<1x16x128xf32, #tpu.memory_space<hbm>> -> memref<16x128xf32, #tpu.memory_space<hbm>>
        %dma_start3A_141 = arith.constant 9984 : i32
        %dma_start3A_142 = arith.constant 0 : i32
        %dma_start3A_143 = tpu.memref_slice %arg9[%dma_start3A_141, %dma_start3A_142] : memref<10000x128xf32, #tpu.memory_space<vmem_shared>> -> memref<16x128xf32, #tpu.memory_space<vmem_shared>>
        tpu.enqueue_dma source(%dma_start3A_143 : memref<16x128xf32, #tpu.memory_space<vmem_shared>>) target(%dma_start3A_140 : memref<16x128xf32, #tpu.memory_space<hbm>>) target_semaphore(%run_scoped3A_136 : memref<!tpu.dma_semaphore, #tpu.memory_space<semaphore_mem>>)
        %dma_wait3A_144 = arith.constant 9984 : i32
        %dma_wait3A_145 = arith.constant 0 : i32
        %dma_wait3A_146 = tpu.memref_slice %arg5[%arg0, %dma_wait3A_144, %dma_wait3A_145] : memref<2x10000x128xf32, #tpu.memory_space<hbm>> -> memref<1x16x128xf32, #tpu.memory_space<hbm>>
        %dma_wait3A_147 = tpu.memref_squeeze %dma_wait3A_146 : memref<1x16x128xf32, #tpu.memory_space<hbm>> -> memref<16x128xf32, #tpu.memory_space<hbm>>
        %dma_wait3A_148 = arith.constant 9984 : i32
        %dma_wait3A_149 = arith.constant 0 : i32
        %dma_wait3A_150 = tpu.memref_slice %arg9[%dma_wait3A_148, %dma_wait3A_149] : memref<10000x128xf32, #tpu.memory_space<vmem_shared>> -> memref<16x128xf32, #tpu.memory_space<vmem_shared>>
        tpu.wait_dma2 semaphore(%run_scoped3A_136 : memref<!tpu.dma_semaphore, #tpu.memory_space<semaphore_mem>>) src(%dma_wait3A_150 : memref<16x128xf32, #tpu.memory_space<vmem_shared>>) dst(%dma_wait3A_147 : memref<16x128xf32, #tpu.memory_space<hbm>>)
        tpu.yield
      }) : () -> ()
    } else {
    }
    return
  }
}

#map = affine_map<(d0, d1) -> (0, 0, 0)>
#map1 = affine_map<(d0, d1) -> (0, 0)>
module attributes {stable_mosaic.version = 14 : i64} {
  func.func @_hist_kernel(%arg0: i32, %arg1: i32, %arg2: memref<2x32x10000xi32, #tpu.memory_space<hbm>>, %arg3: memref<32x10240xf32, #tpu.memory_space<hbm>>, %arg4: memref<32x10240xf32, #tpu.memory_space<hbm>>, %arg5: memref<2x10000xi32, #tpu.memory_space<vmem>>, %arg6: memref<10240xf32, #tpu.memory_space<vmem>>, %arg7: memref<10240xf32, #tpu.memory_space<vmem>>) attributes {dimension_semantics = [#tpu.dimension_semantics<core_parallel>, #tpu.dimension_semantics<subcore_parallel>], iteration_bounds = array<i64: 2, 16>, scalar_prefetch = 0 : i64, scratch_operands = 3 : i64, tpu.core_type = #tpu.core_type<sc_vector_subcore>, window_params = [{transform_indices = #map}, {transform_indices = #map1}, {transform_indices = #map1}]} {
    %mul3A = arith.constant 2 : i32
    %mul3A_0 = arith.muli %arg1, %mul3A : i32
    %add3A = arith.addi %mul3A_0, %arg0 : i32
    %run_scoped3A = arith.constant 0 : i32
    %run_scoped3A_1 = arith.constant 0 : i32
    "tpu.region"() ({
      %run_scoped3A_18 = tpu.sem_alloc : memref<!tpu.dma_semaphore, #tpu.memory_space<semaphore_mem>>
      %dma_start3A = arith.constant 0 : i32
      %dma_start3A_19 = tpu.memref_slice %arg5[%run_scoped3A_1, %dma_start3A] : memref<2x10000xi32, #tpu.memory_space<vmem>> -> memref<1x10000xi32, #tpu.memory_space<vmem>>
      %dma_start3A_20 = tpu.memref_squeeze %dma_start3A_19 : memref<1x10000xi32, #tpu.memory_space<vmem>> -> memref<10000xi32, #tpu.memory_space<vmem>>
      %dma_start3A_21 = arith.constant 0 : i32
      %dma_start3A_22 = tpu.memref_slice %arg2[%run_scoped3A, %add3A, %dma_start3A_21] : memref<2x32x10000xi32, #tpu.memory_space<hbm>> -> memref<1x1x10000xi32, #tpu.memory_space<hbm>>
      %dma_start3A_23 = tpu.memref_squeeze %dma_start3A_22 : memref<1x1x10000xi32, #tpu.memory_space<hbm>> -> memref<10000xi32, #tpu.memory_space<hbm>>
      %dma_start3A_24 = arith.constant 0 : i32
      %dma_start3A_25 = tpu.memref_slice %arg5[%run_scoped3A_1, %dma_start3A_24] : memref<2x10000xi32, #tpu.memory_space<vmem>> -> memref<1x10000xi32, #tpu.memory_space<vmem>>
      %dma_start3A_26 = tpu.memref_squeeze %dma_start3A_25 : memref<1x10000xi32, #tpu.memory_space<vmem>> -> memref<10000xi32, #tpu.memory_space<vmem>>
      %dma_start3A_27 = arith.constant 0 : i32
      %dma_start3A_28 = tpu.memref_slice %arg2[%run_scoped3A, %add3A, %dma_start3A_27] : memref<2x32x10000xi32, #tpu.memory_space<hbm>> -> memref<1x1x10000xi32, #tpu.memory_space<hbm>>
      %dma_start3A_29 = tpu.memref_squeeze %dma_start3A_28 : memref<1x1x10000xi32, #tpu.memory_space<hbm>> -> memref<10000xi32, #tpu.memory_space<hbm>>
      tpu.enqueue_dma source(%dma_start3A_29 : memref<10000xi32, #tpu.memory_space<hbm>>) target(%dma_start3A_26 : memref<10000xi32, #tpu.memory_space<vmem>>) target_semaphore(%run_scoped3A_18 : memref<!tpu.dma_semaphore, #tpu.memory_space<semaphore_mem>>)
      %dma_wait3A = arith.constant 0 : i32
      %dma_wait3A_30 = tpu.memref_slice %arg5[%run_scoped3A_1, %dma_wait3A] : memref<2x10000xi32, #tpu.memory_space<vmem>> -> memref<1x10000xi32, #tpu.memory_space<vmem>>
      %dma_wait3A_31 = tpu.memref_squeeze %dma_wait3A_30 : memref<1x10000xi32, #tpu.memory_space<vmem>> -> memref<10000xi32, #tpu.memory_space<vmem>>
      %dma_wait3A_32 = arith.constant 0 : i32
      %dma_wait3A_33 = tpu.memref_slice %arg2[%run_scoped3A, %add3A, %dma_wait3A_32] : memref<2x32x10000xi32, #tpu.memory_space<hbm>> -> memref<1x1x10000xi32, #tpu.memory_space<hbm>>
      %dma_wait3A_34 = tpu.memref_squeeze %dma_wait3A_33 : memref<1x1x10000xi32, #tpu.memory_space<hbm>> -> memref<10000xi32, #tpu.memory_space<hbm>>
      %dma_wait3A_35 = arith.constant 0 : i32
      %dma_wait3A_36 = tpu.memref_slice %arg5[%run_scoped3A_1, %dma_wait3A_35] : memref<2x10000xi32, #tpu.memory_space<vmem>> -> memref<1x10000xi32, #tpu.memory_space<vmem>>
      %dma_wait3A_37 = tpu.memref_squeeze %dma_wait3A_36 : memref<1x10000xi32, #tpu.memory_space<vmem>> -> memref<10000xi32, #tpu.memory_space<vmem>>
      %dma_wait3A_38 = arith.constant 0 : i32
      %dma_wait3A_39 = tpu.memref_slice %arg2[%run_scoped3A, %add3A, %dma_wait3A_38] : memref<2x32x10000xi32, #tpu.memory_space<hbm>> -> memref<1x1x10000xi32, #tpu.memory_space<hbm>>
      %dma_wait3A_40 = tpu.memref_squeeze %dma_wait3A_39 : memref<1x1x10000xi32, #tpu.memory_space<hbm>> -> memref<10000xi32, #tpu.memory_space<hbm>>
      tpu.wait_dma2 semaphore(%run_scoped3A_18 : memref<!tpu.dma_semaphore, #tpu.memory_space<semaphore_mem>>) src(%dma_wait3A_40 : memref<10000xi32, #tpu.memory_space<hbm>>) dst(%dma_wait3A_37 : memref<10000xi32, #tpu.memory_space<vmem>>)
      tpu.yield
    }) : () -> ()
    %run_scoped3A_2 = arith.constant 1 : i32
    %run_scoped3A_3 = arith.constant 1 : i32
    "tpu.region"() ({
      %run_scoped3A_18 = tpu.sem_alloc : memref<!tpu.dma_semaphore, #tpu.memory_space<semaphore_mem>>
      %dma_start3A = arith.constant 0 : i32
      %dma_start3A_19 = tpu.memref_slice %arg5[%run_scoped3A_3, %dma_start3A] : memref<2x10000xi32, #tpu.memory_space<vmem>> -> memref<1x10000xi32, #tpu.memory_space<vmem>>
      %dma_start3A_20 = tpu.memref_squeeze %dma_start3A_19 : memref<1x10000xi32, #tpu.memory_space<vmem>> -> memref<10000xi32, #tpu.memory_space<vmem>>
      %dma_start3A_21 = arith.constant 0 : i32
      %dma_start3A_22 = tpu.memref_slice %arg2[%run_scoped3A_2, %add3A, %dma_start3A_21] : memref<2x32x10000xi32, #tpu.memory_space<hbm>> -> memref<1x1x10000xi32, #tpu.memory_space<hbm>>
      %dma_start3A_23 = tpu.memref_squeeze %dma_start3A_22 : memref<1x1x10000xi32, #tpu.memory_space<hbm>> -> memref<10000xi32, #tpu.memory_space<hbm>>
      %dma_start3A_24 = arith.constant 0 : i32
      %dma_start3A_25 = tpu.memref_slice %arg5[%run_scoped3A_3, %dma_start3A_24] : memref<2x10000xi32, #tpu.memory_space<vmem>> -> memref<1x10000xi32, #tpu.memory_space<vmem>>
      %dma_start3A_26 = tpu.memref_squeeze %dma_start3A_25 : memref<1x10000xi32, #tpu.memory_space<vmem>> -> memref<10000xi32, #tpu.memory_space<vmem>>
      %dma_start3A_27 = arith.constant 0 : i32
      %dma_start3A_28 = tpu.memref_slice %arg2[%run_scoped3A_2, %add3A, %dma_start3A_27] : memref<2x32x10000xi32, #tpu.memory_space<hbm>> -> memref<1x1x10000xi32, #tpu.memory_space<hbm>>
      %dma_start3A_29 = tpu.memref_squeeze %dma_start3A_28 : memref<1x1x10000xi32, #tpu.memory_space<hbm>> -> memref<10000xi32, #tpu.memory_space<hbm>>
      tpu.enqueue_dma source(%dma_start3A_29 : memref<10000xi32, #tpu.memory_space<hbm>>) target(%dma_start3A_26 : memref<10000xi32, #tpu.memory_space<vmem>>) target_semaphore(%run_scoped3A_18 : memref<!tpu.dma_semaphore, #tpu.memory_space<semaphore_mem>>)
      %dma_wait3A = arith.constant 0 : i32
      %dma_wait3A_30 = tpu.memref_slice %arg5[%run_scoped3A_3, %dma_wait3A] : memref<2x10000xi32, #tpu.memory_space<vmem>> -> memref<1x10000xi32, #tpu.memory_space<vmem>>
      %dma_wait3A_31 = tpu.memref_squeeze %dma_wait3A_30 : memref<1x10000xi32, #tpu.memory_space<vmem>> -> memref<10000xi32, #tpu.memory_space<vmem>>
      %dma_wait3A_32 = arith.constant 0 : i32
      %dma_wait3A_33 = tpu.memref_slice %arg2[%run_scoped3A_2, %add3A, %dma_wait3A_32] : memref<2x32x10000xi32, #tpu.memory_space<hbm>> -> memref<1x1x10000xi32, #tpu.memory_space<hbm>>
      %dma_wait3A_34 = tpu.memref_squeeze %dma_wait3A_33 : memref<1x1x10000xi32, #tpu.memory_space<hbm>> -> memref<10000xi32, #tpu.memory_space<hbm>>
      %dma_wait3A_35 = arith.constant 0 : i32
      %dma_wait3A_36 = tpu.memref_slice %arg5[%run_scoped3A_3, %dma_wait3A_35] : memref<2x10000xi32, #tpu.memory_space<vmem>> -> memref<1x10000xi32, #tpu.memory_space<vmem>>
      %dma_wait3A_37 = tpu.memref_squeeze %dma_wait3A_36 : memref<1x10000xi32, #tpu.memory_space<vmem>> -> memref<10000xi32, #tpu.memory_space<vmem>>
      %dma_wait3A_38 = arith.constant 0 : i32
      %dma_wait3A_39 = tpu.memref_slice %arg2[%run_scoped3A_2, %add3A, %dma_wait3A_38] : memref<2x32x10000xi32, #tpu.memory_space<hbm>> -> memref<1x1x10000xi32, #tpu.memory_space<hbm>>
      %dma_wait3A_40 = tpu.memref_squeeze %dma_wait3A_39 : memref<1x1x10000xi32, #tpu.memory_space<hbm>> -> memref<10000xi32, #tpu.memory_space<hbm>>
      tpu.wait_dma2 semaphore(%run_scoped3A_18 : memref<!tpu.dma_semaphore, #tpu.memory_space<semaphore_mem>>) src(%dma_wait3A_40 : memref<10000xi32, #tpu.memory_space<hbm>>) dst(%dma_wait3A_37 : memref<10000xi32, #tpu.memory_space<vmem>>)
      tpu.yield
    }) : () -> ()
    %broadcast_in_dim3A = arith.constant 0.000000e+00 : f32
    %broadcast_in_dim3A_4 = vector.broadcast %broadcast_in_dim3A : f32 to vector<16xf32>
    %scan3A = arith.constant 0 : i32
    %scan3A_5 = arith.constant 0 : i32
    %scan3A_6 = arith.constant 640 : i32
    %scan3A_7 = arith.addi %scan3A_5, %scan3A_6 : i32
    %scan3A_8 = arith.constant 1 : i32
    scf.for %scan3A_18 = %scan3A_5 to %scan3A_7 step %scan3A_8  : i32 {
      %mul3A_19 = arith.constant 16 : i32
      %mul3A_20 = arith.muli %scan3A_18, %mul3A_19 : i32
      %multiple_of3A = tpu.assume_multiple %mul3A_20, 16 : i32
      %swap3A = arith.index_cast %multiple_of3A : i32 to index
      %swap3A_21 = tpu.vector_load %arg6[%swap3A] {strides = array<i32>} : memref<10240xf32, #tpu.memory_space<vmem>>, vector<16xf32>,
      tpu.vector_store %arg6[%swap3A], %broadcast_in_dim3A_4 {strides = array<i32>} : memref<10240xf32, #tpu.memory_space<vmem>>, vector<16xf32>,
      %swap3A_22 = arith.index_cast %multiple_of3A : i32 to index
      %swap3A_23 = tpu.vector_load %arg7[%swap3A_22] {strides = array<i32>} : memref<10240xf32, #tpu.memory_space<vmem>>, vector<16xf32>,
      tpu.vector_store %arg7[%swap3A_22], %broadcast_in_dim3A_4 {strides = array<i32>} : memref<10240xf32, #tpu.memory_space<vmem>>, vector<16xf32>,
    }
    %scan3A_9 = arith.constant 640 : i32
    %broadcast_in_dim3A_10 = arith.constant 1.000000e+00 : f32
    %broadcast_in_dim3A_11 = vector.broadcast %broadcast_in_dim3A_10 : f32 to vector<16xf32>
    %scan3A_12 = arith.constant 0 : i32
    %scan3A_13 = arith.constant 0 : i32
    %scan3A_14 = arith.constant 625 : i32
    %scan3A_15 = arith.addi %scan3A_13, %scan3A_14 : i32
    %scan3A_16 = arith.constant 1 : i32
    scf.for %scan3A_18 = %scan3A_13 to %scan3A_15 step %scan3A_16  : i32 {
      %mul3A_19 = arith.constant 16 : i32
      %mul3A_20 = arith.muli %scan3A_18, %mul3A_19 : i32
      %multiple_of3A = tpu.assume_multiple %mul3A_20, 16 : i32
      %get3A = arith.constant 0 : i32
      %get3A_21 = arith.index_cast %get3A : i32 to index
      %get3A_22 = arith.index_cast %multiple_of3A : i32 to index
      %get3A_23 = tpu.vector_load %arg5[%get3A_21, %get3A_22] {strides = array<i32>} : memref<2x10000xi32, #tpu.memory_space<vmem>>, vector<16xi32>,
      tpu.vector_store_idx %arg6[%get3A_23], %broadcast_in_dim3A_11 {add = true} : memref<10240xf32, #tpu.memory_space<vmem>>[vector<16xi32>], vector<16xf32>,
      %get3A_24 = arith.constant 1 : i32
      %get3A_25 = arith.index_cast %get3A_24 : i32 to index
      %get3A_26 = arith.index_cast %multiple_of3A : i32 to index
      %get3A_27 = tpu.vector_load %arg5[%get3A_25, %get3A_26] {strides = array<i32>} : memref<2x10000xi32, #tpu.memory_space<vmem>>, vector<16xi32>,
      tpu.vector_store_idx %arg7[%get3A_27], %broadcast_in_dim3A_11 {add = true} : memref<10240xf32, #tpu.memory_space<vmem>>[vector<16xi32>], vector<16xf32>,
    }
    %scan3A_17 = arith.constant 625 : i32
    "tpu.region"() ({
      %run_scoped3A_18 = tpu.sem_alloc : memref<!tpu.dma_semaphore, #tpu.memory_space<semaphore_mem>>
      %dma_start3A = arith.constant 0 : i32
      %dma_start3A_19 = tpu.memref_slice %arg3[%add3A, %dma_start3A] : memref<32x10240xf32, #tpu.memory_space<hbm>> -> memref<1x10240xf32, #tpu.memory_space<hbm>>
      %dma_start3A_20 = tpu.memref_squeeze %dma_start3A_19 : memref<1x10240xf32, #tpu.memory_space<hbm>> -> memref<10240xf32, #tpu.memory_space<hbm>>
      %dma_start3A_21 = arith.constant 0 : i32
      %dma_start3A_22 = tpu.memref_slice %arg3[%add3A, %dma_start3A_21] : memref<32x10240xf32, #tpu.memory_space<hbm>> -> memref<1x10240xf32, #tpu.memory_space<hbm>>
      %dma_start3A_23 = tpu.memref_squeeze %dma_start3A_22 : memref<1x10240xf32, #tpu.memory_space<hbm>> -> memref<10240xf32, #tpu.memory_space<hbm>>
      tpu.enqueue_dma source(%arg6 : memref<10240xf32, #tpu.memory_space<vmem>>) target(%dma_start3A_23 : memref<10240xf32, #tpu.memory_space<hbm>>) target_semaphore(%run_scoped3A_18 : memref<!tpu.dma_semaphore, #tpu.memory_space<semaphore_mem>>)
      %dma_wait3A = arith.constant 0 : i32
      %dma_wait3A_24 = tpu.memref_slice %arg3[%add3A, %dma_wait3A] : memref<32x10240xf32, #tpu.memory_space<hbm>> -> memref<1x10240xf32, #tpu.memory_space<hbm>>
      %dma_wait3A_25 = tpu.memref_squeeze %dma_wait3A_24 : memref<1x10240xf32, #tpu.memory_space<hbm>> -> memref<10240xf32, #tpu.memory_space<hbm>>
      %dma_wait3A_26 = arith.constant 0 : i32
      %dma_wait3A_27 = tpu.memref_slice %arg3[%add3A, %dma_wait3A_26] : memref<32x10240xf32, #tpu.memory_space<hbm>> -> memref<1x10240xf32, #tpu.memory_space<hbm>>
      %dma_wait3A_28 = tpu.memref_squeeze %dma_wait3A_27 : memref<1x10240xf32, #tpu.memory_space<hbm>> -> memref<10240xf32, #tpu.memory_space<hbm>>
      tpu.wait_dma2 semaphore(%run_scoped3A_18 : memref<!tpu.dma_semaphore, #tpu.memory_space<semaphore_mem>>) src(%arg6 : memref<10240xf32, #tpu.memory_space<vmem>>) dst(%dma_wait3A_28 : memref<10240xf32, #tpu.memory_space<hbm>>)
      tpu.yield
    }) : () -> ()
    "tpu.region"() ({
      %run_scoped3A_18 = tpu.sem_alloc : memref<!tpu.dma_semaphore, #tpu.memory_space<semaphore_mem>>
      %dma_start3A = arith.constant 0 : i32
      %dma_start3A_19 = tpu.memref_slice %arg4[%add3A, %dma_start3A] : memref<32x10240xf32, #tpu.memory_space<hbm>> -> memref<1x10240xf32, #tpu.memory_space<hbm>>
      %dma_start3A_20 = tpu.memref_squeeze %dma_start3A_19 : memref<1x10240xf32, #tpu.memory_space<hbm>> -> memref<10240xf32, #tpu.memory_space<hbm>>
      %dma_start3A_21 = arith.constant 0 : i32
      %dma_start3A_22 = tpu.memref_slice %arg4[%add3A, %dma_start3A_21] : memref<32x10240xf32, #tpu.memory_space<hbm>> -> memref<1x10240xf32, #tpu.memory_space<hbm>>
      %dma_start3A_23 = tpu.memref_squeeze %dma_start3A_22 : memref<1x10240xf32, #tpu.memory_space<hbm>> -> memref<10240xf32, #tpu.memory_space<hbm>>
      tpu.enqueue_dma source(%arg7 : memref<10240xf32, #tpu.memory_space<vmem>>) target(%dma_start3A_23 : memref<10240xf32, #tpu.memory_space<hbm>>) target_semaphore(%run_scoped3A_18 : memref<!tpu.dma_semaphore, #tpu.memory_space<semaphore_mem>>)
      %dma_wait3A = arith.constant 0 : i32
      %dma_wait3A_24 = tpu.memref_slice %arg4[%add3A, %dma_wait3A] : memref<32x10240xf32, #tpu.memory_space<hbm>> -> memref<1x10240xf32, #tpu.memory_space<hbm>>
      %dma_wait3A_25 = tpu.memref_squeeze %dma_wait3A_24 : memref<1x10240xf32, #tpu.memory_space<hbm>> -> memref<10240xf32, #tpu.memory_space<hbm>>
      %dma_wait3A_26 = arith.constant 0 : i32
      %dma_wait3A_27 = tpu.memref_slice %arg4[%add3A, %dma_wait3A_26] : memref<32x10240xf32, #tpu.memory_space<hbm>> -> memref<1x10240xf32, #tpu.memory_space<hbm>>
      %dma_wait3A_28 = tpu.memref_squeeze %dma_wait3A_27 : memref<1x10240xf32, #tpu.memory_space<hbm>> -> memref<10240xf32, #tpu.memory_space<hbm>>
      tpu.wait_dma2 semaphore(%run_scoped3A_18 : memref<!tpu.dma_semaphore, #tpu.memory_space<semaphore_mem>>) src(%arg7 : memref<10240xf32, #tpu.memory_space<vmem>>) dst(%dma_wait3A_28 : memref<10240xf32, #tpu.memory_space<hbm>>)
      tpu.yield
    }) : () -> ()
    return
  }
}

module attributes {stable_mosaic.version = 14 : i64} {
  func.func @_norm_body(%arg0: i32, %arg1: memref<32x1024xf32, #tpu.memory_space<vmem>>, %arg2: memref<32x1024xf32, #tpu.memory_space<vmem>>, %arg3: memref<1x1024xf32, #tpu.memory_space<vmem>>, %arg4: memref<1x1024xf32, #tpu.memory_space<vmem>>) attributes {dimension_semantics = [#tpu.dimension_semantics<arbitrary>], iteration_bounds = array<i64: 10>, scalar_prefetch = 0 : i64, scratch_operands = 0 : i64, tpu.core_type = #tpu.core_type<tc>, window_params = [{transform_indices = @transform_0, window_bounds = array<i64: 32, 1024>}, {transform_indices = @transform_1, window_bounds = array<i64: 32, 1024>}, {transform_indices = @transform_2, window_bounds = array<i64: 1, 1024>}, {transform_indices = @transform_3, window_bounds = array<i64: 1, 1024>}]} {
    %get3A = arith.constant 0 : index
    %get3A_0 = arith.constant 0 : index
    %get3A_1 = vector.load %arg1[%get3A, %get3A_0] : memref<32x1024xf32, #tpu.memory_space<vmem>>, vector<32x1024xf32>
    %reduce_sum3A = arith.constant dense<0.000000e+00> : vector<1024xf32>
    %reduce_sum3A_2 = vector.multi_reduction <add>, %get3A_1, %reduce_sum3A [0] : vector<32x1024xf32> to vector<1024xf32>
    %broadcast_in_dim3A = vector.shape_cast %reduce_sum3A_2 : vector<1024xf32> to vector<1x1024xf32>
    %max3A = arith.constant 1.000000e+00 : f32
    %max3A_3 = vector.broadcast %max3A : f32 to vector<1x1024xf32>
    %max3A_4 = arith.maximumf %broadcast_in_dim3A, %max3A_3 : vector<1x1024xf32>
    %rsqrt3A = math.rsqrt %max3A_4 : vector<1x1024xf32>
    %swap3A = arith.constant 0 : index
    %swap3A_5 = arith.constant 0 : index
    %swap3A_6 = vector.load %arg3[%swap3A, %swap3A_5] : memref<1x1024xf32, #tpu.memory_space<vmem>>, vector<1x1024xf32>
    tpu.vector_store %arg3[%swap3A, %swap3A_5], %rsqrt3A {strides = array<i32>} : memref<1x1024xf32, #tpu.memory_space<vmem>>, vector<1x1024xf32>,
    %get3A_7 = arith.constant 0 : index
    %get3A_8 = arith.constant 0 : index
    %get3A_9 = vector.load %arg2[%get3A_7, %get3A_8] : memref<32x1024xf32, #tpu.memory_space<vmem>>, vector<32x1024xf32>
    %reduce_sum3A_10 = arith.constant dense<0.000000e+00> : vector<1024xf32>
    %reduce_sum3A_11 = vector.multi_reduction <add>, %get3A_9, %reduce_sum3A_10 [0] : vector<32x1024xf32> to vector<1024xf32>
    %broadcast_in_dim3A_12 = vector.shape_cast %reduce_sum3A_11 : vector<1024xf32> to vector<1x1024xf32>
    %max3A_13 = arith.constant 1.000000e+00 : f32
    %max3A_14 = vector.broadcast %max3A_13 : f32 to vector<1x1024xf32>
    %max3A_15 = arith.maximumf %broadcast_in_dim3A_12, %max3A_14 : vector<1x1024xf32>
    %rsqrt3A_16 = math.rsqrt %max3A_15 : vector<1x1024xf32>
    %swap3A_17 = arith.constant 0 : index
    %swap3A_18 = arith.constant 0 : index
    %swap3A_19 = vector.load %arg4[%swap3A_17, %swap3A_18] : memref<1x1024xf32, #tpu.memory_space<vmem>>, vector<1x1024xf32>
    tpu.vector_store %arg4[%swap3A_17, %swap3A_18], %rsqrt3A_16 {strides = array<i32>} : memref<1x1024xf32, #tpu.memory_space<vmem>>, vector<1x1024xf32>,
    return
  }
  func.func @transform_0(%arg0: i32) -> (i32, i32) {
    %c0_i32 = arith.constant 0 : i32
    %c0_i32_0 = arith.constant 0 : i32
    return %c0_i32, %arg0 : i32, i32
  }
  func.func @transform_1(%arg0: i32) -> (i32, i32) {
    %c0_i32 = arith.constant 0 : i32
    %c0_i32_0 = arith.constant 0 : i32
    return %c0_i32, %arg0 : i32, i32
  }
  func.func @transform_2(%arg0: i32) -> (i32, i32) {
    %c0_i32 = arith.constant 0 : i32
    %c0_i32_0 = arith.constant 0 : i32
    return %c0_i32, %arg0 : i32, i32
  }
  func.func @transform_3(%arg0: i32) -> (i32, i32) {
    %c0_i32 = arith.constant 0 : i32
    %c0_i32_0 = arith.constant 0 : i32
    return %c0_i32, %arg0 : i32, i32
  }
}

module attributes {stable_mosaic.version = 14 : i64} {
  func.func @_prep_body(%arg0: i32, %arg1: memref<1000x128xf32, #tpu.memory_space<vmem>>, %arg2: memref<1000x1xf32, #tpu.memory_space<vmem>>, %arg3: memref<1000x128xf32, #tpu.memory_space<vmem>>) attributes {dimension_semantics = [#tpu.dimension_semantics<arbitrary>], iteration_bounds = array<i64: 10>, scalar_prefetch = 0 : i64, scratch_operands = 0 : i64, tpu.core_type = #tpu.core_type<tc>, window_params = [{transform_indices = @transform_0, window_bounds = array<i64: 1000, 128>}, {transform_indices = @transform_1, window_bounds = array<i64: 1000, 1>}, {transform_indices = @transform_2, window_bounds = array<i64: 1000, 128>}]} {
    %get3A = arith.constant 0 : index
    %get3A_0 = arith.constant 0 : index
    %get3A_1 = vector.load %arg1[%get3A, %get3A_0] : memref<1000x128xf32, #tpu.memory_space<vmem>>, vector<1000x128xf32>
    %get3A_2 = arith.constant 0 : index
    %get3A_3 = arith.constant 0 : index
    %get3A_4 = vector.load %arg2[%get3A_2, %get3A_3] : memref<1000x1xf32, #tpu.memory_space<vmem>>, vector<1000x1xf32>
    %mul3A = vector.broadcast %get3A_4 : vector<1000x1xf32> to vector<1000x128xf32>
    %mul3A_5 = arith.mulf %get3A_1, %mul3A : vector<1000x128xf32>
    %swap3A = arith.constant 0 : index
    %swap3A_6 = arith.constant 0 : index
    %swap3A_7 = vector.load %arg3[%swap3A, %swap3A_6] : memref<1000x128xf32, #tpu.memory_space<vmem>>, vector<1000x128xf32>
    tpu.vector_store %arg3[%swap3A, %swap3A_6], %mul3A_5 {strides = array<i32>} : memref<1000x128xf32, #tpu.memory_space<vmem>>, vector<1000x128xf32>,
    return
  }
  func.func @transform_0(%arg0: i32) -> (i32, i32) {
    %c0_i32 = arith.constant 0 : i32
    %c0_i32_0 = arith.constant 0 : i32
    return %arg0, %c0_i32 : i32, i32
  }
  func.func @transform_1(%arg0: i32) -> (i32, i32) {
    %c0_i32 = arith.constant 0 : i32
    %c0_i32_0 = arith.constant 0 : i32
    return %arg0, %c0_i32 : i32, i32
  }
  func.func @transform_2(%arg0: i32) -> (i32, i32) {
    %c0_i32 = arith.constant 0 : i32
    %c0_i32_0 = arith.constant 0 : i32
    return %arg0, %c0_i32 : i32, i32
  }
}

module attributes {stable_mosaic.version = 14 : i64} {
  func.func @_mm_body(%arg0: i32, %arg1: memref<2x1000x128xf32, #tpu.memory_space<vmem>>, %arg2: memref<1000x1xf32, #tpu.memory_space<vmem>>, %arg3: memref<1000x1xf32, #tpu.memory_space<vmem>>, %arg4: memref<128x128xf32, #tpu.memory_space<vmem>>, %arg5: memref<1x128xf32, #tpu.memory_space<vmem>>, %arg6: memref<1000x128xf32, #tpu.memory_space<vmem>>) attributes {dimension_semantics = [#tpu.dimension_semantics<arbitrary>], iteration_bounds = array<i64: 10>, scalar_prefetch = 0 : i64, scratch_operands = 0 : i64, tpu.core_type = #tpu.core_type<tc>, window_params = [{transform_indices = @transform_0, window_bounds = array<i64: 2, 1000, 128>}, {transform_indices = @transform_1, window_bounds = array<i64: 1000, 1>}, {transform_indices = @transform_2, window_bounds = array<i64: 1000, 1>}, {pipeline_mode = #tpu.pipeline_mode<synchronous>, transform_indices = @transform_3, window_bounds = array<i64: 128, 128>}, {pipeline_mode = #tpu.pipeline_mode<synchronous>, transform_indices = @transform_4, window_bounds = array<i64: 1, 128>}, {transform_indices = @transform_5, window_bounds = array<i64: 1000, 128>}]} {
    %get3A = arith.constant 0 : index
    %get3A_0 = arith.constant 0 : index
    %get3A_1 = arith.constant 0 : index
    %get3A_2 = vector.load %arg1[%get3A, %get3A_0, %get3A_1] : memref<2x1000x128xf32, #tpu.memory_space<vmem>>, vector<1x1000x128xf32>
    %get3A_3 = vector.shape_cast %get3A_2 : vector<1x1000x128xf32> to vector<1000x128xf32>
    %get3A_4 = arith.constant 1 : index
    %get3A_5 = arith.constant 0 : index
    %get3A_6 = arith.constant 0 : index
    %get3A_7 = vector.load %arg1[%get3A_4, %get3A_5, %get3A_6] : memref<2x1000x128xf32, #tpu.memory_space<vmem>>, vector<1x1000x128xf32>
    %get3A_8 = vector.shape_cast %get3A_7 : vector<1x1000x128xf32> to vector<1000x128xf32>
    %add3A = arith.addf %get3A_3, %get3A_8 : vector<1000x128xf32>
    %get3A_9 = arith.constant 0 : index
    %get3A_10 = arith.constant 0 : index
    %get3A_11 = vector.load %arg4[%get3A_9, %get3A_10] : memref<128x128xf32, #tpu.memory_space<vmem>>, vector<128x128xf32>
    %dot_general3A = arith.constant dense<0.000000e+00> : vector<1000x128xf32>
    %dot_general3A_12 = tpu.matmul %add3A, %get3A_11, %dot_general3A {dimension_numbers = #tpu.dot_dimension_numbers<[1], [0], [0], [1], [0, 0, 1, 1], [], []>, transpose_lhs_hint = false} : vector<1000x128xf32>, vector<128x128xf32>, vector<1000x128xf32> -> vector<1000x128xf32>
    %get3A_13 = arith.constant 0 : index
    %get3A_14 = arith.constant 0 : index
    %get3A_15 = vector.load %arg2[%get3A_13, %get3A_14] : memref<1000x1xf32, #tpu.memory_space<vmem>>, vector<1000x1xf32>
    %mul3A = vector.broadcast %get3A_15 : vector<1000x1xf32> to vector<1000x128xf32>
    %mul3A_16 = arith.mulf %dot_general3A_12, %mul3A : vector<1000x128xf32>
    %get3A_17 = arith.constant 0 : index
    %get3A_18 = arith.constant 0 : index
    %get3A_19 = vector.load %arg5[%get3A_17, %get3A_18] : memref<1x128xf32, #tpu.memory_space<vmem>>, vector<1x128xf32>
    %add3A_20 = vector.broadcast %get3A_19 : vector<1x128xf32> to vector<1000x128xf32>
    %add3A_21 = arith.addf %mul3A_16, %add3A_20 : vector<1000x128xf32>
    %max3A = arith.constant 0.000000e+00 : f32
    %max3A_22 = vector.broadcast %max3A : f32 to vector<1000x128xf32>
    %max3A_23 = arith.maximumf %add3A_21, %max3A_22 : vector<1000x128xf32>
    %get3A_24 = arith.constant 0 : index
    %get3A_25 = arith.constant 0 : index
    %get3A_26 = vector.load %arg3[%get3A_24, %get3A_25] : memref<1000x1xf32, #tpu.memory_space<vmem>>, vector<1000x1xf32>
    %mul3A_27 = vector.broadcast %get3A_26 : vector<1000x1xf32> to vector<1000x128xf32>
    %mul3A_28 = arith.mulf %max3A_23, %mul3A_27 : vector<1000x128xf32>
    %swap3A = arith.constant 0 : index
    %swap3A_29 = arith.constant 0 : index
    %swap3A_30 = vector.load %arg6[%swap3A, %swap3A_29] : memref<1000x128xf32, #tpu.memory_space<vmem>>, vector<1000x128xf32>
    tpu.vector_store %arg6[%swap3A, %swap3A_29], %mul3A_28 {strides = array<i32>} : memref<1000x128xf32, #tpu.memory_space<vmem>>, vector<1000x128xf32>,
    return
  }
  func.func @transform_0(%arg0: i32) -> (i32, i32, i32) {
    %c0_i32 = arith.constant 0 : i32
    %c0_i32_0 = arith.constant 0 : i32
    %c0_i32_1 = arith.constant 0 : i32
    return %c0_i32, %arg0, %c0_i32_0 : i32, i32, i32
  }
  func.func @transform_1(%arg0: i32) -> (i32, i32) {
    %c0_i32 = arith.constant 0 : i32
    %c0_i32_0 = arith.constant 0 : i32
    return %arg0, %c0_i32 : i32, i32
  }
  func.func @transform_2(%arg0: i32) -> (i32, i32) {
    %c0_i32 = arith.constant 0 : i32
    %c0_i32_0 = arith.constant 0 : i32
    return %arg0, %c0_i32 : i32, i32
  }
  func.func @transform_3(%arg0: i32) -> (i32, i32) {
    %c0_i32 = arith.constant 0 : i32
    %c0_i32_0 = arith.constant 0 : i32
    %c0_i32_1 = arith.constant 0 : i32
    return %c0_i32, %c0_i32_0 : i32, i32
  }
  func.func @transform_4(%arg0: i32) -> (i32, i32) {
    %c0_i32 = arith.constant 0 : i32
    %c0_i32_0 = arith.constant 0 : i32
    %c0_i32_1 = arith.constant 0 : i32
    return %c0_i32, %c0_i32_0 : i32, i32
  }
  func.func @transform_5(%arg0: i32) -> (i32, i32) {
    %c0_i32 = arith.constant 0 : i32
    %c0_i32_0 = arith.constant 0 : i32
    return %arg0, %c0_i32 : i32, i32
  }
}

module attributes {stable_mosaic.version = 14 : i64} {
  func.func @_mm_body(%arg0: i32, %arg1: memref<2x1000x128xf32, #tpu.memory_space<vmem>>, %arg2: memref<1000x1xf32, #tpu.memory_space<vmem>>, %arg3: memref<1000x1xf32, #tpu.memory_space<vmem>>, %arg4: memref<128x128xf32, #tpu.memory_space<vmem>>, %arg5: memref<1x128xf32, #tpu.memory_space<vmem>>, %arg6: memref<1000x128xf32, #tpu.memory_space<vmem>>) attributes {dimension_semantics = [#tpu.dimension_semantics<arbitrary>], iteration_bounds = array<i64: 10>, scalar_prefetch = 0 : i64, scratch_operands = 0 : i64, tpu.core_type = #tpu.core_type<tc>, window_params = [{transform_indices = @transform_0, window_bounds = array<i64: 2, 1000, 128>}, {transform_indices = @transform_1, window_bounds = array<i64: 1000, 1>}, {transform_indices = @transform_2, window_bounds = array<i64: 1000, 1>}, {pipeline_mode = #tpu.pipeline_mode<synchronous>, transform_indices = @transform_3, window_bounds = array<i64: 128, 128>}, {pipeline_mode = #tpu.pipeline_mode<synchronous>, transform_indices = @transform_4, window_bounds = array<i64: 1, 128>}, {transform_indices = @transform_5, window_bounds = array<i64: 1000, 128>}]} {
    %get3A = arith.constant 0 : index
    %get3A_0 = arith.constant 0 : index
    %get3A_1 = arith.constant 0 : index
    %get3A_2 = vector.load %arg1[%get3A, %get3A_0, %get3A_1] : memref<2x1000x128xf32, #tpu.memory_space<vmem>>, vector<1x1000x128xf32>
    %get3A_3 = vector.shape_cast %get3A_2 : vector<1x1000x128xf32> to vector<1000x128xf32>
    %get3A_4 = arith.constant 1 : index
    %get3A_5 = arith.constant 0 : index
    %get3A_6 = arith.constant 0 : index
    %get3A_7 = vector.load %arg1[%get3A_4, %get3A_5, %get3A_6] : memref<2x1000x128xf32, #tpu.memory_space<vmem>>, vector<1x1000x128xf32>
    %get3A_8 = vector.shape_cast %get3A_7 : vector<1x1000x128xf32> to vector<1000x128xf32>
    %add3A = arith.addf %get3A_3, %get3A_8 : vector<1000x128xf32>
    %get3A_9 = arith.constant 0 : index
    %get3A_10 = arith.constant 0 : index
    %get3A_11 = vector.load %arg4[%get3A_9, %get3A_10] : memref<128x128xf32, #tpu.memory_space<vmem>>, vector<128x128xf32>
    %dot_general3A = arith.constant dense<0.000000e+00> : vector<1000x128xf32>
    %dot_general3A_12 = tpu.matmul %add3A, %get3A_11, %dot_general3A {dimension_numbers = #tpu.dot_dimension_numbers<[1], [0], [0], [1], [0, 0, 1, 1], [], []>, transpose_lhs_hint = false} : vector<1000x128xf32>, vector<128x128xf32>, vector<1000x128xf32> -> vector<1000x128xf32>
    %get3A_13 = arith.constant 0 : index
    %get3A_14 = arith.constant 0 : index
    %get3A_15 = vector.load %arg2[%get3A_13, %get3A_14] : memref<1000x1xf32, #tpu.memory_space<vmem>>, vector<1000x1xf32>
    %mul3A = vector.broadcast %get3A_15 : vector<1000x1xf32> to vector<1000x128xf32>
    %mul3A_16 = arith.mulf %dot_general3A_12, %mul3A : vector<1000x128xf32>
    %get3A_17 = arith.constant 0 : index
    %get3A_18 = arith.constant 0 : index
    %get3A_19 = vector.load %arg5[%get3A_17, %get3A_18] : memref<1x128xf32, #tpu.memory_space<vmem>>, vector<1x128xf32>
    %add3A_20 = vector.broadcast %get3A_19 : vector<1x128xf32> to vector<1000x128xf32>
    %add3A_21 = arith.addf %mul3A_16, %add3A_20 : vector<1000x128xf32>
    %swap3A = arith.constant 0 : index
    %swap3A_22 = arith.constant 0 : index
    %swap3A_23 = vector.load %arg6[%swap3A, %swap3A_22] : memref<1000x128xf32, #tpu.memory_space<vmem>>, vector<1000x128xf32>
    tpu.vector_store %arg6[%swap3A, %swap3A_22], %add3A_21 {strides = array<i32>} : memref<1000x128xf32, #tpu.memory_space<vmem>>, vector<1000x128xf32>,
    return
  }
  func.func @transform_0(%arg0: i32) -> (i32, i32, i32) {
    %c0_i32 = arith.constant 0 : i32
    %c0_i32_0 = arith.constant 0 : i32
    %c0_i32_1 = arith.constant 0 : i32
    return %c0_i32, %arg0, %c0_i32_0 : i32, i32, i32
  }
  func.func @transform_1(%arg0: i32) -> (i32, i32) {
    %c0_i32 = arith.constant 0 : i32
    %c0_i32_0 = arith.constant 0 : i32
    return %arg0, %c0_i32 : i32, i32
  }
  func.func @transform_2(%arg0: i32) -> (i32, i32) {
    %c0_i32 = arith.constant 0 : i32
    %c0_i32_0 = arith.constant 0 : i32
    return %arg0, %c0_i32 : i32, i32
  }
  func.func @transform_3(%arg0: i32) -> (i32, i32) {
    %c0_i32 = arith.constant 0 : i32
    %c0_i32_0 = arith.constant 0 : i32
    %c0_i32_1 = arith.constant 0 : i32
    return %c0_i32, %c0_i32_0 : i32, i32
  }
  func.func @transform_4(%arg0: i32) -> (i32, i32) {
    %c0_i32 = arith.constant 0 : i32
    %c0_i32_0 = arith.constant 0 : i32
    %c0_i32_1 = arith.constant 0 : i32
    return %c0_i32, %c0_i32_0 : i32, i32
  }
  func.func @transform_5(%arg0: i32) -> (i32, i32) {
    %c0_i32 = arith.constant 0 : i32
    %c0_i32_0 = arith.constant 0 : i32
    return %arg0, %c0_i32 : i32, i32
  }
}

</mosaic_0001>

<sc_bundles>
// kernel: kernel.12.cloned.1.call-start
scs
__scs_entry_jumppad:
0x0: {  	(pc) =	sbr.rel $0x88, $3  }
0x1: {  	(tag) =	ssettag $0x0;
	lr =	simm.s32 $0x1  }
0x2: {  	[smem:$0x3F9B] =	sst lr;
	_ =	strace $0xD0000000  }
0x3: {  	_ = 	snop  }
0x4: {  	_ = 	snop  }
0x5: {  	_ = 	snop  }
0x6: {  	_ = 	snop  }
0x7: {  	_ = 	snop  }
__scs_overlays_trampoline_lowered:
0x8: {  	[smem:$0x3FAA] =	sst s0  }
0x9: {  	[smem:$0x3FAB] =	sst s1  }
0xa: {  	[smem:$0x3FAC] =	sst s2  }
0xb: {  	[smem:$0x3FAD] =	sst s3  }
0xc: {  	[smem:$0x3FAE] =	sst s4  }
0xd: {  	[smem:$0x3FAF] =	sst s5  }
0xe: {  	[smem:$0x3FB0] =	sst s6  }
0xf: {  	[smem:$0x3FB1] =	sst s7  }
0x10: {  	[smem:$0x3FB2] =	sst s8  }
0x11: {  	[smem:$0x3FB3] =	sst s9;
	s0 =	simm.s32 @!p0 $0x0  }
0x12: {  	s1 =	sld [smem:$0x3F99];
	s0 =	simm.s32 @p0 $0x1  }
0x13: {  	[smem:$0x3FB4] =	sst s0;
	s0 =	simm.s32 @!p1 $0x0  }
0x14: {  	s2 =	sld [smem:$0x3F98];
	s0 =	simm.s32 @p1 $0x1  }
0x15: {  	[smem:$0x3FB5] =	sst s0;
	s0 =	simm.s32 @!p2 $0x0  }
0x16: {  	s3 =	sld [smem:$0x3FDB];
	s0 =	simm.s32 @p2 $0x1  }
0x17: {  	s4 =	simm.s32 $0x1BF5;
	[smem:$0x3FB7] =	sst s0  }
0x18: {  	s0 =	sld [smem:$0x3F9A];
	_ =	swait.ge [sflag:s4], $0x0  }
0x19: {  	s7 =	sld [smem:$0x3F9B]  }
0x1a: {  	s8 =	sadd.s32 $0xFFFFE003, lr  }
0x1b: {  	s9 =	sadd.s32 $0xFFFFFEF7, lr;
	s5 =	simm.s32 $0xFFFFFFFF;
	p2 =	slt.u32 s8, $0xFFFFF086  }
0x1c: {  	p1 =	slt.u32 s9, $0xF7A;
	s5 =	simm.s32 @!p2 $0x0  }
0x1d: {  	s5 =	simm.s32 @p1 $0x1;
	p0 =	seq.s32 s7, s2  }
0x1e: {  	s7 =	smul.u32 @!p0 $0xF7A, s2;
	p2 =	seq.s32 @!p0 s5, $0x0  }
0x1f: {  	s9 =	smul.u32 $0xF7A, s1;
	s8 =	simm.s32 @!p0 $0x1BF5;
	p2 =	por !p2, p0  }
0x20: {  	[sflag:s8] =	ssyncset.s32 @!p0 $0xFFFFF086;
	s6 =	sadd.s32 @!p0 s3, s7;
	s7 =	simm.s32 @!p0 $0x108  }
0x21: {  	s3 =	sadd.s32 s3, s9;
	s6 =	sadd.s32 @!p0 $0x88, s6;
	s7 =	simm.s32 @p2 $0x1082  }
0x22: {  	[simem:s7], [sflag:s8] =	dma.local @!p0 [hbm:s6], $0xF7A  }
0x23: {  	s9 =	sor.u32 $0xD0000000, s2;
	s6 =	simm.s32 $0x108;
	_ =	swait.ge @!p0 [sflag:s8], $0x0  }
0x24: {  	s3 =	sadd.s32 $0x88, s3;
	s6 =	simm.s32 @!p1 $0x1082;
	[sflag:s4] =	ssyncset.s32 $0xFFFFF086  }
0x25: {  	[simem:s6], [sflag:s4] =	dma.local [hbm:s3], $0xF7A  }
0x26: {  	[smem:$0x3F9B] =	sst s1;
	(tag) =	ssettag s2;
	_ =	strace s9  }
0x27: {  	s1 =	sld [smem:$0x3FAB]  }
0x28: {  	s2 =	sld [smem:$0x3FAC]  }
0x29: {  	s4 =	sld [smem:$0x3FAE]  }
0x2a: {  	p0 =	seq.s32 s5, $0x0;
	s5 =	sld [smem:$0x3FAF]  }
0x2b: {  	s6 =	sld [smem:$0x3FB0]  }
0x2c: {  	s7 =	sld [smem:$0x3FB1]  }
0x2d: {  	s3 =	simm.s32 $0x108;
	s8 =	sld [smem:$0x3FB2]  }
0x2e: {  	s3 =	simm.s32 @!p0 $0x1082;
	s9 =	sld [smem:$0x3FB3]  }
0x2f: {  	lr =	sadd.s32 s0, s3;
	s0 =	sld [smem:$0x3FAA]  }
0x30: {  	s3 =	sld [smem:$0x3FAD]  }
0x31: {  	[smem:$0x3FB6] =	sst s10  }
0x32: {  	s10 =	sld [smem:$0x3FB4];
	_ =	sdelay $0x3  }
0x33: {  	p0 =	seq.s32 s10, $0x1;
	s10 =	sld [smem:$0x3FB6];
	_ =	sdelay $0x3  }
0x34: {  	[smem:$0x3FB6] =	sst s10  }
0x35: {  	s10 =	sld [smem:$0x3FB5];
	_ =	sdelay $0x3  }
0x36: {  	p1 =	seq.s32 s10, $0x1;
	s10 =	sld [smem:$0x3FB6];
	_ =	sdelay $0x3  }
0x37: {  	[smem:$0x3FB6] =	sst s10  }
0x38: {  	s10 =	sld [smem:$0x3FB7]  }
0x39: {  	_ = 	snop;
	(pc) =	sbr.ind lr, $3  }
0x3a: {  	_ = 	snop  }
0x3b: {  	_ = 	snop  }
0x3c: {  	p2 =	seq.s32 s10, $0x1;
	s10 =	sld [smem:$0x3FB6]  }
0x3d: {  	_ =	shalt  }
0x3e: {  	_ =	shalt  }
0x3f: {  	_ =	shalt  }
0x40: {  	_ =	shalt  }
0x41: {  	_ =	shalt  }
0x42: {  	_ =	shalt  }
0x43: {  	_ =	shalt  }
0x44: {  	_ =	shalt  }
0x45: {  	_ =	shalt  }
0x46: {  	_ =	shalt  }
0x47: {  	_ =	shalt  }
0x48: {  	_ =	shalt  }
0x49: {  	_ =	shalt  }
0x4a: {  	_ =	shalt  }
0x4b: {  	_ =	shalt  }
0x4c: {  	_ =	shalt  }
0x4d: {  	_ =	shalt  }
0x4e: {  	_ =	shalt  }
0x4f: {  	_ =	shalt  }
0x50: {  	_ =	shalt  }
0x51: {  	_ =	shalt  }
0x52: {  	_ =	shalt  }
0x53: {  	_ =	shalt  }
0x54: {  	_ =	shalt  }
0x55: {  	_ =	shalt  }
0x56: {  	_ =	shalt  }
0x57: {  	_ =	shalt  }
0x58: {  	_ =	shalt  }
0x59: {  	_ =	shalt  }
0x5a: {  	_ =	shalt  }
0x5b: {  	_ =	shalt  }
0x5c: {  	_ =	shalt  }
0x5d: {  	_ =	shalt  }
0x5e: {  	_ =	shalt  }
0x5f: {  	_ =	shalt  }
0x60: {  	_ =	shalt  }
0x61: {  	_ =	shalt  }
0x62: {  	_ =	shalt  }
0x63: {  	_ =	shalt  }
0x64: {  	_ =	shalt  }
0x65: {  	_ =	shalt  }
0x66: {  	_ =	shalt  }
0x67: {  	_ =	shalt  }
0x68: {  	_ =	shalt  }
0x69: {  	_ =	shalt  }
0x6a: {  	_ =	shalt  }
0x6b: {  	_ =	shalt  }
0x6c: {  	_ =	shalt  }
0x6d: {  	_ =	shalt  }
0x6e: {  	_ =	shalt  }
0x6f: {  	_ =	shalt  }
0x70: {  	_ =	shalt  }
0x71: {  	_ =	shalt  }
0x72: {  	_ =	shalt  }
0x73: {  	_ =	shalt  }
0x74: {  	_ =	shalt  }
0x75: {  	_ =	shalt  }
0x76: {  	_ =	shalt  }
0x77: {  	_ =	shalt  }
0x78: {  	_ =	shalt  }
0x79: {  	_ =	shalt  }
0x7a: {  	_ =	shalt  }
0x7b: {  	_ =	shalt  }
0x7c: {  	_ =	shalt  }
0x7d: {  	_ =	shalt  }
0x7e: {  	_ =	shalt  }
0x7f: {  	_ =	shalt  }
0x80: {  	_ =	shalt  }
0x81: {  	_ =	shalt  }
0x82: {  	_ =	shalt  }
0x83: {  	_ =	shalt  }
0x84: {  	_ =	shalt  }
0x85: {  	_ =	shalt  }
0x86: {  	_ =	shalt  }
0x87: {  	_ =	shalt  }
.Lfunc_end0:
.L_simem_size_0:
called_computation.1_lowered:
.L_overlay_start_0:
0x88: {  	s2 =	sld [smem:$0x3FD9]  }
0x89: {  	s3 =	sld [smem:$0x3FFE];
	_ =	sdelay $0x1  }
0x8a: {  	s1 =	srdreg.scid  }
0x8b: {  	s0 =	sand.u32 $0x1, s1  }
0x8c: {  	s17 =	sshll.u32 s0, $0xA;
	s2 =	sadd.s32 s3, s2  }
0x8d: {  	s2 =	sadd.s32 s2, s17  }
0x8e: {  	[smem:$0x3FC2] =	sst s2  }
0x8f: {  	_ = 	snop  }
0x90: {  	s2 =	sld [smem:$0x3FD0];
	(tm) =	ssettm $0x1  }
0x91: {  	s18 =	sld [smem:$0x3FFB];
	_ =	sdelay $0x3  }
0x92: {  	_ =	strace s18  }
0x93: {  	s3 =	sld [smem:$0x3FFC];
	_ =	sdelay $0x3  }
0x94: {  	_ =	strace s3  }
0x95: {  	s3 =	sld [smem:$0x3FFD];
	_ =	sdelay $0x3  }
0x96: {  	_ =	strace s3  }
0x97: {  	_ =	strace $0x8FFFFFFF  }
0x98: {  	s19 =	sld [smem:$0x3FDB];
	_ =	sdelay $0x1  }
0x99: {  	s4 =	simm.s32 $_scs_section_size  }
0x9a: {  	s5 =	simm.s32 $_size__tile_overlayer_lowered;
	s6 =	simm.s32 $_tile_overlayer_lowered  }
0x9b: {  	s22 =	simm.s32 $0x1BFF;
	s21 =	sshll.u32 s6, $0x1;
	s3 =	sadd.s32 s4, s19  }
0x9c: {  	s7 =	simm.s32 $0x0;
	s20 =	sshll.u32 s5, $0x1;
	s5 =	sadd.s32 s21, s3  }
0x9d: {  	[timem:s7], [sflag:s22] =	dma.local [hbm:s5], s20  }
0x9e: {  	_ =	swait.ge [sflag:s22], s20  }
0x9f: {  	s4 =	ssub.s32 $0x0, s20;
	[sflag:s22] =	ssyncset.done $0x0  }
0xa0: {  	[sflag:s22] =	ssyncadd.s32 s4;
	_ =	sdelay $0x1  }
0xa1: {  	s23 =	simm.s32 $0x1B8B  }
0xa2: {  	_ =	swait.ge [sflag:s23], $0x1  }
0xa3: {  	[sflag:s23] =	ssyncset.done $0x0  }
0xa4: {  	s25 =	simm.s32 $0x1B8E;
	s24 =	sld [smem:$0x3FFE];
	[sflag:s23] =	ssyncadd.s32 $0xFFFFFFFF  }
0xa5: {  	s26 =	simm.s32 $execute0_lowered;
	[smem:$0x3FD2] =	sst s25  }
0xa6: {  	s5 =	sshll.u32 s26, $0x1;
	_ =	strace $0x80000049;
	[dreg:$0x1] =	wrdreg $0xFFFFFFFF  }
0xa7: {  	s28 =	simm.s32 $_size_execute0_lowered;
	s3 =	sadd.s32 s3, s5;
	[dreg:$0x0] =	wrdreg $0x0  }
0xa8: {  	s5 =	sshll.u32 s28, $0x1;
	[dreg:$0x2] =	wrdreg s3  }
0xa9: {  	[dreg:$0x3] =	wrdreg s5  }
0xaa: {  	[dreg:$0x4] =	wrdreg $0xC0  }
0xab: {  	_ =	task [dreg:s7], $0x5FFFF  }
0xac: {  	[dreg:$0x1] =	wrdreg $0xFFFFFFFF  }
0xad: {  	[dreg:$0x0] =	wrdreg $0x60  }
0xae: {  	[dreg:$0x2] =	wrdreg s24  }
0xaf: {  	[dreg:$0x3] =	wrdreg s2  }
0xb0: {  	[dreg:$0x4] =	wrdreg $0xB7800  }
0xb1: {  	[dreg:$0x5] =	wrdreg $0x9  }
0xb2: {  	_ =	task.clear_ibuf [dreg:s7], $0x6FFFF;
	_ =	strace $0x90000049  }
0xb3: {  	s29 =	simm.s32 $0x9;
	_ =	strace $0x8000004B  }
0xb4: {  	_ =	swait.ge [sflag:s29], $0x1  }
0xb5: {  	[sflag:s29] =	ssyncadd.s32 $0xFFFFFFFF  }
0xb6: {  	_ =	strace $0x9000004B  }
0xb7: {  	_ =	sfence  }
0xb8: {  	s30 =	sld [smem:$0x0];
	_ =	sdelay $0x2  }
0xb9: {  	s31 =	sshll.u32 s1, $0xD;
	s1 =	sshrl.u32 s1, $0x2  }
0xba: {  	s3 =	sand.u32 $0x4000, s31;
	s1 =	sadd.s32 s1, s30  }
0xbb: {  	s0 =	sor.u32 s3, s0;
	s1 =	sshll.u32 s1, $0x11  }
0xbc: {  	s0 =	sor.u32 s1, s0  }
0xbd: {  	s0 =	sadd.s32 $0x8F2B, s0  }
0xbe: {  	[sflag:s0] =	ssyncadd.remote.s32 $0x1  }
0xbf: {  	_ =	sfence.sel $0xFFFF  }
0xc0: {  	[dreg:$0x0] =	wrdreg $0xFFFFFFFF;
	(pc) =	sbr.abs _section_cstart, $3  }
0xc1: {  	[dreg:$0x1] =	wrdreg $0xFFFFFFFF  }
0xc2: {  	_ =	task.clear_ibuf [dreg:s7], $0x2FFFF;
	_ =	strace $0x9FFFFFFF  }
0xc3: {  	(tm) =	ssettm $0x7FFFFFFF  }
tec
execute0_lowered:
.L_overlay_start_1:
0x0: {  	(tag) =	ssettag $0x1  }
0x1: {  	s0 =	srdreg.scid;
	s1 =	rddreg [dreg:$0x0]  }
0x2: {  	s19 =	stileid.u32;
	s2 =	rddreg [dreg:$0x1];
	s21 =	simm.s32 $0x4  }
0x3: {  	s23 =	simm.s32 $0x50;
	s24 =	simm.s32 $0x8F80;
	s25 =	simm.s32 $0x6780  }
0x4: {  	s28 =	simm.s32 $0x1;
	s29 =	simm.s32 $0x2;
	s0 =	sand.u32 $0x1, s0  }
0x5: {  	s3 =	sshll.u32 s19, $0x1;
	s4 =	sshrl.u32 s19, $0x2;
	s8 =	smul.u32 $0x4E000, s19  }
0x6: {  	s14 =	smul.u32 $0x13800, s19;
	p0 =	sne.s32 s19, $0xF;
	s19 =	simm.s32 $0x0  }
0x7: {  	s5 =	sor.u32 s0, s3;
	s3 =	rddreg [dreg:$0x2];
	s6 =	smul.u32 $0x13C00, s4  }
0x8: {  	s4 =	simm.s32 $0x0;
	s26 =	ssub.s32 $0x2, s0;
	s0 =	smul.u32 $0x138800, s0  }
0x9: {  	s7 =	sshll.u32 s5, $0x7;
	[smem:$0x7FF] =	sst s4;
	s5 =	sshll.u32 s5, $0xB  }
0xa: {  	s30 =	sshrl.u32 s26, $0x1;
	s31 =	sshrl.u32 s8, $0x2;
	s7 =	sand.u32 $0x380, s7  }
0xb: {  	_ =	strace $0x8000004A;
	s9 =	sadd.s32 s5, s1;
	s18 =	ssub.s32 s26, s30  }
0xc: {  	s15 =	sadd.s32 s14, s0;
	s0 =	sshrl.u32 s0, $0x3;
	s6 =	sor.u32 s6, s7  }
0xd: {  	s26 =	simm.s32 $0x3;
	s7 =	sadd.s32 $0x20800, s9;
	s6 =	sshrl.u32 s6, $0x3  }
0xe: {  	s16 =	sshrl.u32 s15, $0x3;
	s15 =	sadd.s32 $0x138000, s3;
	s6 =	sadd.s32 s6, s1  }
0xf: {  	s18 =	smax.u32 s18, $0x1;
	s1 =	sadd.s32 $0x30800, s1;
	s5 =	sadd.s32 $0x2C00, s6  }
0x10: {  	s6 =	sadd.s32 s31, s3;
	s16 =	sadd.s32 s1, s16;
	s0 =	sadd.s32 s1, s0  }
0x11: {  	s8 =	sadd.s32 $0x2800, s6;
	s9 =	sadd.s32 $0x5000, s6;
	s10 =	sadd.s32 $0x7800, s6  }
0x12: {  	s11 =	sadd.s32 $0xA000, s6;
	s12 =	sadd.s32 $0xC800, s6;
	s13 =	sadd.s32 $0xF000, s6  }
0x13: {  	v0 =	vimm.f32 $0.0e+00;
	s14 =	sadd.s32 $0x11800, s6;
	s17 =	sadd.s32 $0x27000, s0;
	s0 =	simm.s32 $0x6580  }
.LBB2_1:
0x14: {  	s1 =	simm.s32 $0x80;
	s20 =	simm.s32 $0x400  }
0x15: {  	[tilespmem:s4], [sflag:$0x4] =	stream.strided.gather [hbm4b:s5+s1], $0x2780, s20, s1, $0x38;
	[tilespmem:$0x1F000] =	vst v63  }
0x16: {  	_ =	swait.ge [sflag:s21], $0x2780  }
0x17: {  	[sflag:s21] =	ssyncset.done $0x0  }
0x18: {  	s22 =	simm.s32 $0x2780;
	s31 =	sand.u32 $0xFE00, s4;
	[sflag:s21] =	ssyncadd.s32 $0xFFFFD880  }
0x19: {  	[tilespmem:s22], [sflag:$0x3] =	stream.linear.gather [hbm4b:s7+s4], $0x3E80, $0x38;
	[tilespmem:$0x1F000] =	vst v63  }
0x1a: {  	s30 =	sshrl.u32 s31, $0x2;
	s22 =	sand.u32 $0x70, s4  }
0x1b: {  	s20 =	simm.s32 $0x40;
	s30 =	sor.u32 s22, s30;
	s22 =	simm.s32 $0x0  }
0x1c: {  	[tilespmem:s24], [sflag:$0x2] =	stream.indirect.gather [hbm4b:s2+s23], $0x80, s23, s23, $0xb8;
	[tilespmem:$0x1F000] =	vst v63  }
.LBB2_2:
0x1d: {  	p1 =	sne.s32 s20, $0x9FC0  }
0x1e: {  	[tilespmem:s30+$0x6780] =	vst v0;
	s22 =	sadd.s32 $0x10, s22;
	s30 =	smov.u32 s20;
	s20 =	sadd.s32 $0x40, s20  }
.Ltmp0:
0x1f: {  	(pc) =	sbr.rel @p1 .LBB2_2-.Ltmp0, $4  }
0x20: {  	_ = 	snop  }
0x21: {  	s30 =	sand.u32 $0xFE00, s30  }
0x22: {  	s31 =	sand.u32 $0x70, s22;
	s30 =	sshrl.u32 s30, $0x2  }
0x23: {  	s30 =	sor.u32 s31, s30  }
0x24: {  	[tilespmem:s30+$0x6780] =	vst v0  }
0x25: {  	[spmem:s6] =	stream.linear.scatter [tilespmem:s25], [sflag:$0x4], $0x2800, $0x38;
	[tilespmem:$0x1F000] =	vst v63  }
0x26: {  	_ =	swait.ge [sflag:s21], $0x2800  }
0x27: {  	[sflag:s21] =	ssyncset.done $0x0  }
0x28: {  	[sflag:s21] =	ssyncadd.s32 $0xFFFFD800  }
0x29: {  	[spmem:s8] =	stream.linear.scatter [tilespmem:s25], [sflag:$0x4], $0x2800, $0x38;
	[tilespmem:$0x1F000] =	vst v63  }
0x2a: {  	_ =	swait.ge [sflag:s21], $0x2800  }
0x2b: {  	[sflag:s21] =	ssyncset.done $0x0  }
0x2c: {  	[sflag:s21] =	ssyncadd.s32 $0xFFFFD800  }
0x2d: {  	[spmem:s9] =	stream.linear.scatter [tilespmem:s25], [sflag:$0x4], $0x2800, $0x38;
	[tilespmem:$0x1F000] =	vst v63  }
0x2e: {  	_ =	swait.ge [sflag:s21], $0x2800  }
0x2f: {  	[sflag:s21] =	ssyncset.done $0x0  }
0x30: {  	[sflag:s21] =	ssyncadd.s32 $0xFFFFD800  }
0x31: {  	[spmem:s10] =	stream.linear.scatter [tilespmem:s25], [sflag:$0x4], $0x2800, $0x38;
	[tilespmem:$0x1F000] =	vst v63  }
0x32: {  	_ =	swait.ge [sflag:s21], $0x2800  }
0x33: {  	[sflag:s21] =	ssyncset.done $0x0  }
0x34: {  	[sflag:s21] =	ssyncadd.s32 $0xFFFFD800  }
0x35: {  	[spmem:s11] =	stream.linear.scatter [tilespmem:s25], [sflag:$0x4], $0x2800, $0x38;
	[tilespmem:$0x1F000] =	vst v63  }
0x36: {  	_ =	swait.ge [sflag:s21], $0x2800  }
0x37: {  	[sflag:s21] =	ssyncset.done $0x0  }
0x38: {  	[sflag:s21] =	ssyncadd.s32 $0xFFFFD800  }
0x39: {  	[spmem:s12] =	stream.linear.scatter [tilespmem:s25], [sflag:$0x4], $0x2800, $0x38;
	[tilespmem:$0x1F000] =	vst v63  }
0x3a: {  	_ =	swait.ge [sflag:s21], $0x2800  }
0x3b: {  	[sflag:s21] =	ssyncset.done $0x0  }
0x3c: {  	[sflag:s21] =	ssyncadd.s32 $0xFFFFD800  }
0x3d: {  	[spmem:s13] =	stream.linear.scatter [tilespmem:s25], [sflag:$0x4], $0x2800, $0x38;
	[tilespmem:$0x1F000] =	vst v63  }
0x3e: {  	_ =	swait.ge [sflag:s21], $0x2800  }
0x3f: {  	[sflag:s21] =	ssyncset.done $0x0  }
0x40: {  	[sflag:s21] =	ssyncadd.s32 $0xFFFFD800  }
0x41: {  	[spmem:s14] =	stream.linear.scatter [tilespmem:s25], [sflag:$0x4], $0x2000, $0x38;
	[tilespmem:$0x1F000] =	vst v63  }
0x42: {  	_ =	swait.ge [sflag:s21], $0x2000  }
0x43: {  	[sflag:s21] =	ssyncset.done $0x0  }
0x44: {  	s20 =	simm.s32 @!p0 $0x6780;
	[sflag:s21] =	ssyncadd.s32 $0xFFFFE000  }
0x45: {  	[spmem:s15] =	stream.linear.scatter @!p0 [tilespmem:s20], [sflag:$0x4], $0x800, $0x38;
	[tilespmem:$0x1F000] =	vst v63  }
0x46: {  	s20 =	simm.s32 @!p0 $0x4  }
0x47: {  	_ =	swait.ge @!p0 [sflag:s20], $0x800  }
0x48: {  	[sflag:s20] =	ssyncset.done @!p0 $0x0  }
0x49: {  	s31 =	simm.s32 $0x0;
	[sflag:s20] =	ssyncadd.s32 @!p0 $0xFFFFF800  }
0x4a: {  	[tilespmem:s25], [sflag:$0x1] =	stream.indirect.gather [hbm4b:s2+s23], $0x80, s31, s23, $0xb8;
	[tilespmem:$0x1F000] =	vst v63  }
0x4b: {  	_ =	swait.ge [sflag:s26], $0x3E80  }
0x4c: {  	[sflag:s26] =	ssyncset.done $0x0  }
0x4d: {  	[sflag:s26] =	ssyncadd.s32 $0xFFFFC180  }
0x4e: {  	[bflag:$0x0] =	sbarrier.arrive $0xFFFF  }
0x4f: {  	_ =	swait.ge [sflag:s28], $0x2800  }
0x50: {  	[sflag:s28] =	ssyncset.done $0x0  }
0x51: {  	s1 =	simm.s32 $0x2780;
	[sflag:s28] =	ssyncadd.s32 $0xFFFFD800  }
0x52: {  	[spmem:s3] =	stream.indirect.scatter.add.f32 [tilespmem:s25], [sflag:$0x4], $0x80, s1, s23, $0xb8;
	[tilespmem:$0x1F000] =	vst v63  }
0x53: {  	_ =	swait.ge [sflag:s21], $0x2800  }
0x54: {  	[sflag:s21] =	ssyncset.done $0x0  }
0x55: {  	s22 =	simm.s32 $0xA0;
	[sflag:s21] =	ssyncadd.s32 $0xFFFFD800  }
0x56: {  	[tilespmem:s25], [sflag:$0x1] =	stream.indirect.gather [hbm4b:s2+s23], $0x80, s22, s23, $0xb8;
	[tilespmem:$0x1F000] =	vst v63  }
0x57: {  	_ =	swait.ge [sflag:s29], $0x2800  }
0x58: {  	[sflag:s29] =	ssyncset.done $0x0  }
0x59: {  	s31 =	simm.s32 $0x2800;
	[sflag:s29] =	ssyncadd.s32 $0xFFFFD800  }
0x5a: {  	[spmem:s3] =	stream.indirect.scatter.add.f32 [tilespmem:s24], [sflag:$0x4], $0x80, s31, s23, $0xb8;
	[tilespmem:$0x1F000] =	vst v63  }
0x5b: {  	_ =	swait.ge [sflag:s21], $0x2800  }
0x5c: {  	s30 =	simm.s32 $0x190;
	[sflag:s21] =	ssyncset.done $0x0  }
0x5d: {  	s20 =	simm.s32 $0xF0;
	s22 =	simm.s32 $0x400;
	[sflag:s21] =	ssyncadd.s32 $0xFFFFD800  }
.LBB2_4:
0x5e: {  	[tilespmem:s24], [sflag:$0x2] =	stream.indirect.gather [hbm4b:s2+s23], $0x80, s20, s23, $0xb8;
	[tilespmem:$0x1F000] =	vst v63  }
0x5f: {  	s31 =	smov.u32 s22;
	s20 =	smov.u32 s30  }
0x60: {  	p1 =	sne.s32 s22, $0xF000;
	s22 =	sadd.s32 $0x400, s22;
	_ =	swait.ge [sflag:s28], $0x2800  }
0x61: {  	s31 =	sshra.s32 s31, $0x2;
	[sflag:s28] =	ssyncset.done $0x0  }
0x62: {  	s1 =	sadd.s32 $0x2780, s31;
	[sflag:s28] =	ssyncadd.s32 $0xFFFFD800  }
0x63: {  	[spmem:s3] =	stream.indirect.scatter.add.f32 [tilespmem:s25], [sflag:$0x4], $0x80, s1, s23, $0xb8;
	[tilespmem:$0x1F000] =	vst v63  }
0x64: {  	_ =	swait.ge [sflag:s21], $0x2800  }
0x65: {  	[sflag:s21] =	ssyncset.done $0x0  }
0x66: {  	s1 =	sadd.s32 $0xFFFFFFB0, s30;
	[sflag:s21] =	ssyncadd.s32 $0xFFFFD800  }
0x67: {  	[tilespmem:s25], [sflag:$0x1] =	stream.indirect.gather [hbm4b:s2+s23], $0x80, s1, s23, $0xb8;
	[tilespmem:$0x1F000] =	vst v63  }
0x68: {  	_ =	swait.ge [sflag:s29], $0x2800  }
0x69: {  	[sflag:s29] =	ssyncset.done $0x0  }
.Ltmp1:
0x6a: {  	s1 =	sadd.s32 $0x2800, s31;
	[sflag:s29] =	ssyncadd.s32 $0xFFFFD800;
	(pc) =	sbr.rel @p1 .LBB2_4-.Ltmp1, $4  }
0x6b: {  	[spmem:s3] =	stream.indirect.scatter.add.f32 [tilespmem:s24], [sflag:$0x4], $0x80, s1, s23, $0xb8;
	[tilespmem:$0x1F000] =	vst v63  }
0x6c: {  	_ =	swait.ge [sflag:s21], $0x2800  }
0x6d: {  	[sflag:s21] =	ssyncset.done $0x0  }
0x6e: {  	s30 =	sadd.s32 $0xA0, s30;
	[sflag:s21] =	ssyncadd.s32 $0xFFFFD800  }
0x6f: {  	[tilespmem:s24], [sflag:$0x2] =	stream.indirect.gather [hbm4b:s2+s23], $0x80, s20, s23, $0xb8;
	[tilespmem:$0x1F000] =	vst v63  }
0x70: {  	_ =	swait.ge [sflag:s28], $0x2800  }
0x71: {  	[sflag:s28] =	ssyncset.done $0x0  }
0x72: {  	s1 =	simm.s32 $0x6480;
	[sflag:s28] =	ssyncadd.s32 $0xFFFFD800  }
0x73: {  	[spmem:s3] =	stream.indirect.scatter.add.f32 [tilespmem:s25], [sflag:$0x4], $0x80, s1, s23, $0xb8;
	[tilespmem:$0x1F000] =	vst v63  }
0x74: {  	_ =	swait.ge [sflag:s21], $0x2800  }
0x75: {  	[sflag:s21] =	ssyncset.done $0x0  }
0x76: {  	s20 =	simm.s32 $0x26C0;
	[sflag:s21] =	ssyncadd.s32 $0xFFFFD800  }
0x77: {  	[tilespmem:s25], [sflag:$0x1] =	stream.indirect.gather [hbm4b:s2+s23], $0x80, s20, s23, $0xb8;
	[tilespmem:$0x1F000] =	vst v63  }
0x78: {  	_ =	swait.ge [sflag:s29], $0x2800  }
0x79: {  	[sflag:s29] =	ssyncset.done $0x0  }
0x7a: {  	s22 =	simm.s32 $0x6500;
	[sflag:s29] =	ssyncadd.s32 $0xFFFFD800  }
0x7b: {  	[spmem:s3] =	stream.indirect.scatter.add.f32 [tilespmem:s24], [sflag:$0x4], $0x80, s22, s23, $0xb8;
	[tilespmem:$0x1F000] =	vst v63  }
0x7c: {  	_ =	swait.ge [sflag:s21], $0x2800  }
0x7d: {  	[sflag:s21] =	ssyncset.done $0x0  }
0x7e: {  	[sflag:s21] =	ssyncadd.s32 $0xFFFFD800  }
0x7f: {  	_ =	swait.ge [sflag:s28], $0x2800  }
0x80: {  	[sflag:s28] =	ssyncset.done $0x0  }
0x81: {  	[sflag:s28] =	ssyncadd.s32 $0xFFFFD800  }
0x82: {  	[spmem:s3] =	stream.indirect.scatter.add.f32 [tilespmem:s25], [sflag:$0x4], $0x80, s0, s23, $0xb8;
	[tilespmem:$0x1F000] =	vst v63  }
0x83: {  	_ =	swait.ge [sflag:s21], $0x2800  }
0x84: {  	s30 =	stileid.u32;
	[sflag:s21] =	ssyncset.done $0x0  }
0x85: {  	s1 =	sshll.u32 s30, $0x6;
	[sflag:s21] =	ssyncadd.s32 $0xFFFFD800  }
0x86: {  	s31 =	sshrl.u32 s6, $0x3;
	s1 =	sor.u32 $0x1C04, s1;
	[bflag:$0x0] =	sbarrier.arrive $0xFFFF  }
0x87: {  	[hbm:s16], [sflag:s1] =	dma.local [spmem:s31], $0x2700  }
0x88: {  	_ =	swait.ge [sflag:s21], $0x2700  }
0x89: {  	s19 =	sadd.s32 $0x1, s19;
	[sflag:s21] =	ssyncset.done $0x0  }
0x8a: {  	p1 =	sne.s32 s19, s18;
	s20 =	sshrl.u32 @!p0 s15, $0x3;
	[sflag:s21] =	ssyncadd.s32 $0xFFFFD900  }
0x8b: {  	[hbm:s17], [sflag:s1] =	dma.local @!p0 [spmem:s20], $0x100  }
.Ltmp2:
0x8c: {  	_ = 	snop;
	(pc) =	sbr.rel @p1 .LBB2_1-.Ltmp2, $4  }
0x8d: {  	s1 =	simm.s32 @!p0 $0x4  }
0x8e: {  	_ =	swait.ge @!p0 [sflag:s1], $0x100  }
0x8f: {  	[sflag:s1] =	ssyncset.done @!p0 $0x0  }
0x90: {  	[sflag:s1] =	ssyncadd.s32 @!p0 $0xFFFFFF00  }
0x91: {  	_ =	sfence.sel $0x180000  }
0x92: {  	[bflag:$0x0] =	sbarrier.arrive $0xFFFF  }
0x93: {  	_ =	strace $0x9000004A  }
0x94: {  	s0 =	stileid.u32;
	[bflag:$0x2] =	sbarrier.arrive $0xFFFF  }
0x95: {  	p0 =	sne.s32 s0, $0x0;
	s0 =	rddreg [dreg:$0x3]  }
0x96: {  	s0 =	sadd.s32 @!p0 $0x100000, s0  }
0x97: {  	[sflag:s0] =	ssyncadd.tile.s32 @!p0 $0x1;
	_ =	shalt  }
.Lfunc_end2:
_tile_overlayer_lowered:
.L_overlay_start_2:
0x98: {  	(tag) =	ssettag $0x2  }
0x99: {  	s0 =	rddreg [dreg:$0x0];
	s2 =	stileid.u32  }
0x9a: {  	s1 =	rddreg [dreg:$0x1];
	p0 =	sne.s32 s2, $0x0  }
0x9b: {  	s3 =	rddreg [dreg:$0x2];
	[bflag:$0x3] =	sbarrier.arrive $0xFFFF;
	s2 =	simm.s32 @!p0 $0x1C04  }
0x9c: {  	[timem:s3], [sflag:s2] =	dma.local @!p0 [hbm:s0], s1  }
0x9d: {  	s0 =	simm.s32 @!p0 $0x4  }
0x9e: {  	_ =	swait.ge @!p0 [sflag:s0], s1  }
0x9f: {  	s1 =	ssub.s32 @!p0 $0x0, s1;
	[sflag:s0] =	ssyncset.done @!p0 $0x0  }
0xa0: {  	[sflag:s0] =	ssyncadd.s32 @!p0 s1  }
0xa1: {  	[bflag:$0x3] =	sbarrier.arrive $0xFFFF  }
0xa2: {  	_ =	shalt  }

// kernel: kernel.15.cloned.1.call-start
scs
__scs_entry_jumppad:
0x0: {  	(pc) =	sbr.rel $0x88, $3  }
0x1: {  	(tag) =	ssettag $0x0;
	lr =	simm.s32 $0x1  }
0x2: {  	[smem:$0x3F9B] =	sst lr;
	_ =	strace $0xD0000000  }
0x3: {  	_ = 	snop  }
0x4: {  	_ = 	snop  }
0x5: {  	_ = 	snop  }
0x6: {  	_ = 	snop  }
0x7: {  	_ = 	snop  }
__scs_overlays_trampoline_lowered:
0x8: {  	[smem:$0x3FAA] =	sst s0  }
0x9: {  	[smem:$0x3FAB] =	sst s1  }
0xa: {  	[smem:$0x3FAC] =	sst s2  }
0xb: {  	[smem:$0x3FAD] =	sst s3  }
0xc: {  	[smem:$0x3FAE] =	sst s4  }
0xd: {  	[smem:$0x3FAF] =	sst s5  }
0xe: {  	[smem:$0x3FB0] =	sst s6  }
0xf: {  	[smem:$0x3FB1] =	sst s7  }
0x10: {  	[smem:$0x3FB2] =	sst s8  }
0x11: {  	[smem:$0x3FB3] =	sst s9;
	s0 =	simm.s32 @!p0 $0x0  }
0x12: {  	s1 =	sld [smem:$0x3F99];
	s0 =	simm.s32 @p0 $0x1  }
0x13: {  	[smem:$0x3FB4] =	sst s0;
	s0 =	simm.s32 @!p1 $0x0  }
0x14: {  	s2 =	sld [smem:$0x3F98];
	s0 =	simm.s32 @p1 $0x1  }
0x15: {  	[smem:$0x3FB5] =	sst s0;
	s0 =	simm.s32 @!p2 $0x0  }
0x16: {  	s3 =	sld [smem:$0x3FDB];
	s0 =	simm.s32 @p2 $0x1  }
0x17: {  	s4 =	simm.s32 $0x1BF5;
	[smem:$0x3FB7] =	sst s0  }
0x18: {  	s0 =	sld [smem:$0x3F9A];
	_ =	swait.ge [sflag:s4], $0x0  }
0x19: {  	s7 =	sld [smem:$0x3F9B]  }
0x1a: {  	s8 =	sadd.s32 $0xFFFFE003, lr  }
0x1b: {  	s9 =	sadd.s32 $0xFFFFFEF7, lr;
	s5 =	simm.s32 $0xFFFFFFFF;
	p2 =	slt.u32 s8, $0xFFFFF086  }
0x1c: {  	p1 =	slt.u32 s9, $0xF7A;
	s5 =	simm.s32 @!p2 $0x0  }
0x1d: {  	s5 =	simm.s32 @p1 $0x1;
	p0 =	seq.s32 s7, s2  }
0x1e: {  	s7 =	smul.u32 @!p0 $0xF7A, s2;
	p2 =	seq.s32 @!p0 s5, $0x0  }
0x1f: {  	s9 =	smul.u32 $0xF7A, s1;
	s8 =	simm.s32 @!p0 $0x1BF5;
	p2 =	por !p2, p0  }
0x20: {  	[sflag:s8] =	ssyncset.s32 @!p0 $0xFFFFF086;
	s6 =	sadd.s32 @!p0 s3, s7;
	s7 =	simm.s32 @!p0 $0x108  }
0x21: {  	s3 =	sadd.s32 s3, s9;
	s6 =	sadd.s32 @!p0 $0x88, s6;
	s7 =	simm.s32 @p2 $0x1082  }
0x22: {  	[simem:s7], [sflag:s8] =	dma.local @!p0 [hbm:s6], $0xF7A  }
0x23: {  	s9 =	sor.u32 $0xD0000000, s2;
	s6 =	simm.s32 $0x108;
	_ =	swait.ge @!p0 [sflag:s8], $0x0  }
0x24: {  	s3 =	sadd.s32 $0x88, s3;
	s6 =	simm.s32 @!p1 $0x1082;
	[sflag:s4] =	ssyncset.s32 $0xFFFFF086  }
0x25: {  	[simem:s6], [sflag:s4] =	dma.local [hbm:s3], $0xF7A  }
0x26: {  	[smem:$0x3F9B] =	sst s1;
	(tag) =	ssettag s2;
	_ =	strace s9  }
0x27: {  	s1 =	sld [smem:$0x3FAB]  }
0x28: {  	s2 =	sld [smem:$0x3FAC]  }
0x29: {  	s4 =	sld [smem:$0x3FAE]  }
0x2a: {  	p0 =	seq.s32 s5, $0x0;
	s5 =	sld [smem:$0x3FAF]  }
0x2b: {  	s6 =	sld [smem:$0x3FB0]  }
0x2c: {  	s7 =	sld [smem:$0x3FB1]  }
0x2d: {  	s3 =	simm.s32 $0x108;
	s8 =	sld [smem:$0x3FB2]  }
0x2e: {  	s3 =	simm.s32 @!p0 $0x1082;
	s9 =	sld [smem:$0x3FB3]  }
0x2f: {  	lr =	sadd.s32 s0, s3;
	s0 =	sld [smem:$0x3FAA]  }
0x30: {  	s3 =	sld [smem:$0x3FAD]  }
0x31: {  	[smem:$0x3FB6] =	sst s10  }
0x32: {  	s10 =	sld [smem:$0x3FB4];
	_ =	sdelay $0x3  }
0x33: {  	p0 =	seq.s32 s10, $0x1;
	s10 =	sld [smem:$0x3FB6];
	_ =	sdelay $0x3  }
0x34: {  	[smem:$0x3FB6] =	sst s10  }
0x35: {  	s10 =	sld [smem:$0x3FB5];
	_ =	sdelay $0x3  }
0x36: {  	p1 =	seq.s32 s10, $0x1;
	s10 =	sld [smem:$0x3FB6];
	_ =	sdelay $0x3  }
0x37: {  	[smem:$0x3FB6] =	sst s10  }
0x38: {  	s10 =	sld [smem:$0x3FB7]  }
0x39: {  	_ = 	snop;
	(pc) =	sbr.ind lr, $3  }
0x3a: {  	_ = 	snop  }
0x3b: {  	_ = 	snop  }
0x3c: {  	p2 =	seq.s32 s10, $0x1;
	s10 =	sld [smem:$0x3FB6]  }
0x3d: {  	_ =	shalt  }
0x3e: {  	_ =	shalt  }
0x3f: {  	_ =	shalt  }
0x40: {  	_ =	shalt  }
0x41: {  	_ =	shalt  }
0x42: {  	_ =	shalt  }
0x43: {  	_ =	shalt  }
0x44: {  	_ =	shalt  }
0x45: {  	_ =	shalt  }
0x46: {  	_ =	shalt  }
0x47: {  	_ =	shalt  }
0x48: {  	_ =	shalt  }
0x49: {  	_ =	shalt  }
0x4a: {  	_ =	shalt  }
0x4b: {  	_ =	shalt  }
0x4c: {  	_ =	shalt  }
0x4d: {  	_ =	shalt  }
0x4e: {  	_ =	shalt  }
0x4f: {  	_ =	shalt  }
0x50: {  	_ =	shalt  }
0x51: {  	_ =	shalt  }
0x52: {  	_ =	shalt  }
0x53: {  	_ =	shalt  }
0x54: {  	_ =	shalt  }
0x55: {  	_ =	shalt  }
0x56: {  	_ =	shalt  }
0x57: {  	_ =	shalt  }
0x58: {  	_ =	shalt  }
0x59: {  	_ =	shalt  }
0x5a: {  	_ =	shalt  }
0x5b: {  	_ =	shalt  }
0x5c: {  	_ =	shalt  }
0x5d: {  	_ =	shalt  }
0x5e: {  	_ =	shalt  }
0x5f: {  	_ =	shalt  }
0x60: {  	_ =	shalt  }
0x61: {  	_ =	shalt  }
0x62: {  	_ =	shalt  }
0x63: {  	_ =	shalt  }
0x64: {  	_ =	shalt  }
0x65: {  	_ =	shalt  }
0x66: {  	_ =	shalt  }
0x67: {  	_ =	shalt  }
0x68: {  	_ =	shalt  }
0x69: {  	_ =	shalt  }
0x6a: {  	_ =	shalt  }
0x6b: {  	_ =	shalt  }
0x6c: {  	_ =	shalt  }
0x6d: {  	_ =	shalt  }
0x6e: {  	_ =	shalt  }
0x6f: {  	_ =	shalt  }
0x70: {  	_ =	shalt  }
0x71: {  	_ =	shalt  }
0x72: {  	_ =	shalt  }
0x73: {  	_ =	shalt  }
0x74: {  	_ =	shalt  }
0x75: {  	_ =	shalt  }
0x76: {  	_ =	shalt  }
0x77: {  	_ =	shalt  }
0x78: {  	_ =	shalt  }
0x79: {  	_ =	shalt  }
0x7a: {  	_ =	shalt  }
0x7b: {  	_ =	shalt  }
0x7c: {  	_ =	shalt  }
0x7d: {  	_ =	shalt  }
0x7e: {  	_ =	shalt  }
0x7f: {  	_ =	shalt  }
0x80: {  	_ =	shalt  }
0x81: {  	_ =	shalt  }
0x82: {  	_ =	shalt  }
0x83: {  	_ =	shalt  }
0x84: {  	_ =	shalt  }
0x85: {  	_ =	shalt  }
0x86: {  	_ =	shalt  }
0x87: {  	_ =	shalt  }
.Lfunc_end0:
.L_simem_size_0:
called_computation.2_lowered:
.L_overlay_start_0:
0x88: {  	s2 =	sld [smem:$0x3FD9]  }
0x89: {  	s3 =	sld [smem:$0x3FFE];
	_ =	sdelay $0x1  }
0x8a: {  	s1 =	srdreg.scid  }
0x8b: {  	s0 =	sand.u32 $0x1, s1  }
0x8c: {  	s17 =	sshll.u32 s0, $0xA;
	s2 =	sadd.s32 s3, s2  }
0x8d: {  	s2 =	sadd.s32 s2, s17  }
0x8e: {  	[smem:$0x3FC2] =	sst s2  }
0x8f: {  	_ = 	snop  }
0x90: {  	s2 =	sld [smem:$0x3FD0];
	(tm) =	ssettm $0x1  }
0x91: {  	s18 =	sld [smem:$0x3FFB];
	_ =	sdelay $0x3  }
0x92: {  	_ =	strace s18  }
0x93: {  	s3 =	sld [smem:$0x3FFC];
	_ =	sdelay $0x3  }
0x94: {  	_ =	strace s3  }
0x95: {  	s3 =	sld [smem:$0x3FFD];
	_ =	sdelay $0x3  }
0x96: {  	_ =	strace s3  }
0x97: {  	_ =	strace $0x8FFFFFFF  }
0x98: {  	s19 =	sld [smem:$0x3FDB];
	_ =	sdelay $0x1  }
0x99: {  	s4 =	simm.s32 $_scs_section_size  }
0x9a: {  	s5 =	simm.s32 $_size__tile_overlayer_lowered;
	s6 =	simm.s32 $_tile_overlayer_lowered  }
0x9b: {  	s22 =	simm.s32 $0x1BFF;
	s21 =	sshll.u32 s6, $0x1;
	s3 =	sadd.s32 s4, s19  }
0x9c: {  	s7 =	simm.s32 $0x0;
	s20 =	sshll.u32 s5, $0x1;
	s5 =	sadd.s32 s21, s3  }
0x9d: {  	[timem:s7], [sflag:s22] =	dma.local [hbm:s5], s20  }
0x9e: {  	_ =	swait.ge [sflag:s22], s20  }
0x9f: {  	s4 =	ssub.s32 $0x0, s20;
	[sflag:s22] =	ssyncset.done $0x0  }
0xa0: {  	[sflag:s22] =	ssyncadd.s32 s4;
	_ =	sdelay $0x1  }
0xa1: {  	s23 =	simm.s32 $0x1B8B  }
0xa2: {  	_ =	swait.ge [sflag:s23], $0x1  }
0xa3: {  	[sflag:s23] =	ssyncset.done $0x0  }
0xa4: {  	s25 =	simm.s32 $0x1B8E;
	s24 =	sld [smem:$0x3FFE];
	[sflag:s23] =	ssyncadd.s32 $0xFFFFFFFF  }
0xa5: {  	s26 =	simm.s32 $execute0_lowered;
	[smem:$0x3FD2] =	sst s25  }
0xa6: {  	s5 =	sshll.u32 s26, $0x1;
	_ =	strace $0x8000004C;
	[dreg:$0x1] =	wrdreg $0xFFFFFFFF  }
0xa7: {  	s28 =	simm.s32 $_size_execute0_lowered;
	s3 =	sadd.s32 s3, s5;
	[dreg:$0x0] =	wrdreg $0x0  }
0xa8: {  	s5 =	sshll.u32 s28, $0x1;
	[dreg:$0x2] =	wrdreg s3  }
0xa9: {  	[dreg:$0x3] =	wrdreg s5  }
0xaa: {  	[dreg:$0x4] =	wrdreg $0xC0  }
0xab: {  	_ =	task [dreg:s7], $0x5FFFF  }
0xac: {  	[dreg:$0x1] =	wrdreg $0xFFFFFFFF  }
0xad: {  	[dreg:$0x0] =	wrdreg $0x60  }
0xae: {  	[dreg:$0x2] =	wrdreg s24  }
0xaf: {  	[dreg:$0x3] =	wrdreg s2  }
0xb0: {  	[dreg:$0x4] =	wrdreg $0xB7800  }
0xb1: {  	[dreg:$0x5] =	wrdreg $0x9  }
0xb2: {  	_ =	task.clear_ibuf [dreg:s7], $0x6FFFF;
	_ =	strace $0x9000004C  }
0xb3: {  	s29 =	simm.s32 $0x9;
	_ =	strace $0x8000004E  }
0xb4: {  	_ =	swait.ge [sflag:s29], $0x1  }
0xb5: {  	[sflag:s29] =	ssyncadd.s32 $0xFFFFFFFF  }
0xb6: {  	_ =	strace $0x9000004E  }
0xb7: {  	_ =	sfence  }
0xb8: {  	s30 =	sld [smem:$0x0];
	_ =	sdelay $0x2  }
0xb9: {  	s31 =	sshll.u32 s1, $0xD;
	s1 =	sshrl.u32 s1, $0x2  }
0xba: {  	s3 =	sand.u32 $0x4000, s31;
	s1 =	sadd.s32 s1, s30  }
0xbb: {  	s0 =	sor.u32 s3, s0;
	s1 =	sshll.u32 s1, $0x11  }
0xbc: {  	s0 =	sor.u32 s1, s0  }
0xbd: {  	s0 =	sadd.s32 $0x8F2B, s0  }
0xbe: {  	[sflag:s0] =	ssyncadd.remote.s32 $0x1  }
0xbf: {  	_ =	sfence.sel $0xFFFF  }
0xc0: {  	[dreg:$0x0] =	wrdreg $0xFFFFFFFF;
	(pc) =	sbr.abs _section_cstart, $3  }
0xc1: {  	[dreg:$0x1] =	wrdreg $0xFFFFFFFF  }
0xc2: {  	_ =	task.clear_ibuf [dreg:s7], $0x2FFFF;
	_ =	strace $0x9FFFFFFF  }
0xc3: {  	(tm) =	ssettm $0x7FFFFFFF  }
tec
execute0_lowered:
.L_overlay_start_1:
0x0: {  	(tag) =	ssettag $0x1  }
0x1: {  	s0 =	srdreg.scid;
	s1 =	rddreg [dreg:$0x0]  }
0x2: {  	s19 =	stileid.u32;
	s2 =	rddreg [dreg:$0x1];
	s21 =	simm.s32 $0x4  }
0x3: {  	s23 =	simm.s32 $0x50;
	s24 =	simm.s32 $0x8F80;
	s25 =	simm.s32 $0x6780  }
0x4: {  	s28 =	simm.s32 $0x1;
	s29 =	simm.s32 $0x2;
	s0 =	sand.u32 $0x1, s0  }
0x5: {  	s3 =	sshll.u32 s19, $0x1;
	s4 =	sshrl.u32 s19, $0x2;
	s8 =	smul.u32 $0x4E000, s19  }
0x6: {  	s14 =	smul.u32 $0x13800, s19;
	p0 =	sne.s32 s19, $0xF;
	s19 =	simm.s32 $0x0  }
0x7: {  	s5 =	sor.u32 s0, s3;
	s3 =	rddreg [dreg:$0x2];
	s6 =	smul.u32 $0x13C00, s4  }
0x8: {  	s4 =	simm.s32 $0x0;
	s26 =	ssub.s32 $0x2, s0;
	s0 =	smul.u32 $0x138800, s0  }
0x9: {  	s7 =	sshll.u32 s5, $0x7;
	[smem:$0x7FF] =	sst s4;
	s5 =	sshll.u32 s5, $0xB  }
0xa: {  	s30 =	sshrl.u32 s26, $0x1;
	s31 =	sshrl.u32 s8, $0x2;
	s7 =	sand.u32 $0x380, s7  }
0xb: {  	_ =	strace $0x8000004D;
	s9 =	sadd.s32 s5, s1;
	s18 =	ssub.s32 s26, s30  }
0xc: {  	s15 =	sadd.s32 s14, s0;
	s0 =	sshrl.u32 s0, $0x3;
	s6 =	sor.u32 s6, s7  }
0xd: {  	s26 =	simm.s32 $0x3;
	s7 =	sadd.s32 $0x20800, s9;
	s6 =	sshrl.u32 s6, $0x3  }
0xe: {  	s16 =	sshrl.u32 s15, $0x3;
	s15 =	sadd.s32 $0x138000, s3;
	s6 =	sadd.s32 s6, s1  }
0xf: {  	s18 =	smax.u32 s18, $0x1;
	s1 =	sadd.s32 $0x30800, s1;
	s5 =	sadd.s32 $0x2C00, s6  }
0x10: {  	s6 =	sadd.s32 s31, s3;
	s16 =	sadd.s32 s1, s16;
	s0 =	sadd.s32 s1, s0  }
0x11: {  	s8 =	sadd.s32 $0x2800, s6;
	s9 =	sadd.s32 $0x5000, s6;
	s10 =	sadd.s32 $0x7800, s6  }
0x12: {  	s11 =	sadd.s32 $0xA000, s6;
	s12 =	sadd.s32 $0xC800, s6;
	s13 =	sadd.s32 $0xF000, s6  }
0x13: {  	v0 =	vimm.f32 $0.0e+00;
	s14 =	sadd.s32 $0x11800, s6;
	s17 =	sadd.s32 $0x27000, s0;
	s0 =	simm.s32 $0x6580  }
.LBB2_1:
0x14: {  	s1 =	simm.s32 $0x80;
	s20 =	simm.s32 $0x400  }
0x15: {  	[tilespmem:s4], [sflag:$0x4] =	stream.strided.gather [hbm4b:s5+s1], $0x2780, s20, s1, $0x38;
	[tilespmem:$0x1F000] =	vst v63  }
0x16: {  	_ =	swait.ge [sflag:s21], $0x2780  }
0x17: {  	[sflag:s21] =	ssyncset.done $0x0  }
0x18: {  	s22 =	simm.s32 $0x2780;
	s31 =	sand.u32 $0xFE00, s4;
	[sflag:s21] =	ssyncadd.s32 $0xFFFFD880  }
0x19: {  	[tilespmem:s22], [sflag:$0x3] =	stream.linear.gather [hbm4b:s7+s4], $0x3E80, $0x38;
	[tilespmem:$0x1F000] =	vst v63  }
0x1a: {  	s30 =	sshrl.u32 s31, $0x2;
	s22 =	sand.u32 $0x70, s4  }
0x1b: {  	s20 =	simm.s32 $0x40;
	s30 =	sor.u32 s22, s30;
	s22 =	simm.s32 $0x0  }
0x1c: {  	[tilespmem:s24], [sflag:$0x2] =	stream.indirect.gather [hbm4b:s2+s23], $0x80, s23, s23, $0xb8;
	[tilespmem:$0x1F000] =	vst v63  }
.LBB2_2:
0x1d: {  	p1 =	sne.s32 s20, $0x9FC0  }
0x1e: {  	[tilespmem:s30+$0x6780] =	vst v0;
	s22 =	sadd.s32 $0x10, s22;
	s30 =	smov.u32 s20;
	s20 =	sadd.s32 $0x40, s20  }
.Ltmp0:
0x1f: {  	(pc) =	sbr.rel @p1 .LBB2_2-.Ltmp0, $4  }
0x20: {  	_ = 	snop  }
0x21: {  	s30 =	sand.u32 $0xFE00, s30  }
0x22: {  	s31 =	sand.u32 $0x70, s22;
	s30 =	sshrl.u32 s30, $0x2  }
0x23: {  	s30 =	sor.u32 s31, s30  }
0x24: {  	[tilespmem:s30+$0x6780] =	vst v0  }
0x25: {  	[spmem:s6] =	stream.linear.scatter [tilespmem:s25], [sflag:$0x4], $0x2800, $0x38;
	[tilespmem:$0x1F000] =	vst v63  }
0x26: {  	_ =	swait.ge [sflag:s21], $0x2800  }
0x27: {  	[sflag:s21] =	ssyncset.done $0x0  }
0x28: {  	[sflag:s21] =	ssyncadd.s32 $0xFFFFD800  }
0x29: {  	[spmem:s8] =	stream.linear.scatter [tilespmem:s25], [sflag:$0x4], $0x2800, $0x38;
	[tilespmem:$0x1F000] =	vst v63  }
0x2a: {  	_ =	swait.ge [sflag:s21], $0x2800  }
0x2b: {  	[sflag:s21] =	ssyncset.done $0x0  }
0x2c: {  	[sflag:s21] =	ssyncadd.s32 $0xFFFFD800  }
0x2d: {  	[spmem:s9] =	stream.linear.scatter [tilespmem:s25], [sflag:$0x4], $0x2800, $0x38;
	[tilespmem:$0x1F000] =	vst v63  }
0x2e: {  	_ =	swait.ge [sflag:s21], $0x2800  }
0x2f: {  	[sflag:s21] =	ssyncset.done $0x0  }
0x30: {  	[sflag:s21] =	ssyncadd.s32 $0xFFFFD800  }
0x31: {  	[spmem:s10] =	stream.linear.scatter [tilespmem:s25], [sflag:$0x4], $0x2800, $0x38;
	[tilespmem:$0x1F000] =	vst v63  }
0x32: {  	_ =	swait.ge [sflag:s21], $0x2800  }
0x33: {  	[sflag:s21] =	ssyncset.done $0x0  }
0x34: {  	[sflag:s21] =	ssyncadd.s32 $0xFFFFD800  }
0x35: {  	[spmem:s11] =	stream.linear.scatter [tilespmem:s25], [sflag:$0x4], $0x2800, $0x38;
	[tilespmem:$0x1F000] =	vst v63  }
0x36: {  	_ =	swait.ge [sflag:s21], $0x2800  }
0x37: {  	[sflag:s21] =	ssyncset.done $0x0  }
0x38: {  	[sflag:s21] =	ssyncadd.s32 $0xFFFFD800  }
0x39: {  	[spmem:s12] =	stream.linear.scatter [tilespmem:s25], [sflag:$0x4], $0x2800, $0x38;
	[tilespmem:$0x1F000] =	vst v63  }
0x3a: {  	_ =	swait.ge [sflag:s21], $0x2800  }
0x3b: {  	[sflag:s21] =	ssyncset.done $0x0  }
0x3c: {  	[sflag:s21] =	ssyncadd.s32 $0xFFFFD800  }
0x3d: {  	[spmem:s13] =	stream.linear.scatter [tilespmem:s25], [sflag:$0x4], $0x2800, $0x38;
	[tilespmem:$0x1F000] =	vst v63  }
0x3e: {  	_ =	swait.ge [sflag:s21], $0x2800  }
0x3f: {  	[sflag:s21] =	ssyncset.done $0x0  }
0x40: {  	[sflag:s21] =	ssyncadd.s32 $0xFFFFD800  }
0x41: {  	[spmem:s14] =	stream.linear.scatter [tilespmem:s25], [sflag:$0x4], $0x2000, $0x38;
	[tilespmem:$0x1F000] =	vst v63  }
0x42: {  	_ =	swait.ge [sflag:s21], $0x2000  }
0x43: {  	[sflag:s21] =	ssyncset.done $0x0  }
0x44: {  	s20 =	simm.s32 @!p0 $0x6780;
	[sflag:s21] =	ssyncadd.s32 $0xFFFFE000  }
0x45: {  	[spmem:s15] =	stream.linear.scatter @!p0 [tilespmem:s20], [sflag:$0x4], $0x800, $0x38;
	[tilespmem:$0x1F000] =	vst v63  }
0x46: {  	s20 =	simm.s32 @!p0 $0x4  }
0x47: {  	_ =	swait.ge @!p0 [sflag:s20], $0x800  }
0x48: {  	[sflag:s20] =	ssyncset.done @!p0 $0x0  }
0x49: {  	s31 =	simm.s32 $0x0;
	[sflag:s20] =	ssyncadd.s32 @!p0 $0xFFFFF800  }
0x4a: {  	[tilespmem:s25], [sflag:$0x1] =	stream.indirect.gather [hbm4b:s2+s23], $0x80, s31, s23, $0xb8;
	[tilespmem:$0x1F000] =	vst v63  }
0x4b: {  	_ =	swait.ge [sflag:s26], $0x3E80  }
0x4c: {  	[sflag:s26] =	ssyncset.done $0x0  }
0x4d: {  	[sflag:s26] =	ssyncadd.s32 $0xFFFFC180  }
0x4e: {  	[bflag:$0x0] =	sbarrier.arrive $0xFFFF  }
0x4f: {  	_ =	swait.ge [sflag:s28], $0x2800  }
0x50: {  	[sflag:s28] =	ssyncset.done $0x0  }
0x51: {  	s1 =	simm.s32 $0x2780;
	[sflag:s28] =	ssyncadd.s32 $0xFFFFD800  }
0x52: {  	[spmem:s3] =	stream.indirect.scatter.add.f32 [tilespmem:s25], [sflag:$0x4], $0x80, s1, s23, $0xb8;
	[tilespmem:$0x1F000] =	vst v63  }
0x53: {  	_ =	swait.ge [sflag:s21], $0x2800  }
0x54: {  	[sflag:s21] =	ssyncset.done $0x0  }
0x55: {  	s22 =	simm.s32 $0xA0;
	[sflag:s21] =	ssyncadd.s32 $0xFFFFD800  }
0x56: {  	[tilespmem:s25], [sflag:$0x1] =	stream.indirect.gather [hbm4b:s2+s23], $0x80, s22, s23, $0xb8;
	[tilespmem:$0x1F000] =	vst v63  }
0x57: {  	_ =	swait.ge [sflag:s29], $0x2800  }
0x58: {  	[sflag:s29] =	ssyncset.done $0x0  }
0x59: {  	s31 =	simm.s32 $0x2800;
	[sflag:s29] =	ssyncadd.s32 $0xFFFFD800  }
0x5a: {  	[spmem:s3] =	stream.indirect.scatter.add.f32 [tilespmem:s24], [sflag:$0x4], $0x80, s31, s23, $0xb8;
	[tilespmem:$0x1F000] =	vst v63  }
0x5b: {  	_ =	swait.ge [sflag:s21], $0x2800  }
0x5c: {  	s30 =	simm.s32 $0x190;
	[sflag:s21] =	ssyncset.done $0x0  }
0x5d: {  	s20 =	simm.s32 $0xF0;
	s22 =	simm.s32 $0x400;
	[sflag:s21] =	ssyncadd.s32 $0xFFFFD800  }
.LBB2_4:
0x5e: {  	[tilespmem:s24], [sflag:$0x2] =	stream.indirect.gather [hbm4b:s2+s23], $0x80, s20, s23, $0xb8;
	[tilespmem:$0x1F000] =	vst v63  }
0x5f: {  	s31 =	smov.u32 s22;
	s20 =	smov.u32 s30  }
0x60: {  	p1 =	sne.s32 s22, $0xF000;
	s22 =	sadd.s32 $0x400, s22;
	_ =	swait.ge [sflag:s28], $0x2800  }
0x61: {  	s31 =	sshra.s32 s31, $0x2;
	[sflag:s28] =	ssyncset.done $0x0  }
0x62: {  	s1 =	sadd.s32 $0x2780, s31;
	[sflag:s28] =	ssyncadd.s32 $0xFFFFD800  }
0x63: {  	[spmem:s3] =	stream.indirect.scatter.add.f32 [tilespmem:s25], [sflag:$0x4], $0x80, s1, s23, $0xb8;
	[tilespmem:$0x1F000] =	vst v63  }
0x64: {  	_ =	swait.ge [sflag:s21], $0x2800  }
0x65: {  	[sflag:s21] =	ssyncset.done $0x0  }
0x66: {  	s1 =	sadd.s32 $0xFFFFFFB0, s30;
	[sflag:s21] =	ssyncadd.s32 $0xFFFFD800  }
0x67: {  	[tilespmem:s25], [sflag:$0x1] =	stream.indirect.gather [hbm4b:s2+s23], $0x80, s1, s23, $0xb8;
	[tilespmem:$0x1F000] =	vst v63  }
0x68: {  	_ =	swait.ge [sflag:s29], $0x2800  }
0x69: {  	[sflag:s29] =	ssyncset.done $0x0  }
.Ltmp1:
0x6a: {  	s1 =	sadd.s32 $0x2800, s31;
	[sflag:s29] =	ssyncadd.s32 $0xFFFFD800;
	(pc) =	sbr.rel @p1 .LBB2_4-.Ltmp1, $4  }
0x6b: {  	[spmem:s3] =	stream.indirect.scatter.add.f32 [tilespmem:s24], [sflag:$0x4], $0x80, s1, s23, $0xb8;
	[tilespmem:$0x1F000] =	vst v63  }
0x6c: {  	_ =	swait.ge [sflag:s21], $0x2800  }
0x6d: {  	[sflag:s21] =	ssyncset.done $0x0  }
0x6e: {  	s30 =	sadd.s32 $0xA0, s30;
	[sflag:s21] =	ssyncadd.s32 $0xFFFFD800  }
0x6f: {  	[tilespmem:s24], [sflag:$0x2] =	stream.indirect.gather [hbm4b:s2+s23], $0x80, s20, s23, $0xb8;
	[tilespmem:$0x1F000] =	vst v63  }
0x70: {  	_ =	swait.ge [sflag:s28], $0x2800  }
0x71: {  	[sflag:s28] =	ssyncset.done $0x0  }
0x72: {  	s1 =	simm.s32 $0x6480;
	[sflag:s28] =	ssyncadd.s32 $0xFFFFD800  }
0x73: {  	[spmem:s3] =	stream.indirect.scatter.add.f32 [tilespmem:s25], [sflag:$0x4], $0x80, s1, s23, $0xb8;
	[tilespmem:$0x1F000] =	vst v63  }
0x74: {  	_ =	swait.ge [sflag:s21], $0x2800  }
0x75: {  	[sflag:s21] =	ssyncset.done $0x0  }
0x76: {  	s20 =	simm.s32 $0x26C0;
	[sflag:s21] =	ssyncadd.s32 $0xFFFFD800  }
0x77: {  	[tilespmem:s25], [sflag:$0x1] =	stream.indirect.gather [hbm4b:s2+s23], $0x80, s20, s23, $0xb8;
	[tilespmem:$0x1F000] =	vst v63  }
0x78: {  	_ =	swait.ge [sflag:s29], $0x2800  }
0x79: {  	[sflag:s29] =	ssyncset.done $0x0  }
0x7a: {  	s22 =	simm.s32 $0x6500;
	[sflag:s29] =	ssyncadd.s32 $0xFFFFD800  }
0x7b: {  	[spmem:s3] =	stream.indirect.scatter.add.f32 [tilespmem:s24], [sflag:$0x4], $0x80, s22, s23, $0xb8;
	[tilespmem:$0x1F000] =	vst v63  }
0x7c: {  	_ =	swait.ge [sflag:s21], $0x2800  }
0x7d: {  	[sflag:s21] =	ssyncset.done $0x0  }
0x7e: {  	[sflag:s21] =	ssyncadd.s32 $0xFFFFD800  }
0x7f: {  	_ =	swait.ge [sflag:s28], $0x2800  }
0x80: {  	[sflag:s28] =	ssyncset.done $0x0  }
0x81: {  	[sflag:s28] =	ssyncadd.s32 $0xFFFFD800  }
0x82: {  	[spmem:s3] =	stream.indirect.scatter.add.f32 [tilespmem:s25], [sflag:$0x4], $0x80, s0, s23, $0xb8;
	[tilespmem:$0x1F000] =	vst v63  }
0x83: {  	_ =	swait.ge [sflag:s21], $0x2800  }
0x84: {  	s30 =	stileid.u32;
	[sflag:s21] =	ssyncset.done $0x0  }
0x85: {  	s1 =	sshll.u32 s30, $0x6;
	[sflag:s21] =	ssyncadd.s32 $0xFFFFD800  }
0x86: {  	s31 =	sshrl.u32 s6, $0x3;
	s1 =	sor.u32 $0x1C04, s1;
	[bflag:$0x0] =	sbarrier.arrive $0xFFFF  }
0x87: {  	[hbm:s16], [sflag:s1] =	dma.local [spmem:s31], $0x2700  }
0x88: {  	_ =	swait.ge [sflag:s21], $0x2700  }
0x89: {  	s19 =	sadd.s32 $0x1, s19;
	[sflag:s21] =	ssyncset.done $0x0  }
0x8a: {  	p1 =	sne.s32 s19, s18;
	s20 =	sshrl.u32 @!p0 s15, $0x3;
	[sflag:s21] =	ssyncadd.s32 $0xFFFFD900  }
0x8b: {  	[hbm:s17], [sflag:s1] =	dma.local @!p0 [spmem:s20], $0x100  }
.Ltmp2:
0x8c: {  	_ = 	snop;
	(pc) =	sbr.rel @p1 .LBB2_1-.Ltmp2, $4  }
0x8d: {  	s1 =	simm.s32 @!p0 $0x4  }
0x8e: {  	_ =	swait.ge @!p0 [sflag:s1], $0x100  }
0x8f: {  	[sflag:s1] =	ssyncset.done @!p0 $0x0  }
0x90: {  	[sflag:s1] =	ssyncadd.s32 @!p0 $0xFFFFFF00  }
0x91: {  	_ =	sfence.sel $0x180000  }
0x92: {  	[bflag:$0x0] =	sbarrier.arrive $0xFFFF  }
0x93: {  	_ =	strace $0x9000004D  }
0x94: {  	s0 =	stileid.u32;
	[bflag:$0x2] =	sbarrier.arrive $0xFFFF  }
0x95: {  	p0 =	sne.s32 s0, $0x0;
	s0 =	rddreg [dreg:$0x3]  }
0x96: {  	s0 =	sadd.s32 @!p0 $0x100000, s0  }
0x97: {  	[sflag:s0] =	ssyncadd.tile.s32 @!p0 $0x1;
	_ =	shalt  }
.Lfunc_end2:
_tile_overlayer_lowered:
.L_overlay_start_2:
0x98: {  	(tag) =	ssettag $0x2  }
0x99: {  	s0 =	rddreg [dreg:$0x0];
	s2 =	stileid.u32  }
0x9a: {  	s1 =	rddreg [dreg:$0x1];
	p0 =	sne.s32 s2, $0x0  }
0x9b: {  	s3 =	rddreg [dreg:$0x2];
	[bflag:$0x3] =	sbarrier.arrive $0xFFFF;
	s2 =	simm.s32 @!p0 $0x1C04  }
0x9c: {  	[timem:s3], [sflag:s2] =	dma.local @!p0 [hbm:s0], s1  }
0x9d: {  	s0 =	simm.s32 @!p0 $0x4  }
0x9e: {  	_ =	swait.ge @!p0 [sflag:s0], s1  }
0x9f: {  	s1 =	ssub.s32 @!p0 $0x0, s1;
	[sflag:s0] =	ssyncset.done @!p0 $0x0  }
0xa0: {  	[sflag:s0] =	ssyncadd.s32 @!p0 s1  }
0xa1: {  	[bflag:$0x3] =	sbarrier.arrive $0xFFFF  }
0xa2: {  	_ =	shalt  }

// kernel: kernel.9.cloned.1.call-start
scs
__scs_entry_jumppad:
0x0: {  	(pc) =	sbr.rel $0x88, $3  }
0x1: {  	(tag) =	ssettag $0x0;
	lr =	simm.s32 $0x1  }
0x2: {  	[smem:$0x3F9B] =	sst lr;
	_ =	strace $0xD0000000  }
0x3: {  	_ = 	snop  }
0x4: {  	_ = 	snop  }
0x5: {  	_ = 	snop  }
0x6: {  	_ = 	snop  }
0x7: {  	_ = 	snop  }
__scs_overlays_trampoline_lowered:
0x8: {  	[smem:$0x3FAA] =	sst s0  }
0x9: {  	[smem:$0x3FAB] =	sst s1  }
0xa: {  	[smem:$0x3FAC] =	sst s2  }
0xb: {  	[smem:$0x3FAD] =	sst s3  }
0xc: {  	[smem:$0x3FAE] =	sst s4  }
0xd: {  	[smem:$0x3FAF] =	sst s5  }
0xe: {  	[smem:$0x3FB0] =	sst s6  }
0xf: {  	[smem:$0x3FB1] =	sst s7  }
0x10: {  	[smem:$0x3FB2] =	sst s8  }
0x11: {  	[smem:$0x3FB3] =	sst s9;
	s0 =	simm.s32 @!p0 $0x0  }
0x12: {  	s1 =	sld [smem:$0x3F99];
	s0 =	simm.s32 @p0 $0x1  }
0x13: {  	[smem:$0x3FB4] =	sst s0;
	s0 =	simm.s32 @!p1 $0x0  }
0x14: {  	s2 =	sld [smem:$0x3F98];
	s0 =	simm.s32 @p1 $0x1  }
0x15: {  	[smem:$0x3FB5] =	sst s0;
	s0 =	simm.s32 @!p2 $0x0  }
0x16: {  	s3 =	sld [smem:$0x3FDB];
	s0 =	simm.s32 @p2 $0x1  }
0x17: {  	s4 =	simm.s32 $0x1BF5;
	[smem:$0x3FB7] =	sst s0  }
0x18: {  	s0 =	sld [smem:$0x3F9A];
	_ =	swait.ge [sflag:s4], $0x0  }
0x19: {  	s7 =	sld [smem:$0x3F9B]  }
0x1a: {  	s8 =	sadd.s32 $0xFFFFE003, lr  }
0x1b: {  	s9 =	sadd.s32 $0xFFFFFEF7, lr;
	s5 =	simm.s32 $0xFFFFFFFF;
	p2 =	slt.u32 s8, $0xFFFFF086  }
0x1c: {  	p1 =	slt.u32 s9, $0xF7A;
	s5 =	simm.s32 @!p2 $0x0  }
0x1d: {  	s5 =	simm.s32 @p1 $0x1;
	p0 =	seq.s32 s7, s2  }
0x1e: {  	s7 =	smul.u32 @!p0 $0xF7A, s2;
	p2 =	seq.s32 @!p0 s5, $0x0  }
0x1f: {  	s9 =	smul.u32 $0xF7A, s1;
	s8 =	simm.s32 @!p0 $0x1BF5;
	p2 =	por !p2, p0  }
0x20: {  	[sflag:s8] =	ssyncset.s32 @!p0 $0xFFFFF086;
	s6 =	sadd.s32 @!p0 s3, s7;
	s7 =	simm.s32 @!p0 $0x108  }
0x21: {  	s3 =	sadd.s32 s3, s9;
	s6 =	sadd.s32 @!p0 $0x88, s6;
	s7 =	simm.s32 @p2 $0x1082  }
0x22: {  	[simem:s7], [sflag:s8] =	dma.local @!p0 [hbm:s6], $0xF7A  }
0x23: {  	s9 =	sor.u32 $0xD0000000, s2;
	s6 =	simm.s32 $0x108;
	_ =	swait.ge @!p0 [sflag:s8], $0x0  }
0x24: {  	s3 =	sadd.s32 $0x88, s3;
	s6 =	simm.s32 @!p1 $0x1082;
	[sflag:s4] =	ssyncset.s32 $0xFFFFF086  }
0x25: {  	[simem:s6], [sflag:s4] =	dma.local [hbm:s3], $0xF7A  }
0x26: {  	[smem:$0x3F9B] =	sst s1;
	(tag) =	ssettag s2;
	_ =	strace s9  }
0x27: {  	s1 =	sld [smem:$0x3FAB]  }
0x28: {  	s2 =	sld [smem:$0x3FAC]  }
0x29: {  	s4 =	sld [smem:$0x3FAE]  }
0x2a: {  	p0 =	seq.s32 s5, $0x0;
	s5 =	sld [smem:$0x3FAF]  }
0x2b: {  	s6 =	sld [smem:$0x3FB0]  }
0x2c: {  	s7 =	sld [smem:$0x3FB1]  }
0x2d: {  	s3 =	simm.s32 $0x108;
	s8 =	sld [smem:$0x3FB2]  }
0x2e: {  	s3 =	simm.s32 @!p0 $0x1082;
	s9 =	sld [smem:$0x3FB3]  }
0x2f: {  	lr =	sadd.s32 s0, s3;
	s0 =	sld [smem:$0x3FAA]  }
0x30: {  	s3 =	sld [smem:$0x3FAD]  }
0x31: {  	[smem:$0x3FB6] =	sst s10  }
0x32: {  	s10 =	sld [smem:$0x3FB4];
	_ =	sdelay $0x3  }
0x33: {  	p0 =	seq.s32 s10, $0x1;
	s10 =	sld [smem:$0x3FB6];
	_ =	sdelay $0x3  }
0x34: {  	[smem:$0x3FB6] =	sst s10  }
0x35: {  	s10 =	sld [smem:$0x3FB5];
	_ =	sdelay $0x3  }
0x36: {  	p1 =	seq.s32 s10, $0x1;
	s10 =	sld [smem:$0x3FB6];
	_ =	sdelay $0x3  }
0x37: {  	[smem:$0x3FB6] =	sst s10  }
0x38: {  	s10 =	sld [smem:$0x3FB7]  }
0x39: {  	_ = 	snop;
	(pc) =	sbr.ind lr, $3  }
0x3a: {  	_ = 	snop  }
0x3b: {  	_ = 	snop  }
0x3c: {  	p2 =	seq.s32 s10, $0x1;
	s10 =	sld [smem:$0x3FB6]  }
0x3d: {  	_ =	shalt  }
0x3e: {  	_ =	shalt  }
0x3f: {  	_ =	shalt  }
0x40: {  	_ =	shalt  }
0x41: {  	_ =	shalt  }
0x42: {  	_ =	shalt  }
0x43: {  	_ =	shalt  }
0x44: {  	_ =	shalt  }
0x45: {  	_ =	shalt  }
0x46: {  	_ =	shalt  }
0x47: {  	_ =	shalt  }
0x48: {  	_ =	shalt  }
0x49: {  	_ =	shalt  }
0x4a: {  	_ =	shalt  }
0x4b: {  	_ =	shalt  }
0x4c: {  	_ =	shalt  }
0x4d: {  	_ =	shalt  }
0x4e: {  	_ =	shalt  }
0x4f: {  	_ =	shalt  }
0x50: {  	_ =	shalt  }
0x51: {  	_ =	shalt  }
0x52: {  	_ =	shalt  }
0x53: {  	_ =	shalt  }
0x54: {  	_ =	shalt  }
0x55: {  	_ =	shalt  }
0x56: {  	_ =	shalt  }
0x57: {  	_ =	shalt  }
0x58: {  	_ =	shalt  }
0x59: {  	_ =	shalt  }
0x5a: {  	_ =	shalt  }
0x5b: {  	_ =	shalt  }
0x5c: {  	_ =	shalt  }
0x5d: {  	_ =	shalt  }
0x5e: {  	_ =	shalt  }
0x5f: {  	_ =	shalt  }
0x60: {  	_ =	shalt  }
0x61: {  	_ =	shalt  }
0x62: {  	_ =	shalt  }
0x63: {  	_ =	shalt  }
0x64: {  	_ =	shalt  }
0x65: {  	_ =	shalt  }
0x66: {  	_ =	shalt  }
0x67: {  	_ =	shalt  }
0x68: {  	_ =	shalt  }
0x69: {  	_ =	shalt  }
0x6a: {  	_ =	shalt  }
0x6b: {  	_ =	shalt  }
0x6c: {  	_ =	shalt  }
0x6d: {  	_ =	shalt  }
0x6e: {  	_ =	shalt  }
0x6f: {  	_ =	shalt  }
0x70: {  	_ =	shalt  }
0x71: {  	_ =	shalt  }
0x72: {  	_ =	shalt  }
0x73: {  	_ =	shalt  }
0x74: {  	_ =	shalt  }
0x75: {  	_ =	shalt  }
0x76: {  	_ =	shalt  }
0x77: {  	_ =	shalt  }
0x78: {  	_ =	shalt  }
0x79: {  	_ =	shalt  }
0x7a: {  	_ =	shalt  }
0x7b: {  	_ =	shalt  }
0x7c: {  	_ =	shalt  }
0x7d: {  	_ =	shalt  }
0x7e: {  	_ =	shalt  }
0x7f: {  	_ =	shalt  }
0x80: {  	_ =	shalt  }
0x81: {  	_ =	shalt  }
0x82: {  	_ =	shalt  }
0x83: {  	_ =	shalt  }
0x84: {  	_ =	shalt  }
0x85: {  	_ =	shalt  }
0x86: {  	_ =	shalt  }
0x87: {  	_ =	shalt  }
.Lfunc_end0:
.L_simem_size_0:
called_computation_lowered:
.L_overlay_start_0:
0x88: {  	s2 =	sld [smem:$0x3FD9]  }
0x89: {  	s3 =	sld [smem:$0x3FFE];
	_ =	sdelay $0x1  }
0x8a: {  	s1 =	srdreg.scid  }
0x8b: {  	s0 =	sand.u32 $0x1, s1  }
0x8c: {  	s17 =	sshll.u32 s0, $0xA;
	s2 =	sadd.s32 s3, s2  }
0x8d: {  	s2 =	sadd.s32 s2, s17  }
0x8e: {  	[smem:$0x3FC2] =	sst s2  }
0x8f: {  	_ = 	snop  }
0x90: {  	s2 =	sld [smem:$0x3FD0];
	(tm) =	ssettm $0x1  }
0x91: {  	s18 =	sld [smem:$0x3FFB];
	_ =	sdelay $0x3  }
0x92: {  	_ =	strace s18  }
0x93: {  	s3 =	sld [smem:$0x3FFC];
	_ =	sdelay $0x3  }
0x94: {  	_ =	strace s3  }
0x95: {  	s3 =	sld [smem:$0x3FFD];
	_ =	sdelay $0x3  }
0x96: {  	_ =	strace s3  }
0x97: {  	_ =	strace $0x8FFFFFFF  }
0x98: {  	s19 =	sld [smem:$0x3FDB];
	_ =	sdelay $0x1  }
0x99: {  	s4 =	simm.s32 $_scs_section_size  }
0x9a: {  	s5 =	simm.s32 $_size__tile_overlayer_lowered;
	s6 =	simm.s32 $_tile_overlayer_lowered  }
0x9b: {  	s22 =	simm.s32 $0x1BFF;
	s21 =	sshll.u32 s6, $0x1;
	s3 =	sadd.s32 s4, s19  }
0x9c: {  	s7 =	simm.s32 $0x0;
	s20 =	sshll.u32 s5, $0x1;
	s5 =	sadd.s32 s21, s3  }
0x9d: {  	[timem:s7], [sflag:s22] =	dma.local [hbm:s5], s20  }
0x9e: {  	_ =	swait.ge [sflag:s22], s20  }
0x9f: {  	s4 =	ssub.s32 $0x0, s20;
	[sflag:s22] =	ssyncset.done $0x0  }
0xa0: {  	[sflag:s22] =	ssyncadd.s32 s4;
	_ =	sdelay $0x1  }
0xa1: {  	s23 =	simm.s32 $0x1B8B  }
0xa2: {  	_ =	swait.ge [sflag:s23], $0x1  }
0xa3: {  	[sflag:s23] =	ssyncset.done $0x0  }
0xa4: {  	s25 =	simm.s32 $0x1B8E;
	s24 =	sld [smem:$0x3FFE];
	[sflag:s23] =	ssyncadd.s32 $0xFFFFFFFF  }
0xa5: {  	s26 =	simm.s32 $execute0_lowered;
	[smem:$0x3FD2] =	sst s25  }
0xa6: {  	s5 =	sshll.u32 s26, $0x1;
	_ =	strace $0x80000046;
	[dreg:$0x1] =	wrdreg $0xFFFFFFFF  }
0xa7: {  	s28 =	simm.s32 $_size_execute0_lowered;
	s3 =	sadd.s32 s3, s5;
	[dreg:$0x0] =	wrdreg $0x0  }
0xa8: {  	s5 =	sshll.u32 s28, $0x1;
	[dreg:$0x2] =	wrdreg s3  }
0xa9: {  	[dreg:$0x3] =	wrdreg s5  }
0xaa: {  	[dreg:$0x4] =	wrdreg $0xC0  }
0xab: {  	_ =	task [dreg:s7], $0x5FFFF  }
0xac: {  	[dreg:$0x1] =	wrdreg $0xFFFFFFFF  }
0xad: {  	[dreg:$0x0] =	wrdreg $0x60  }
0xae: {  	[dreg:$0x2] =	wrdreg s24  }
0xaf: {  	[dreg:$0x3] =	wrdreg s2  }
0xb0: {  	[dreg:$0x4] =	wrdreg $0x9  }
0xb1: {  	_ =	task.clear_ibuf [dreg:s7], $0x5FFFF;
	_ =	strace $0x90000046  }
0xb2: {  	s29 =	simm.s32 $0x9;
	_ =	strace $0x80000048  }
0xb3: {  	_ =	swait.ge [sflag:s29], $0x1  }
0xb4: {  	[sflag:s29] =	ssyncadd.s32 $0xFFFFFFFF  }
0xb5: {  	_ =	strace $0x90000048  }
0xb6: {  	_ =	sfence  }
0xb7: {  	s30 =	sld [smem:$0x0];
	_ =	sdelay $0x2  }
0xb8: {  	s31 =	sshll.u32 s1, $0xD;
	s1 =	sshrl.u32 s1, $0x2  }
0xb9: {  	s3 =	sand.u32 $0x4000, s31;
	s1 =	sadd.s32 s1, s30  }
0xba: {  	s0 =	sor.u32 s3, s0;
	s1 =	sshll.u32 s1, $0x11  }
0xbb: {  	s0 =	sor.u32 s1, s0  }
0xbc: {  	s0 =	sadd.s32 $0x8F2B, s0  }
0xbd: {  	[sflag:s0] =	ssyncadd.remote.s32 $0x1  }
0xbe: {  	_ =	sfence.sel $0xFFFF  }
0xbf: {  	[dreg:$0x0] =	wrdreg $0xFFFFFFFF;
	(pc) =	sbr.abs _section_cstart, $3  }
0xc0: {  	[dreg:$0x1] =	wrdreg $0xFFFFFFFF  }
0xc1: {  	_ =	task.clear_ibuf [dreg:s7], $0x2FFFF;
	_ =	strace $0x9FFFFFFF  }
0xc2: {  	(tm) =	ssettm $0x7FFFFFFF  }
0xc3: {  	_ =	shalt  }
tec
execute0_lowered:
.L_overlay_start_1:
0x0: {  	(tag) =	ssettag $0x1  }
0x1: {  	s3 =	rddreg [dreg:$0x0]  }
0x2: {  	s5 =	rddreg [dreg:$0x1]  }
0x3: {  	s0 =	rddreg [dreg:$0x2];
	s2 =	simm.s32 $0x0;
	s4 =	srdreg.scid  }
0x4: {  	s1 =	stileid.u32;
	s11 =	simm.s32 $0x80;
	s12 =	simm.s32 $0x400  }
0x5: {  	s13 =	simm.s32 $0x0;
	s4 =	sand.u32 $0x1, s4;
	s6 =	sshrl.u32 s1, $0x2  }
0x6: {  	s7 =	sshll.u32 s1, $0x8;
	[smem:$0x7FF] =	sst s2;
	s28 =	sadd.s32 $0x2C00, s3  }
0x7: {  	s8 =	sshll.u32 s4, $0x7;
	s7 =	sand.u32 $0x300, s7;
	s9 =	smul.u32 $0x14000, s6  }
0x8: {  	s6 =	smul.u32 $0x13C00, s6;
	s30 =	ssub.s32 $0x2, s4;
	s7 =	sor.u32 s8, s7  }
0x9: {  	_ =	strace $0x80000047;
	s10 =	sshrl.u32 s30, $0x1;
	s8 =	sor.u32 s9, s7  }
0xa: {  	s6 =	sor.u32 s6, s7;
	s10 =	ssub.s32 s30, s10;
	s9 =	simm.s32 $0x4F00  }
0xb: {  	s8 =	sshrl.u32 s8, $0x3;
	s31 =	sadd.s32 $0x4F000, s6;
	s6 =	sshrl.u32 s6, $0x3  }
0xc: {  	s7 =	smax.u32 s10, $0x1;
	s10 =	simm.s32 $0x7700;
	s29 =	sadd.s32 s8, s3  }
0xd: {  	s4 =	sshrl.u32 s31, $0x3;
	s3 =	sadd.s32 s28, s6;
	s5 =	sadd.s32 s5, s8  }
0xe: {  	v0 =	vimm.f32 $0.0e+00;
	v1 =	vimm.f32 $1.000000000e+00;
	s8 =	simm.s32 $0x1;
	s4 =	sadd.s32 s28, s4;
	s6 =	sadd.s32 $0x16800, s29  }
.LBB2_1:
0xf: {  	s14 =	simm.s32 $0x80  }
0x10: {  	s17 =	sadd.s32 $0x0, s3;
	s15 =	simm.s32 $0x100;
	s16 =	simm.s32 $0x0  }
.LBB2_2:
0x11: {  	[tilespmem:s16], [sflag:$0x1] =	stream.linear.gather [hbm4b:s17+s2], $0x80, $0x38;
	[tilespmem:$0x9F00] =	vst v63  }
0x12: {  	s17 =	smov.u32 s14;
	s16 =	smov.u32 s15;
	p0 =	sne.s32 s14, $0x2700  }
.Ltmp0:
0x13: {  	s14 =	sadd.s32 $0x80, s14;
	(pc) =	sbr.rel @p0 .LBB2_2-.Ltmp0, $2  }
0x14: {  	_ =	sdelay $0x2  }
0x15: {  	s15 =	sadd.s32 $0x100, s15;
	s17 =	sadd.s32 s17, s3  }
0x16: {  	[tilespmem:s16], [sflag:$0x1] =	stream.linear.gather [hbm4b:s17+s2], $0x80, $0x38;
	[tilespmem:$0x9F00] =	vst v63  }
0x17: {  	_ =	swait.ge [sflag:s8], $0x2780  }
0x18: {  	s14 =	simm.s32 $0x80;
	s15 =	simm.s32 $0x80;
	[sflag:s8] =	ssyncset.done $0x0  }
0x19: {  	s17 =	sadd.s32 $0x0, s4;
	s16 =	simm.s32 $0x180;
	[sflag:s8] =	ssyncadd.s32 $0xFFFFD880  }
.LBB2_4:
0x1a: {  	[tilespmem:s14], [sflag:$0x1] =	stream.linear.gather [hbm4b:s17+s2], $0x80, $0x38;
	[tilespmem:$0x9F00] =	vst v63  }
0x1b: {  	s17 =	smov.u32 s15;
	s14 =	smov.u32 s16;
	p0 =	sne.s32 s15, $0x2700  }
.Ltmp1:
0x1c: {  	s15 =	sadd.s32 $0x80, s15;
	(pc) =	sbr.rel @p0 .LBB2_4-.Ltmp1, $2  }
0x1d: {  	_ =	sdelay $0x2  }
0x1e: {  	s16 =	sadd.s32 $0x100, s16;
	s17 =	sadd.s32 s17, s4  }
0x1f: {  	[tilespmem:s14], [sflag:$0x1] =	stream.linear.gather [hbm4b:s17+s2], $0x80, $0x38;
	[tilespmem:$0x9F00] =	vst v63  }
0x20: {  	_ =	swait.ge [sflag:s8], $0x2780  }
0x21: {  	s14 =	simm.s32 $0x0;
	[sflag:s8] =	ssyncset.done $0x0  }
0x22: {  	s15 =	simm.s32 $0x40;
	s16 =	simm.s32 $0x0;
	[sflag:s8] =	ssyncadd.s32 $0xFFFFD880  }
.LBB2_6:
0x23: {  	p0 =	sne.s32 s15, $0x9FC0;
	[tilespmem:s16+$0x4F00] =	vst v0;
	s17 =	smov.u32 s15;
	s15 =	sadd.s32 $0x40, s15  }
.Ltmp2:
0x24: {  	[tilespmem:s16+$0x7700] =	vst v0;
	(pc) =	sbr.rel @p0 .LBB2_6-.Ltmp2, $2  }
0x25: {  	_ =	sdelay $0x2  }
0x26: {  	s16 =	sshra.s32 s17, $0x2  }
0x27: {  	[tilespmem:s16+$0x4F00] =	vst v0;
	s15 =	sand.u32 $0x70, s14;
	s30 =	sand.u32 $0x7F00, s14  }
0x28: {  	[tilespmem:s16+$0x7700] =	vst v0;
	s15 =	sor.u32 s15, s30  }
0x29: {  	v2 =	vld [tilespmem:s15+$0x0];
	_ =	sdelay $0x7  }
0x2a: {  	[tilespmem:v2+s9+$0x0] =	vst.idx.add.f32.msk $0xffff, v1  }
0x2b: {  	v2 =	vld [tilespmem:s15+$0x80];
	_ =	sdelay $0x5  }
0x2c: {  	s31 =	simm.s32 $0x10;
	s14 =	simm.s32 $0x20  }
0x2d: {  	s16 =	sand.u32 $0x70, s31;
	s17 =	sand.u32 $0x7F00, s14;
	s15 =	simm.s32 $0x20  }
.LBB2_8:
0x2e: {  	p0 =	sne.s32 s15, $0x2700;
	s16 =	sor.u32 s16, s17;
	[tilespmem:v2+s10+$0x0] =	vst.idx.add.f32.msk $0xffff, v1  }
0x2f: {  	v2 =	vld [tilespmem:s16+$0x0];
	_ =	sdelay $0x7  }
0x30: {  	[tilespmem:v2+s9+$0x0] =	vst.idx.add.f32.msk $0xffff, v1  }
0x31: {  	v2 =	vld [tilespmem:s16+$0x80];
	_ =	sdelay $0x2  }
.Ltmp3:
0x32: {  	(pc) =	sbr.rel @p0 .LBB2_8-.Ltmp3, $3  }
0x33: {  	_ =	sdelay $0x1  }
0x34: {  	s14 =	sadd.s32 $0x20, s14  }
0x35: {  	s17 =	sand.u32 $0x7F00, s14;
	s16 =	sand.u32 $0x70, s15;
	s15 =	sadd.s32 $0x10, s15  }
0x36: {  	_ =	sdelay $0x3  }
0x37: {  	s14 =	sor.u32 s16, s17;
	[tilespmem:v2+s10+$0x0] =	vst.idx.add.f32.msk $0xffff, v1  }
0x38: {  	v2 =	vld [tilespmem:s14+$0x0];
	_ =	sdelay $0x7  }
0x39: {  	[tilespmem:v2+s9+$0x0] =	vst.idx.add.f32.msk $0xffff, v1  }
0x3a: {  	v2 =	vld [tilespmem:s14+$0x80];
	_ =	sdelay $0x7  }
0x3b: {  	[tilespmem:v2+s10+$0x0] =	vst.idx.add.f32.msk $0xffff, v1  }
0x3c: {  	[hbm4b:s5+s11] =	stream.strided.scatter [tilespmem:s9], [sflag:$0x1], $0x2800, s12, s11, $0x38;
	[tilespmem:$0x9F00] =	vst v63  }
0x3d: {  	s13 =	sadd.s32 $0x1, s13;
	_ =	swait.ge [sflag:s8], $0x2800  }
0x3e: {  	p0 =	sne.s32 s13, s7;
	[sflag:s8] =	ssyncset.done $0x0  }
.Ltmp4:
0x3f: {  	[sflag:s8] =	ssyncadd.s32 $0xFFFFD800;
	(pc) =	sbr.rel @p0 .LBB2_1-.Ltmp4, $4  }
0x40: {  	[hbm4b:s6+s11] =	stream.strided.scatter [tilespmem:s10], [sflag:$0x1], $0x2800, s12, s11, $0x38;
	[tilespmem:$0x9F00] =	vst v63  }
0x41: {  	_ =	swait.ge [sflag:s8], $0x2800  }
0x42: {  	[sflag:s8] =	ssyncset.done $0x0  }
0x43: {  	[sflag:s8] =	ssyncadd.s32 $0xFFFFD800  }
0x44: {  	_ =	sfence.sel $0x180000  }
0x45: {  	[bflag:$0x0] =	sbarrier.arrive $0xFFFF  }
0x46: {  	p0 =	sne.s32 s1, $0x0;
	_ =	strace $0x90000047  }
0x47: {  	s0 =	sadd.s32 @!p0 $0x100000, s0;
	[bflag:$0x2] =	sbarrier.arrive $0xFFFF  }
0x48: {  	[sflag:s0] =	ssyncadd.tile.s32 @!p0 $0x1;
	_ =	shalt  }
.Lfunc_end2:
_tile_overlayer_lowered:
.L_overlay_start_2:
0x49: {  	(tag) =	ssettag $0x2  }
0x4a: {  	s0 =	rddreg [dreg:$0x0];
	s2 =	stileid.u32  }
0x4b: {  	s1 =	rddreg [dreg:$0x1];
	p0 =	sne.s32 s2, $0x0  }
0x4c: {  	s3 =	rddreg [dreg:$0x2];
	[bflag:$0x3] =	sbarrier.arrive $0xFFFF;
	s2 =	simm.s32 @!p0 $0x1C01  }
0x4d: {  	[timem:s3], [sflag:s2] =	dma.local @!p0 [hbm:s0], s1  }
0x4e: {  	s0 =	simm.s32 @!p0 $0x1  }
0x4f: {  	_ =	swait.ge @!p0 [sflag:s0], s1  }
0x50: {  	s1 =	ssub.s32 @!p0 $0x0, s1;
	[sflag:s0] =	ssyncset.done @!p0 $0x0  }
0x51: {  	[sflag:s0] =	ssyncadd.s32 @!p0 s1  }
0x52: {  	[bflag:$0x3] =	sbarrier.arrive $0xFFFF  }
0x53: {  	_ =	shalt  }

</sc_bundles>
